<compile_context>
chip_gen: v7x
topology: tpu7x:2x2x1
jax: 0.10.2.dev20260603
libtpu: 0.0.44.dev20260713+nightly
codegen_flags: <defaults>
</compile_context>

<pallas_src>
import dataclasses
import functools

import jax
import jax.numpy as jnp
from jax import lax
from jax.experimental import pallas as pl
from jax.experimental.pallas import tpu as pltpu
from jax.experimental.pallas import tpu_sc as plsc

LANES = 16
E_CHUNK = 80
N_WORKERS = 32
NEG_SLOPE = 0.2
ROW_BLK = 1024
TAB_W = 128
ACC_W = 80


def _pre_body(node_ref, wl_ref, wr_ref, wlin_ref, att_ref, blin_ref,
              tab_ref, tabr_ref, lin_ref, snum_ref, sden_ref):
    n = node_ref[...]
    xl = jnp.dot(n, wl_ref[...], preferred_element_type=jnp.float32)
    xr = jnp.dot(n, wr_ref[...], preferred_element_type=jnp.float32)
    lin = jnp.dot(n, wlin_ref[...], preferred_element_type=jnp.float32)
    tab_ref[...] = xl
    tabr_ref[...] = xr
    lin_ref[...] = lin + blin_ref[...]
    t = xl + xr
    leaky = jnp.maximum(t, NEG_SLOPE * t)
    w = jnp.exp(jnp.sum(leaky * att_ref[...], axis=1, keepdims=True))
    snum_ref[...] = xl * w
    sden_ref[...] = w


def _post_body(acc0_ref, acc1_ref, snum_ref, sden_ref, lin_ref, bias_ref,
               out_ref):
    out_ch = out_ref.shape[1]
    a0 = acc0_ref[...]
    a1 = acc1_ref[...]
    num = a0[:, :out_ch] + a1[:, :out_ch] + snum_ref[...]
    den = (a0[:, out_ch:out_ch + 1] + a1[:, out_ch:out_ch + 1]
           + sden_ref[...] + 1e-16)
    out_ref[...] = jnp.maximum(num / den + bias_ref[...] + lin_ref[...], 0.0)


def _make_sc_kernel(n_pad, n_acc, out_ch, chunks_per_worker):
    rows_per_sub = n_acc // 16
    cregs = out_ch // LANES

    def body(tab_hbm, tabr_hbm, ei_hbm, att_hbm, acc_out,
             i0, i1, sd0, sd1,
             a0, b0, a1, b1, msg0, msg1, att_v, lg_v, w_v, acc_sh,
             isem0, isem1, ssem0, ssem1):
        cid = lax.axis_index("c")
        sid = lax.axis_index("s")
        zero16 = jnp.zeros((LANES,), jnp.float32)
        lane0 = jnp.arange(LANES) == 0
        n_chunks = chunks_per_worker * N_WORKERS

        @pl.loop(0, E_CHUNK)
        def _(i):
            for c in range(ACC_W // LANES):
                msg0[i, pl.ds(c * LANES, LANES)] = zero16
            for c in range(ACC_W // LANES):
                msg1[i, pl.ds(c * LANES, LANES)] = zero16

        row0 = sid * rows_per_sub
        full_chunks = (rows_per_sub // E_CHUNK) * E_CHUNK
        tail = rows_per_sub - full_chunks

        @pl.loop(0, full_chunks, step=E_CHUNK)
        def _(r):
            pltpu.sync_copy(msg0, acc_sh.at[pl.ds(row0 + r, E_CHUNK)])
        if tail:
            pltpu.sync_copy(msg0.at[pl.ds(0, tail)],
                            acc_sh.at[pl.ds(row0 + full_chunks, tail)])

        pltpu.sync_copy(att_hbm, att_v)
        plsc.subcore_barrier()

        att_regs = [att_v[pl.ds(c * LANES, LANES)] for c in range(cregs)]
        wid = cid * 16 + sid
        cbase = wid * chunks_per_worker

        def issue_idx(t, ibuf, isem):
            ci = jnp.minimum(cbase + t, n_chunks - 1)
            pltpu.async_copy(ei_hbm.at[ci], ibuf, isem)

        def wait_idx(ibuf, isem):
            pltpu.make_async_copy(ei_hbm.at[0], ibuf, isem).wait()

        def issue_gathers(ibuf, a, b, isem):
            pltpu.async_copy(tab_hbm.at[ibuf.at[0]], a, isem)
            pltpu.async_copy(tabr_hbm.at[ibuf.at[1]], b, isem)

        def wait_gathers(ibuf, a, b, isem):
            pltpu.make_async_copy(tab_hbm.at[ibuf.at[0]], a, isem).wait()
            pltpu.make_async_copy(tabr_hbm.at[ibuf.at[1]], b, isem).wait()

        def wait_scatter(sd, msg, ssem):
            pltpu.make_async_copy(msg, acc_sh.at[sd], ssem).wait()

        def pass_a(a_v, b_v):
            @plsc.parallel_loop(0, E_CHUNK, 1, unroll=8)
            def _(e):
                s = None
                for c in range(cregs):
                    sl = pl.ds(c * LANES, LANES)
                    t_ = a_v[e, sl] + b_v[e, sl]
                    l_ = jnp.maximum(t_, NEG_SLOPE * t_) * att_regs[c]
                    s = l_ if s is None else s + l_
                logit = jnp.sum(s)
                eidx = jnp.full((LANES,), e, jnp.int32)
                plsc.store_scatter(lg_v, [eidx], zero16 + logit, mask=lane0)

            @pl.loop(0, E_CHUNK, step=LANES)
            def _(j):
                w_v[pl.ds(j, LANES)] = jnp.exp(lg_v[pl.ds(j, LANES)])

        def pass_b(a_v, msg_v):
            @plsc.parallel_loop(0, E_CHUNK, 1, unroll=8)
            def _(e):
                eidx = jnp.full((LANES,), e, jnp.int32)
                wb = plsc.load_gather(w_v, [eidx])
                for c in range(cregs):
                    sl = pl.ds(c * LANES, LANES)
                    msg_v[e, sl] = a_v[e, sl] * wb
                msg_v[e, pl.ds(out_ch, LANES)] = wb

        def stash_didx(ibuf, sd):
            @pl.loop(0, E_CHUNK, step=LANES)
            def _(j):
                sd[pl.ds(j, LANES)] = ibuf[1, pl.ds(j, LANES)]

        issue_idx(0, i0, isem0)
        issue_idx(1, i1, isem1)
        wait_idx(i0, isem0)
        issue_gathers(i0, a0, b0, isem0)

        @pl.loop(0, chunks_per_worker, step=2)
        def _(t):
            wait_idx(i1, isem1)
            wait_gathers(i0, a0, b0, isem0)
            issue_gathers(i1, a1, b1, isem1)

            stash_didx(i0, sd0)
            issue_idx(t + 2, i0, isem0)
            pass_a(a0, b0)
            @pl.when(t > 0)
            def _():
                wait_scatter(sd0, msg0, ssem0)
            pass_b(a0, msg0)
            pltpu.async_copy(msg0, acc_sh.at[sd0], ssem0, add=True)

            wait_gathers(i1, a1, b1, isem1)
            stash_didx(i1, sd1)
            issue_idx(t + 3, i1, isem1)
            pass_a(a1, b1)
            @pl.when(t > 0)
            def _():
                wait_scatter(sd1, msg1, ssem1)
            pass_b(a1, msg1)
            pltpu.async_copy(msg1, acc_sh.at[sd1], ssem1, add=True)

            wait_idx(i0, isem0)
            issue_gathers(i0, a0, b0, isem0)

        wait_gathers(i0, a0, b0, isem0)
        wait_idx(i1, isem1)
        wait_scatter(sd0, msg0, ssem0)
        wait_scatter(sd1, msg1, ssem1)

        plsc.subcore_barrier()
        pltpu.sync_copy(acc_sh.at[pl.ds(row0, rows_per_sub)],
                        acc_out.at[cid].at[pl.ds(row0, rows_per_sub)])

    mesh = plsc.VectorSubcoreMesh(core_axis_name="c", subcore_axis_name="s")
    cp = pltpu.CompilerParams(use_tc_tiling_on_sc=False)
    if "needs_layout_passes" in pltpu.CompilerParams.__dataclass_fields__:
        cp = dataclasses.replace(cp, needs_layout_passes=False)
    return pl.kernel(
        body,
        compiler_params=cp,
        out_type=jax.ShapeDtypeStruct((2, n_pad, ACC_W), jnp.float32),
        mesh=mesh,
        scratch_types=[
            pltpu.VMEM((2, E_CHUNK), jnp.int32),
            pltpu.VMEM((2, E_CHUNK), jnp.int32),
            pltpu.VMEM((E_CHUNK,), jnp.int32),
            pltpu.VMEM((E_CHUNK,), jnp.int32),
            pltpu.VMEM((E_CHUNK, out_ch), jnp.float32),
            pltpu.VMEM((E_CHUNK, out_ch), jnp.float32),
            pltpu.VMEM((E_CHUNK, out_ch), jnp.float32),
            pltpu.VMEM((E_CHUNK, out_ch), jnp.float32),
            pltpu.VMEM((E_CHUNK, ACC_W), jnp.float32),
            pltpu.VMEM((E_CHUNK, ACC_W), jnp.float32),
            pltpu.VMEM((out_ch,), jnp.float32),
            pltpu.VMEM((E_CHUNK,), jnp.float32),
            pltpu.VMEM((E_CHUNK,), jnp.float32),
            pltpu.VMEM_SHARED((n_acc, ACC_W), jnp.float32),
            pltpu.SemaphoreType.DMA,
            pltpu.SemaphoreType.DMA,
            pltpu.SemaphoreType.DMA,
            pltpu.SemaphoreType.DMA,
        ],
    )


def kernel(node, edge_index, W_l, W_r, att, bias_gnn, W_lin, b_lin):
    n, in_ch = node.shape
    out_ch = W_l.shape[0]
    e = edge_index.shape[1]

    grain = 2 * N_WORKERS * E_CHUNK
    e_pad = ((e + grain - 1) // grain) * grain
    chunks_per_worker = e_pad // (N_WORKERS * E_CHUNK)
    n_pad = ((max(n + 1, ROW_BLK) + (16 * E_CHUNK) - 1)
             // (16 * E_CHUNK)) * (16 * E_CHUNK)
    n_acc = ((n + 1 + 16 * 8 - 1) // (16 * 8)) * (16 * 8)

    node_pad = jnp.concatenate(
        [node, jnp.zeros((n_pad - n, in_ch), jnp.float32)], axis=0)
    src = edge_index[0].astype(jnp.int32)
    dst = edge_index[1].astype(jnp.int32)
    pad = e_pad - e
    src_p = jnp.concatenate([src, jnp.zeros((pad,), jnp.int32)])
    dst_p = jnp.concatenate([dst, jnp.full((pad,), n, jnp.int32)])

    att2 = att.reshape(1, out_ch)
    blin2 = b_lin.reshape(1, out_ch)
    bias2 = bias_gnn.reshape(1, out_ch)

    grid = (n_pad // ROW_BLK,)
    row_spec = pl.BlockSpec((ROW_BLK, out_ch), lambda i: (i, 0))
    one_spec = pl.BlockSpec((ROW_BLK, 1), lambda i: (i, 0))
    wide_spec = pl.BlockSpec((ROW_BLK, ACC_W), lambda i: (i, 0))
    full_spec = lambda r, c: pl.BlockSpec((r, c), lambda i: (0, 0))

    tab, tabr, lin, snum, sden = pl.pallas_call(
        _pre_body,
        grid=grid,
        in_specs=[
            pl.BlockSpec((ROW_BLK, in_ch), lambda i: (i, 0)),
            full_spec(in_ch, out_ch),
            full_spec(in_ch, out_ch),
            full_spec(in_ch, out_ch),
            full_spec(1, out_ch),
            full_spec(1, out_ch),
        ],
        out_specs=[row_spec, row_spec, row_spec, row_spec, one_spec],
        out_shape=[
            jax.ShapeDtypeStruct((n_pad, out_ch), jnp.float32),
            jax.ShapeDtypeStruct((n_pad, out_ch), jnp.float32),
            jax.ShapeDtypeStruct((n_pad, out_ch), jnp.float32),
            jax.ShapeDtypeStruct((n_pad, out_ch), jnp.float32),
            jax.ShapeDtypeStruct((n_pad, 1), jnp.float32),
        ],
    )(node_pad, W_l.T, W_r.T, W_lin.T, att2, blin2)

    n_chunks_tot = e_pad // E_CHUNK
    ei_pad = jnp.stack([src_p.reshape(n_chunks_tot, E_CHUNK),
                        dst_p.reshape(n_chunks_tot, E_CHUNK)], axis=1)
    edge_fn = _make_sc_kernel(n_pad, n_acc, out_ch, chunks_per_worker)
    acc_all = edge_fn(tab, tabr, ei_pad, att)

    out = pl.pallas_call(
        _post_body,
        grid=grid,
        in_specs=[wide_spec, wide_spec, row_spec, one_spec, row_spec,
                  full_spec(1, out_ch)],
        out_specs=row_spec,
        out_shape=jax.ShapeDtypeStruct((n_pad, out_ch), jnp.float32),
    )(acc_all[0], acc_all[1], snum, sden, lin, bias2)

    return out[:n]

# --- scband reference (transcript-rebuilt; emitter-appended) ---
"""Pipeline reference for scband-gnnblock-14259291422995 (READ-ONLY COPY).

The authoritative reference and input builder live on the scoring server;
editing this copy changes nothing except your own understanding.
"""

import jax, jax.numpy as jnp
import numpy as np

IN_CH = 128
OUT_CH = 64
N_NODES = 10000
N_EDGES = 320000


def setup_inputs(seed: int = 0) -> dict:
    key = jax.random.key(seed)
    ks = jax.random.split(key, 8)
    node = jax.random.normal(ks[0], (N_NODES, IN_CH), dtype=jnp.float32)
    edge_index = jax.random.randint(ks[1], (2, N_EDGES), 0, N_NODES, dtype=jnp.int64)
    s = 1.0 / np.sqrt(IN_CH)
    W_l = jax.random.uniform(ks[2], (OUT_CH, IN_CH), minval=-s, maxval=s, dtype=jnp.float32)
    W_r = jax.random.uniform(ks[3], (OUT_CH, IN_CH), minval=-s, maxval=s, dtype=jnp.float32)
    att = jax.random.uniform(ks[4], (OUT_CH,), minval=-s, maxval=s, dtype=jnp.float32)
    bias_gnn = jnp.zeros((OUT_CH,), dtype=jnp.float32)
    W_lin = jax.random.uniform(ks[5], (OUT_CH, IN_CH), minval=-s, maxval=s, dtype=jnp.float32)
    b_lin = jnp.zeros((OUT_CH,), dtype=jnp.float32)
    return {"node": node, "edge_index": edge_index, "W_l": W_l, "W_r": W_r,
            "att": att, "bias_gnn": bias_gnn, "W_lin": W_lin, "b_lin": b_lin}


def reference(node, edge_index, W_l, W_r, att, bias_gnn, W_lin, b_lin):
    N = node.shape[0]
    # add self loops (add_self_loops=True)
    loop = jnp.arange(N, dtype=edge_index.dtype)
    ei = jnp.concatenate([edge_index, jnp.stack([loop, loop])], axis=1)
    src, dst = ei[0], ei[1]
    # GATv2Conv, heads=1: lin_l on source, lin_r on target
    x_l = node @ W_l.T  # [N, C]
    x_r = node @ W_r.T  # [N, C]
    e = x_l[src] + x_r[dst]                 # gather per edge
    e = jax.nn.leaky_relu(e, negative_slope=0.2)
    logits = e @ att                         # [E]
    # softmax over incoming edges of each dst node
    seg_max = jax.ops.segment_max(logits, dst, num_segments=N)
    logits = logits - seg_max[dst]
    ex = jnp.exp(logits)
    denom = jax.ops.segment_sum(ex, dst, num_segments=N)
    alpha = ex / (denom[dst] + 1e-16)
    msg = x_l[src] * alpha[:, None]
    gnn_out = jax.ops.segment_sum(msg, dst, num_segments=N) + bias_gnn
    lin_out = node @ W_lin.T + b_lin
    return jax.nn.relu(gnn_out + lin_out)

if __name__ == "__main__":
    import jax
    _d = setup_inputs()
    print(jax.jit(kernel)(*tuple(_d.values())))

</pallas_src>

<mosaic_0001>
#map = affine_map<(d0, d1) -> (0, 0)>
#map1 = affine_map<(d0, d1) -> (0, 0, 0)>
#map2 = affine_map<(d0, d1) -> (0)>
module attributes {stable_mosaic.version = 14 : i64} {
  func.func @body(%arg0: i32, %arg1: i32, %arg2: memref<10240x64xf32, #tpu.memory_space<hbm>>, %arg3: memref<10240x64xf32, #tpu.memory_space<hbm>>, %arg4: memref<4032x2x80xi32, #tpu.memory_space<hbm>>, %arg5: memref<64xf32, #tpu.memory_space<hbm>>, %arg6: memref<2x10240x80xf32, #tpu.memory_space<hbm>>, %arg7: memref<2x80xi32, #tpu.memory_space<vmem>>, %arg8: memref<2x80xi32, #tpu.memory_space<vmem>>, %arg9: memref<80xi32, #tpu.memory_space<vmem>>, %arg10: memref<80xi32, #tpu.memory_space<vmem>>, %arg11: memref<80x64xf32, #tpu.memory_space<vmem>>, %arg12: memref<80x64xf32, #tpu.memory_space<vmem>>, %arg13: memref<80x64xf32, #tpu.memory_space<vmem>>, %arg14: memref<80x64xf32, #tpu.memory_space<vmem>>, %arg15: memref<80x80xf32, #tpu.memory_space<vmem>>, %arg16: memref<80x80xf32, #tpu.memory_space<vmem>>, %arg17: memref<64xf32, #tpu.memory_space<vmem>>, %arg18: memref<80xf32, #tpu.memory_space<vmem>>, %arg19: memref<80xf32, #tpu.memory_space<vmem>>, %arg20: memref<10112x80xf32, #tpu.memory_space<vmem_shared>>, %arg21: memref<!tpu.dma_semaphore, #tpu.memory_space<semaphore_mem>>, %arg22: memref<!tpu.dma_semaphore, #tpu.memory_space<semaphore_mem>>, %arg23: memref<!tpu.dma_semaphore, #tpu.memory_space<semaphore_mem>>, %arg24: memref<!tpu.dma_semaphore, #tpu.memory_space<semaphore_mem>>) attributes {dimension_semantics = [#tpu.dimension_semantics<core_parallel>, #tpu.dimension_semantics<subcore_parallel>], iteration_bounds = array<i64: 2, 16>, scalar_prefetch = 0 : i64, scratch_operands = 18 : i64, tpu.core_type = #tpu.core_type<sc_vector_subcore>, window_params = [{transform_indices = #map}, {transform_indices = #map}, {transform_indices = #map1}, {transform_indices = #map2}, {transform_indices = #map1}]} {
    %broadcast_in_dim3A = arith.constant 0.000000e+00 : f32
    %broadcast_in_dim3A_0 = vector.broadcast %broadcast_in_dim3A : f32 to vector<16xf32>
    %iota3A = tpu.iota {dimensions = array<i32: 0>} : vector<16xi32>
    %eq3A = arith.constant 0 : i32
    %eq3A_1 = vector.broadcast %eq3A : i32 to vector<16xi32>
    %eq3A_2 = arith.cmpi eq, %iota3A, %eq3A_1 : vector<16xi32>
    %scan3A = arith.constant 0 : i32
    %scan3A_3 = arith.constant 80 : i32
    %scan3A_4 = arith.addi %scan3A, %scan3A_3 : i32
    %scan3A_5 = arith.constant 1 : i32
    scf.for %scan3A_105 = %scan3A to %scan3A_4 step %scan3A_5  : i32 {
      %mul3A_106 = arith.constant 1 : i32
      %mul3A_107 = arith.muli %scan3A_105, %mul3A_106 : i32
      %add3A_108 = arith.constant 0 : i32
      %add3A_109 = arith.addi %add3A_108, %mul3A_107 : i32
      %swap3A = arith.index_cast %add3A_109 : i32 to index
      %swap3A_110 = arith.constant 0 : index
      %swap3A_111 = tpu.vector_load %arg15[%swap3A, %swap3A_110] {strides = array<i32>} : memref<80x80xf32, #tpu.memory_space<vmem>>, vector<16xf32>,
      tpu.vector_store %arg15[%swap3A, %swap3A_110], %broadcast_in_dim3A_0 {strides = array<i32>} : memref<80x80xf32, #tpu.memory_space<vmem>>, vector<16xf32>,
      %swap3A_112 = arith.index_cast %add3A_109 : i32 to index
      %swap3A_113 = arith.constant 16 : index
      %swap3A_114 = tpu.vector_load %arg15[%swap3A_112, %swap3A_113] {strides = array<i32>} : memref<80x80xf32, #tpu.memory_space<vmem>>, vector<16xf32>,
      tpu.vector_store %arg15[%swap3A_112, %swap3A_113], %broadcast_in_dim3A_0 {strides = array<i32>} : memref<80x80xf32, #tpu.memory_space<vmem>>, vector<16xf32>,
      %swap3A_115 = arith.index_cast %add3A_109 : i32 to index
      %swap3A_116 = arith.constant 32 : index
      %swap3A_117 = tpu.vector_load %arg15[%swap3A_115, %swap3A_116] {strides = array<i32>} : memref<80x80xf32, #tpu.memory_space<vmem>>, vector<16xf32>,
      tpu.vector_store %arg15[%swap3A_115, %swap3A_116], %broadcast_in_dim3A_0 {strides = array<i32>} : memref<80x80xf32, #tpu.memory_space<vmem>>, vector<16xf32>,
      %swap3A_118 = arith.index_cast %add3A_109 : i32 to index
      %swap3A_119 = arith.constant 48 : index
      %swap3A_120 = tpu.vector_load %arg15[%swap3A_118, %swap3A_119] {strides = array<i32>} : memref<80x80xf32, #tpu.memory_space<vmem>>, vector<16xf32>,
      tpu.vector_store %arg15[%swap3A_118, %swap3A_119], %broadcast_in_dim3A_0 {strides = array<i32>} : memref<80x80xf32, #tpu.memory_space<vmem>>, vector<16xf32>,
      %swap3A_121 = arith.index_cast %add3A_109 : i32 to index
      %swap3A_122 = arith.constant 64 : index
      %swap3A_123 = tpu.vector_load %arg15[%swap3A_121, %swap3A_122] {strides = array<i32>} : memref<80x80xf32, #tpu.memory_space<vmem>>, vector<16xf32>,
      tpu.vector_store %arg15[%swap3A_121, %swap3A_122], %broadcast_in_dim3A_0 {strides = array<i32>} : memref<80x80xf32, #tpu.memory_space<vmem>>, vector<16xf32>,
      %swap3A_124 = arith.index_cast %add3A_109 : i32 to index
      %swap3A_125 = arith.constant 0 : index
      %swap3A_126 = tpu.vector_load %arg16[%swap3A_124, %swap3A_125] {strides = array<i32>} : memref<80x80xf32, #tpu.memory_space<vmem>>, vector<16xf32>,
      tpu.vector_store %arg16[%swap3A_124, %swap3A_125], %broadcast_in_dim3A_0 {strides = array<i32>} : memref<80x80xf32, #tpu.memory_space<vmem>>, vector<16xf32>,
      %swap3A_127 = arith.index_cast %add3A_109 : i32 to index
      %swap3A_128 = arith.constant 16 : index
      %swap3A_129 = tpu.vector_load %arg16[%swap3A_127, %swap3A_128] {strides = array<i32>} : memref<80x80xf32, #tpu.memory_space<vmem>>, vector<16xf32>,
      tpu.vector_store %arg16[%swap3A_127, %swap3A_128], %broadcast_in_dim3A_0 {strides = array<i32>} : memref<80x80xf32, #tpu.memory_space<vmem>>, vector<16xf32>,
      %swap3A_130 = arith.index_cast %add3A_109 : i32 to index
      %swap3A_131 = arith.constant 32 : index
      %swap3A_132 = tpu.vector_load %arg16[%swap3A_130, %swap3A_131] {strides = array<i32>} : memref<80x80xf32, #tpu.memory_space<vmem>>, vector<16xf32>,
      tpu.vector_store %arg16[%swap3A_130, %swap3A_131], %broadcast_in_dim3A_0 {strides = array<i32>} : memref<80x80xf32, #tpu.memory_space<vmem>>, vector<16xf32>,
      %swap3A_133 = arith.index_cast %add3A_109 : i32 to index
      %swap3A_134 = arith.constant 48 : index
      %swap3A_135 = tpu.vector_load %arg16[%swap3A_133, %swap3A_134] {strides = array<i32>} : memref<80x80xf32, #tpu.memory_space<vmem>>, vector<16xf32>,
      tpu.vector_store %arg16[%swap3A_133, %swap3A_134], %broadcast_in_dim3A_0 {strides = array<i32>} : memref<80x80xf32, #tpu.memory_space<vmem>>, vector<16xf32>,
      %swap3A_136 = arith.index_cast %add3A_109 : i32 to index
      %swap3A_137 = arith.constant 64 : index
      %swap3A_138 = tpu.vector_load %arg16[%swap3A_136, %swap3A_137] {strides = array<i32>} : memref<80x80xf32, #tpu.memory_space<vmem>>, vector<16xf32>,
      tpu.vector_store %arg16[%swap3A_136, %swap3A_137], %broadcast_in_dim3A_0 {strides = array<i32>} : memref<80x80xf32, #tpu.memory_space<vmem>>, vector<16xf32>,
    }
    %scan3A_6 = arith.constant 80 : i32
    %mul3A = arith.constant 632 : i32
    %mul3A_7 = arith.muli %arg1, %mul3A : i32
    %scan3A_8 = arith.constant 0 : i32
    %scan3A_9 = arith.constant 7 : i32
    %scan3A_10 = arith.addi %scan3A_8, %scan3A_9 : i32
    %scan3A_11 = arith.constant 1 : i32
    scf.for %scan3A_105 = %scan3A_8 to %scan3A_10 step %scan3A_11  : i32 {
      %mul3A_106 = arith.constant 80 : i32
      %mul3A_107 = arith.muli %scan3A_105, %mul3A_106 : i32
      %add3A_108 = arith.constant 0 : i32
      %add3A_109 = arith.addi %add3A_108, %mul3A_107 : i32
      %add3A_110 = arith.addi %mul3A_7, %add3A_109 : i32
      "tpu.region"() ({
        %run_scoped3A = tpu.sem_alloc : memref<!tpu.dma_semaphore, #tpu.memory_space<semaphore_mem>>
        %dma_start3A_111 = arith.constant 0 : i32
        %dma_start3A_112 = tpu.memref_slice %arg20[%add3A_110, %dma_start3A_111] : memref<10112x80xf32, #tpu.memory_space<vmem_shared>> -> memref<80x80xf32, #tpu.memory_space<vmem_shared>>
        %dma_start3A_113 = arith.constant 0 : i32
        %dma_start3A_114 = tpu.memref_slice %arg20[%add3A_110, %dma_start3A_113] : memref<10112x80xf32, #tpu.memory_space<vmem_shared>> -> memref<80x80xf32, #tpu.memory_space<vmem_shared>>
        tpu.enqueue_dma source(%arg15 : memref<80x80xf32, #tpu.memory_space<vmem>>) target(%dma_start3A_114 : memref<80x80xf32, #tpu.memory_space<vmem_shared>>) target_semaphore(%run_scoped3A : memref<!tpu.dma_semaphore, #tpu.memory_space<semaphore_mem>>)
        %dma_wait3A_115 = arith.constant 0 : i32
        %dma_wait3A_116 = tpu.memref_slice %arg20[%add3A_110, %dma_wait3A_115] : memref<10112x80xf32, #tpu.memory_space<vmem_shared>> -> memref<80x80xf32, #tpu.memory_space<vmem_shared>>
        %dma_wait3A_117 = arith.constant 0 : i32
        %dma_wait3A_118 = tpu.memref_slice %arg20[%add3A_110, %dma_wait3A_117] : memref<10112x80xf32, #tpu.memory_space<vmem_shared>> -> memref<80x80xf32, #tpu.memory_space<vmem_shared>>
        tpu.wait_dma2 semaphore(%run_scoped3A : memref<!tpu.dma_semaphore, #tpu.memory_space<semaphore_mem>>) src(%arg15 : memref<80x80xf32, #tpu.memory_space<vmem>>) dst(%dma_wait3A_118 : memref<80x80xf32, #tpu.memory_space<vmem_shared>>)
        tpu.yield
      }) : () -> ()
    }
    %scan3A_12 = arith.constant 7 : i32
    %add3A = arith.constant 560 : i32
    %add3A_13 = arith.addi %mul3A_7, %add3A : i32
    "tpu.region"() ({
      %run_scoped3A = tpu.sem_alloc : memref<!tpu.dma_semaphore, #tpu.memory_space<semaphore_mem>>
      %dma_start3A_105 = arith.constant 0 : i32
      %dma_start3A_106 = arith.constant 0 : i32
      %dma_start3A_107 = tpu.memref_slice %arg15[%dma_start3A_105, %dma_start3A_106] : memref<80x80xf32, #tpu.memory_space<vmem>> -> memref<72x80xf32, #tpu.memory_space<vmem>>
      %dma_start3A_108 = arith.constant 0 : i32
      %dma_start3A_109 = tpu.memref_slice %arg20[%add3A_13, %dma_start3A_108] : memref<10112x80xf32, #tpu.memory_space<vmem_shared>> -> memref<72x80xf32, #tpu.memory_space<vmem_shared>>
      %dma_start3A_110 = arith.constant 0 : i32
      %dma_start3A_111 = tpu.memref_slice %arg20[%add3A_13, %dma_start3A_110] : memref<10112x80xf32, #tpu.memory_space<vmem_shared>> -> memref<72x80xf32, #tpu.memory_space<vmem_shared>>
      %dma_start3A_112 = arith.constant 0 : i32
      %dma_start3A_113 = arith.constant 0 : i32
      %dma_start3A_114 = tpu.memref_slice %arg15[%dma_start3A_112, %dma_start3A_113] : memref<80x80xf32, #tpu.memory_space<vmem>> -> memref<72x80xf32, #tpu.memory_space<vmem>>
      tpu.enqueue_dma source(%dma_start3A_114 : memref<72x80xf32, #tpu.memory_space<vmem>>) target(%dma_start3A_111 : memref<72x80xf32, #tpu.memory_space<vmem_shared>>) target_semaphore(%run_scoped3A : memref<!tpu.dma_semaphore, #tpu.memory_space<semaphore_mem>>)
      %dma_wait3A_115 = arith.constant 0 : i32
      %dma_wait3A_116 = arith.constant 0 : i32
      %dma_wait3A_117 = tpu.memref_slice %arg15[%dma_wait3A_115, %dma_wait3A_116] : memref<80x80xf32, #tpu.memory_space<vmem>> -> memref<72x80xf32, #tpu.memory_space<vmem>>
      %dma_wait3A_118 = arith.constant 0 : i32
      %dma_wait3A_119 = tpu.memref_slice %arg20[%add3A_13, %dma_wait3A_118] : memref<10112x80xf32, #tpu.memory_space<vmem_shared>> -> memref<72x80xf32, #tpu.memory_space<vmem_shared>>
      %dma_wait3A_120 = arith.constant 0 : i32
      %dma_wait3A_121 = tpu.memref_slice %arg20[%add3A_13, %dma_wait3A_120] : memref<10112x80xf32, #tpu.memory_space<vmem_shared>> -> memref<72x80xf32, #tpu.memory_space<vmem_shared>>
      %dma_wait3A_122 = arith.constant 0 : i32
      %dma_wait3A_123 = arith.constant 0 : i32
      %dma_wait3A_124 = tpu.memref_slice %arg15[%dma_wait3A_122, %dma_wait3A_123] : memref<80x80xf32, #tpu.memory_space<vmem>> -> memref<72x80xf32, #tpu.memory_space<vmem>>
      tpu.wait_dma2 semaphore(%run_scoped3A : memref<!tpu.dma_semaphore, #tpu.memory_space<semaphore_mem>>) src(%dma_wait3A_124 : memref<72x80xf32, #tpu.memory_space<vmem>>) dst(%dma_wait3A_121 : memref<72x80xf32, #tpu.memory_space<vmem_shared>>)
      tpu.yield
    }) : () -> ()
    "tpu.region"() ({
      %run_scoped3A = tpu.sem_alloc : memref<!tpu.dma_semaphore, #tpu.memory_space<semaphore_mem>>
      tpu.enqueue_dma source(%arg5 : memref<64xf32, #tpu.memory_space<hbm>>) target(%arg17 : memref<64xf32, #tpu.memory_space<vmem>>) target_semaphore(%run_scoped3A : memref<!tpu.dma_semaphore, #tpu.memory_space<semaphore_mem>>)
      tpu.wait_dma2 semaphore(%run_scoped3A : memref<!tpu.dma_semaphore, #tpu.memory_space<semaphore_mem>>) src(%arg5 : memref<64xf32, #tpu.memory_space<hbm>>) dst(%arg17 : memref<64xf32, #tpu.memory_space<vmem>>)
      tpu.yield
    }) : () -> ()
    %barrier3A = arith.constant 0 : index
    tpu.barrier barrier_id(%barrier3A)
    %get3A = arith.constant 0 : index
    %get3A_14 = tpu.vector_load %arg17[%get3A] {strides = array<i32>} : memref<64xf32, #tpu.memory_space<vmem>>, vector<16xf32>,
    %get3A_15 = arith.constant 16 : index
    %get3A_16 = tpu.vector_load %arg17[%get3A_15] {strides = array<i32>} : memref<64xf32, #tpu.memory_space<vmem>>, vector<16xf32>,
    %get3A_17 = arith.constant 32 : index
    %get3A_18 = tpu.vector_load %arg17[%get3A_17] {strides = array<i32>} : memref<64xf32, #tpu.memory_space<vmem>>, vector<16xf32>,
    %get3A_19 = arith.constant 48 : index
    %get3A_20 = tpu.vector_load %arg17[%get3A_19] {strides = array<i32>} : memref<64xf32, #tpu.memory_space<vmem>>, vector<16xf32>,
    %mul3A_21 = arith.constant 16 : i32
    %mul3A_22 = arith.muli %arg0, %mul3A_21 : i32
    %add3A_23 = arith.addi %mul3A_22, %arg1 : i32
    %mul3A_24 = arith.constant 126 : i32
    %mul3A_25 = arith.muli %add3A_23, %mul3A_24 : i32
    %add3A_26 = arith.constant 0 : i32
    %add3A_27 = arith.addi %mul3A_25, %add3A_26 : i32
    %min3A = arith.constant 4031 : i32
    %min3A_28 = arith.minsi %add3A_27, %min3A : i32
    %dma_start3A = arith.constant 0 : i32
    %dma_start3A_29 = arith.constant 0 : i32
    %dma_start3A_30 = tpu.memref_slice %arg4[%min3A_28, %dma_start3A, %dma_start3A_29] : memref<4032x2x80xi32, #tpu.memory_space<hbm>> -> memref<1x2x80xi32, #tpu.memory_space<hbm>>
    %dma_start3A_31 = tpu.memref_squeeze %dma_start3A_30 : memref<1x2x80xi32, #tpu.memory_space<hbm>> -> memref<2x80xi32, #tpu.memory_space<hbm>>
    %dma_start3A_32 = arith.constant 0 : i32
    %dma_start3A_33 = arith.constant 0 : i32
    %dma_start3A_34 = tpu.memref_slice %arg4[%min3A_28, %dma_start3A_32, %dma_start3A_33] : memref<4032x2x80xi32, #tpu.memory_space<hbm>> -> memref<1x2x80xi32, #tpu.memory_space<hbm>>
    %dma_start3A_35 = tpu.memref_squeeze %dma_start3A_34 : memref<1x2x80xi32, #tpu.memory_space<hbm>> -> memref<2x80xi32, #tpu.memory_space<hbm>>
    tpu.enqueue_dma source(%dma_start3A_35 : memref<2x80xi32, #tpu.memory_space<hbm>>) target(%arg7 : memref<2x80xi32, #tpu.memory_space<vmem>>) target_semaphore(%arg21 : memref<!tpu.dma_semaphore, #tpu.memory_space<semaphore_mem>>)
    %add3A_36 = arith.constant 1 : i32
    %add3A_37 = arith.addi %mul3A_25, %add3A_36 : i32
    %min3A_38 = arith.constant 4031 : i32
    %min3A_39 = arith.minsi %add3A_37, %min3A_38 : i32
    %dma_start3A_40 = arith.constant 0 : i32
    %dma_start3A_41 = arith.constant 0 : i32
    %dma_start3A_42 = tpu.memref_slice %arg4[%min3A_39, %dma_start3A_40, %dma_start3A_41] : memref<4032x2x80xi32, #tpu.memory_space<hbm>> -> memref<1x2x80xi32, #tpu.memory_space<hbm>>
    %dma_start3A_43 = tpu.memref_squeeze %dma_start3A_42 : memref<1x2x80xi32, #tpu.memory_space<hbm>> -> memref<2x80xi32, #tpu.memory_space<hbm>>
    %dma_start3A_44 = arith.constant 0 : i32
    %dma_start3A_45 = arith.constant 0 : i32
    %dma_start3A_46 = tpu.memref_slice %arg4[%min3A_39, %dma_start3A_44, %dma_start3A_45] : memref<4032x2x80xi32, #tpu.memory_space<hbm>> -> memref<1x2x80xi32, #tpu.memory_space<hbm>>
    %dma_start3A_47 = tpu.memref_squeeze %dma_start3A_46 : memref<1x2x80xi32, #tpu.memory_space<hbm>> -> memref<2x80xi32, #tpu.memory_space<hbm>>
    tpu.enqueue_dma source(%dma_start3A_47 : memref<2x80xi32, #tpu.memory_space<hbm>>) target(%arg8 : memref<2x80xi32, #tpu.memory_space<vmem>>) target_semaphore(%arg22 : memref<!tpu.dma_semaphore, #tpu.memory_space<semaphore_mem>>)
    %dma_wait3A = arith.constant 0 : i32
    %dma_wait3A_48 = arith.constant 0 : i32
    %dma_wait3A_49 = arith.constant 0 : i32
    %dma_wait3A_50 = tpu.memref_slice %arg4[%dma_wait3A, %dma_wait3A_48, %dma_wait3A_49] : memref<4032x2x80xi32, #tpu.memory_space<hbm>> -> memref<1x2x80xi32, #tpu.memory_space<hbm>>
    %dma_wait3A_51 = tpu.memref_squeeze %dma_wait3A_50 : memref<1x2x80xi32, #tpu.memory_space<hbm>> -> memref<2x80xi32, #tpu.memory_space<hbm>>
    %dma_wait3A_52 = arith.constant 0 : i32
    %dma_wait3A_53 = arith.constant 0 : i32
    %dma_wait3A_54 = tpu.memref_slice %arg4[%dma_wait3A, %dma_wait3A_52, %dma_wait3A_53] : memref<4032x2x80xi32, #tpu.memory_space<hbm>> -> memref<1x2x80xi32, #tpu.memory_space<hbm>>
    %dma_wait3A_55 = tpu.memref_squeeze %dma_wait3A_54 : memref<1x2x80xi32, #tpu.memory_space<hbm>> -> memref<2x80xi32, #tpu.memory_space<hbm>>
    tpu.wait_dma2 semaphore(%arg21 : memref<!tpu.dma_semaphore, #tpu.memory_space<semaphore_mem>>) src(%dma_wait3A_55 : memref<2x80xi32, #tpu.memory_space<hbm>>) dst(%arg7 : memref<2x80xi32, #tpu.memory_space<vmem>>)
    %dma_start3A_56 = arith.constant 0 : i32
    %dma_start3A_57 = arith.constant 0 : i32
    %dma_start3A_58 = tpu.memref_slice %arg7[%dma_start3A_56, %dma_start3A_57] : memref<2x80xi32, #tpu.memory_space<vmem>> -> memref<1x80xi32, #tpu.memory_space<vmem>>
    %dma_start3A_59 = tpu.memref_squeeze %dma_start3A_58 : memref<1x80xi32, #tpu.memory_space<vmem>> -> memref<80xi32, #tpu.memory_space<vmem>>
    %dma_start3A_60 = arith.constant 0 : i32
    %dma_start3A_61 = arith.constant 0 : i32
    %dma_start3A_62 = tpu.memref_slice %arg2[%dma_start3A_60, %dma_start3A_61] : memref<10240x64xf32, #tpu.memory_space<hbm>> -> memref<10240x64xf32, #tpu.memory_space<hbm>>
    tpu.enqueue_indirect_dma source(%dma_start3A_62 : memref<10240x64xf32, #tpu.memory_space<hbm>>) target(%arg11 : memref<80x64xf32, #tpu.memory_space<vmem>>) offsets(%dma_start3A_59 : memref<80xi32, #tpu.memory_space<vmem>>) semaphore(%arg21 : memref<!tpu.dma_semaphore, #tpu.memory_space<semaphore_mem>>)
    %dma_start3A_63 = arith.constant 1 : i32
    %dma_start3A_64 = arith.constant 0 : i32
    %dma_start3A_65 = tpu.memref_slice %arg7[%dma_start3A_63, %dma_start3A_64] : memref<2x80xi32, #tpu.memory_space<vmem>> -> memref<1x80xi32, #tpu.memory_space<vmem>>
    %dma_start3A_66 = tpu.memref_squeeze %dma_start3A_65 : memref<1x80xi32, #tpu.memory_space<vmem>> -> memref<80xi32, #tpu.memory_space<vmem>>
    %dma_start3A_67 = arith.constant 0 : i32
    %dma_start3A_68 = arith.constant 0 : i32
    %dma_start3A_69 = tpu.memref_slice %arg3[%dma_start3A_67, %dma_start3A_68] : memref<10240x64xf32, #tpu.memory_space<hbm>> -> memref<10240x64xf32, #tpu.memory_space<hbm>>
    tpu.enqueue_indirect_dma source(%dma_start3A_69 : memref<10240x64xf32, #tpu.memory_space<hbm>>) target(%arg12 : memref<80x64xf32, #tpu.memory_space<vmem>>) offsets(%dma_start3A_66 : memref<80xi32, #tpu.memory_space<vmem>>) semaphore(%arg21 : memref<!tpu.dma_semaphore, #tpu.memory_space<semaphore_mem>>)
    %scan3A_70 = arith.constant 0 : i32
    %scan3A_71 = arith.constant 63 : i32
    %scan3A_72 = arith.addi %scan3A_70, %scan3A_71 : i32
    %scan3A_73 = arith.constant 1 : i32
    scf.for %scan3A_105 = %scan3A_70 to %scan3A_72 step %scan3A_73  : i32 {
      %mul3A_106 = arith.constant 2 : i32
      %mul3A_107 = arith.muli %scan3A_105, %mul3A_106 : i32
      %add3A_108 = arith.constant 0 : i32
      %add3A_109 = arith.addi %add3A_108, %mul3A_107 : i32
      %dma_wait3A_110 = arith.constant 0 : i32
      %dma_wait3A_111 = arith.constant 0 : i32
      %dma_wait3A_112 = arith.constant 0 : i32
      %dma_wait3A_113 = tpu.memref_slice %arg4[%dma_wait3A_110, %dma_wait3A_111, %dma_wait3A_112] : memref<4032x2x80xi32, #tpu.memory_space<hbm>> -> memref<1x2x80xi32, #tpu.memory_space<hbm>>
      %dma_wait3A_114 = tpu.memref_squeeze %dma_wait3A_113 : memref<1x2x80xi32, #tpu.memory_space<hbm>> -> memref<2x80xi32, #tpu.memory_space<hbm>>
      %dma_wait3A_115 = arith.constant 0 : i32
      %dma_wait3A_116 = arith.constant 0 : i32
      %dma_wait3A_117 = tpu.memref_slice %arg4[%dma_wait3A_110, %dma_wait3A_115, %dma_wait3A_116] : memref<4032x2x80xi32, #tpu.memory_space<hbm>> -> memref<1x2x80xi32, #tpu.memory_space<hbm>>
      %dma_wait3A_118 = tpu.memref_squeeze %dma_wait3A_117 : memref<1x2x80xi32, #tpu.memory_space<hbm>> -> memref<2x80xi32, #tpu.memory_space<hbm>>
      tpu.wait_dma2 semaphore(%arg22 : memref<!tpu.dma_semaphore, #tpu.memory_space<semaphore_mem>>) src(%dma_wait3A_118 : memref<2x80xi32, #tpu.memory_space<hbm>>) dst(%arg8 : memref<2x80xi32, #tpu.memory_space<vmem>>)
      %dma_wait3A_119 = arith.constant 0 : i32
      %dma_wait3A_120 = arith.constant 0 : i32
      %dma_wait3A_121 = tpu.memref_slice %arg7[%dma_wait3A_119, %dma_wait3A_120] : memref<2x80xi32, #tpu.memory_space<vmem>> -> memref<1x80xi32, #tpu.memory_space<vmem>>
      %dma_wait3A_122 = tpu.memref_squeeze %dma_wait3A_121 : memref<1x80xi32, #tpu.memory_space<vmem>> -> memref<80xi32, #tpu.memory_space<vmem>>
      %dma_wait3A_123 = arith.constant 0 : i32
      %dma_wait3A_124 = arith.constant 0 : i32
      %dma_wait3A_125 = tpu.memref_slice %arg2[%dma_wait3A_123, %dma_wait3A_124] : memref<10240x64xf32, #tpu.memory_space<hbm>> -> memref<10240x64xf32, #tpu.memory_space<hbm>>
      tpu.wait_indirect_dma semaphore(%arg21 : memref<!tpu.dma_semaphore, #tpu.memory_space<semaphore_mem>>) src(%dma_wait3A_125 : memref<10240x64xf32, #tpu.memory_space<hbm>>) dst(%arg11 : memref<80x64xf32, #tpu.memory_space<vmem>>)
      %dma_wait3A_126 = arith.constant 1 : i32
      %dma_wait3A_127 = arith.constant 0 : i32
      %dma_wait3A_128 = tpu.memref_slice %arg7[%dma_wait3A_126, %dma_wait3A_127] : memref<2x80xi32, #tpu.memory_space<vmem>> -> memref<1x80xi32, #tpu.memory_space<vmem>>
      %dma_wait3A_129 = tpu.memref_squeeze %dma_wait3A_128 : memref<1x80xi32, #tpu.memory_space<vmem>> -> memref<80xi32, #tpu.memory_space<vmem>>
      %dma_wait3A_130 = arith.constant 0 : i32
      %dma_wait3A_131 = arith.constant 0 : i32
      %dma_wait3A_132 = tpu.memref_slice %arg3[%dma_wait3A_130, %dma_wait3A_131] : memref<10240x64xf32, #tpu.memory_space<hbm>> -> memref<10240x64xf32, #tpu.memory_space<hbm>>
      tpu.wait_indirect_dma semaphore(%arg21 : memref<!tpu.dma_semaphore, #tpu.memory_space<semaphore_mem>>) src(%dma_wait3A_132 : memref<10240x64xf32, #tpu.memory_space<hbm>>) dst(%arg12 : memref<80x64xf32, #tpu.memory_space<vmem>>)
      %dma_start3A_133 = arith.constant 0 : i32
      %dma_start3A_134 = arith.constant 0 : i32
      %dma_start3A_135 = tpu.memref_slice %arg8[%dma_start3A_133, %dma_start3A_134] : memref<2x80xi32, #tpu.memory_space<vmem>> -> memref<1x80xi32, #tpu.memory_space<vmem>>
      %dma_start3A_136 = tpu.memref_squeeze %dma_start3A_135 : memref<1x80xi32, #tpu.memory_space<vmem>> -> memref<80xi32, #tpu.memory_space<vmem>>
      %dma_start3A_137 = arith.constant 0 : i32
      %dma_start3A_138 = arith.constant 0 : i32
      %dma_start3A_139 = tpu.memref_slice %arg2[%dma_start3A_137, %dma_start3A_138] : memref<10240x64xf32, #tpu.memory_space<hbm>> -> memref<10240x64xf32, #tpu.memory_space<hbm>>
      tpu.enqueue_indirect_dma source(%dma_start3A_139 : memref<10240x64xf32, #tpu.memory_space<hbm>>) target(%arg13 : memref<80x64xf32, #tpu.memory_space<vmem>>) offsets(%dma_start3A_136 : memref<80xi32, #tpu.memory_space<vmem>>) semaphore(%arg22 : memref<!tpu.dma_semaphore, #tpu.memory_space<semaphore_mem>>)
      %dma_start3A_140 = arith.constant 1 : i32
      %dma_start3A_141 = arith.constant 0 : i32
      %dma_start3A_142 = tpu.memref_slice %arg8[%dma_start3A_140, %dma_start3A_141] : memref<2x80xi32, #tpu.memory_space<vmem>> -> memref<1x80xi32, #tpu.memory_space<vmem>>
      %dma_start3A_143 = tpu.memref_squeeze %dma_start3A_142 : memref<1x80xi32, #tpu.memory_space<vmem>> -> memref<80xi32, #tpu.memory_space<vmem>>
      %dma_start3A_144 = arith.constant 0 : i32
      %dma_start3A_145 = arith.constant 0 : i32
      %dma_start3A_146 = tpu.memref_slice %arg3[%dma_start3A_144, %dma_start3A_145] : memref<10240x64xf32, #tpu.memory_space<hbm>> -> memref<10240x64xf32, #tpu.memory_space<hbm>>
      tpu.enqueue_indirect_dma source(%dma_start3A_146 : memref<10240x64xf32, #tpu.memory_space<hbm>>) target(%arg14 : memref<80x64xf32, #tpu.memory_space<vmem>>) offsets(%dma_start3A_143 : memref<80xi32, #tpu.memory_space<vmem>>) semaphore(%arg22 : memref<!tpu.dma_semaphore, #tpu.memory_space<semaphore_mem>>)
      %scan3A_147 = arith.constant 0 : i32
      %scan3A_148 = arith.constant 5 : i32
      %scan3A_149 = arith.addi %scan3A_147, %scan3A_148 : i32
      %scan3A_150 = arith.constant 1 : i32
      scf.for %scan3A_254 = %scan3A_147 to %scan3A_149 step %scan3A_150  : i32 {
        %mul3A_255 = arith.constant 16 : i32
        %mul3A_256 = arith.muli %scan3A_254, %mul3A_255 : i32
        %add3A_257 = arith.constant 0 : i32
        %add3A_258 = arith.addi %add3A_257, %mul3A_256 : i32
        %get3A_259 = arith.constant 1 : i32
        %get3A_260 = arith.index_cast %get3A_259 : i32 to index
        %get3A_261 = arith.index_cast %add3A_258 : i32 to index
        %get3A_262 = tpu.vector_load %arg7[%get3A_260, %get3A_261] {strides = array<i32>} : memref<2x80xi32, #tpu.memory_space<vmem>>, vector<16xi32>,
        %swap3A = arith.index_cast %add3A_258 : i32 to index
        %swap3A_263 = tpu.vector_load %arg9[%swap3A] {strides = array<i32>} : memref<80xi32, #tpu.memory_space<vmem>>, vector<16xi32>,
        tpu.vector_store %arg9[%swap3A], %get3A_262 {strides = array<i32>} : memref<80xi32, #tpu.memory_space<vmem>>, vector<16xi32>,
      }
      %scan3A_151 = arith.constant 5 : i32
      %add3A_152 = arith.constant 2 : i32
      %add3A_153 = arith.addi %add3A_109, %add3A_152 : i32
      %add3A_154 = arith.addi %mul3A_25, %add3A_153 : i32
      %min3A_155 = arith.constant 4031 : i32
      %min3A_156 = arith.minsi %add3A_154, %min3A_155 : i32
      %dma_start3A_157 = arith.constant 0 : i32
      %dma_start3A_158 = arith.constant 0 : i32
      %dma_start3A_159 = tpu.memref_slice %arg4[%min3A_156, %dma_start3A_157, %dma_start3A_158] : memref<4032x2x80xi32, #tpu.memory_space<hbm>> -> memref<1x2x80xi32, #tpu.memory_space<hbm>>
      %dma_start3A_160 = tpu.memref_squeeze %dma_start3A_159 : memref<1x2x80xi32, #tpu.memory_space<hbm>> -> memref<2x80xi32, #tpu.memory_space<hbm>>
      %dma_start3A_161 = arith.constant 0 : i32
      %dma_start3A_162 = arith.constant 0 : i32
      %dma_start3A_163 = tpu.memref_slice %arg4[%min3A_156, %dma_start3A_161, %dma_start3A_162] : memref<4032x2x80xi32, #tpu.memory_space<hbm>> -> memref<1x2x80xi32, #tpu.memory_space<hbm>>
      %dma_start3A_164 = tpu.memref_squeeze %dma_start3A_163 : memref<1x2x80xi32, #tpu.memory_space<hbm>> -> memref<2x80xi32, #tpu.memory_space<hbm>>
      tpu.enqueue_dma source(%dma_start3A_164 : memref<2x80xi32, #tpu.memory_space<hbm>>) target(%arg7 : memref<2x80xi32, #tpu.memory_space<vmem>>) target_semaphore(%arg21 : memref<!tpu.dma_semaphore, #tpu.memory_space<semaphore_mem>>)
      %parallel_loop3A = arith.constant 0 : i32
      %parallel_loop3A_165 = arith.constant 80 : i32
      %parallel_loop3A_166 = arith.constant 1 : i32
      scf.for %parallel_loop3A_254 = %parallel_loop3A to %parallel_loop3A_165 step %parallel_loop3A_166  : i32 {
        %parallel_loop3A_255 = arith.index_cast %parallel_loop3A_254 : i32 to index
        %parallel_loop3A_256 = arith.constant 0 : index
        %parallel_loop3A_257 = tpu.vector_load %arg11[%parallel_loop3A_255, %parallel_loop3A_256] {strides = array<i32>} : memref<80x64xf32, #tpu.memory_space<vmem>>, vector<16xf32>,
        %parallel_loop3A_258 = arith.index_cast %parallel_loop3A_254 : i32 to index
        %parallel_loop3A_259 = arith.constant 0 : index
        %parallel_loop3A_260 = tpu.vector_load %arg12[%parallel_loop3A_258, %parallel_loop3A_259] {strides = array<i32>} : memref<80x64xf32, #tpu.memory_space<vmem>>, vector<16xf32>,
        %parallel_loop3A_261 = arith.addf %parallel_loop3A_257, %parallel_loop3A_260 : vector<16xf32>
        %parallel_loop3A_262 = arith.constant 2.000000e-01 : f32
        %parallel_loop3A_263 = vector.broadcast %parallel_loop3A_262 : f32 to vector<16xf32>
        %parallel_loop3A_264 = arith.mulf %parallel_loop3A_263, %parallel_loop3A_261 : vector<16xf32>
        %parallel_loop3A_265 = arith.maximumf %parallel_loop3A_261, %parallel_loop3A_264 : vector<16xf32>
        %parallel_loop3A_266 = arith.mulf %parallel_loop3A_265, %get3A_14 : vector<16xf32>
        %parallel_loop3A_267 = arith.index_cast %parallel_loop3A_254 : i32 to index
        %parallel_loop3A_268 = arith.constant 16 : index
        %parallel_loop3A_269 = tpu.vector_load %arg11[%parallel_loop3A_267, %parallel_loop3A_268] {strides = array<i32>} : memref<80x64xf32, #tpu.memory_space<vmem>>, vector<16xf32>,
        %parallel_loop3A_270 = arith.index_cast %parallel_loop3A_254 : i32 to index
        %parallel_loop3A_271 = arith.constant 16 : index
        %parallel_loop3A_272 = tpu.vector_load %arg12[%parallel_loop3A_270, %parallel_loop3A_271] {strides = array<i32>} : memref<80x64xf32, #tpu.memory_space<vmem>>, vector<16xf32>,
        %parallel_loop3A_273 = arith.addf %parallel_loop3A_269, %parallel_loop3A_272 : vector<16xf32>
        %parallel_loop3A_274 = arith.constant 2.000000e-01 : f32
        %parallel_loop3A_275 = vector.broadcast %parallel_loop3A_274 : f32 to vector<16xf32>
        %parallel_loop3A_276 = arith.mulf %parallel_loop3A_275, %parallel_loop3A_273 : vector<16xf32>
        %parallel_loop3A_277 = arith.maximumf %parallel_loop3A_273, %parallel_loop3A_276 : vector<16xf32>
        %parallel_loop3A_278 = arith.mulf %parallel_loop3A_277, %get3A_16 : vector<16xf32>
        %parallel_loop3A_279 = arith.addf %parallel_loop3A_266, %parallel_loop3A_278 : vector<16xf32>
        %parallel_loop3A_280 = arith.index_cast %parallel_loop3A_254 : i32 to index
        %parallel_loop3A_281 = arith.constant 32 : index
        %parallel_loop3A_282 = tpu.vector_load %arg11[%parallel_loop3A_280, %parallel_loop3A_281] {strides = array<i32>} : memref<80x64xf32, #tpu.memory_space<vmem>>, vector<16xf32>,
        %parallel_loop3A_283 = arith.index_cast %parallel_loop3A_254 : i32 to index
        %parallel_loop3A_284 = arith.constant 32 : index
        %parallel_loop3A_285 = tpu.vector_load %arg12[%parallel_loop3A_283, %parallel_loop3A_284] {strides = array<i32>} : memref<80x64xf32, #tpu.memory_space<vmem>>, vector<16xf32>,
        %parallel_loop3A_286 = arith.addf %parallel_loop3A_282, %parallel_loop3A_285 : vector<16xf32>
        %parallel_loop3A_287 = arith.constant 2.000000e-01 : f32
        %parallel_loop3A_288 = vector.broadcast %parallel_loop3A_287 : f32 to vector<16xf32>
        %parallel_loop3A_289 = arith.mulf %parallel_loop3A_288, %parallel_loop3A_286 : vector<16xf32>
        %parallel_loop3A_290 = arith.maximumf %parallel_loop3A_286, %parallel_loop3A_289 : vector<16xf32>
        %parallel_loop3A_291 = arith.mulf %parallel_loop3A_290, %get3A_18 : vector<16xf32>
        %parallel_loop3A_292 = arith.addf %parallel_loop3A_279, %parallel_loop3A_291 : vector<16xf32>
        %parallel_loop3A_293 = arith.index_cast %parallel_loop3A_254 : i32 to index
        %parallel_loop3A_294 = arith.constant 48 : index
        %parallel_loop3A_295 = tpu.vector_load %arg11[%parallel_loop3A_293, %parallel_loop3A_294] {strides = array<i32>} : memref<80x64xf32, #tpu.memory_space<vmem>>, vector<16xf32>,
        %parallel_loop3A_296 = arith.index_cast %parallel_loop3A_254 : i32 to index
        %parallel_loop3A_297 = arith.constant 48 : index
        %parallel_loop3A_298 = tpu.vector_load %arg12[%parallel_loop3A_296, %parallel_loop3A_297] {strides = array<i32>} : memref<80x64xf32, #tpu.memory_space<vmem>>, vector<16xf32>,
        %parallel_loop3A_299 = arith.addf %parallel_loop3A_295, %parallel_loop3A_298 : vector<16xf32>
        %parallel_loop3A_300 = arith.constant 2.000000e-01 : f32
        %parallel_loop3A_301 = vector.broadcast %parallel_loop3A_300 : f32 to vector<16xf32>
        %parallel_loop3A_302 = arith.mulf %parallel_loop3A_301, %parallel_loop3A_299 : vector<16xf32>
        %parallel_loop3A_303 = arith.maximumf %parallel_loop3A_299, %parallel_loop3A_302 : vector<16xf32>
        %parallel_loop3A_304 = arith.mulf %parallel_loop3A_303, %get3A_20 : vector<16xf32>
        %parallel_loop3A_305 = arith.addf %parallel_loop3A_292, %parallel_loop3A_304 : vector<16xf32>
        %parallel_loop3A_306 = arith.constant true
        %parallel_loop3A_307 = vector.broadcast %parallel_loop3A_306 : i1 to vector<16xi1>
        %parallel_loop3A_308 = tpu.scan <sum>, %parallel_loop3A_305 masked %parallel_loop3A_307 : vector<16xf32>, vector<16xi1> -> vector<16xf32>
        %parallel_loop3A_309 = vector.extract %parallel_loop3A_308[15] : f32 from vector<16xf32>
        %parallel_loop3A_310 = vector.broadcast %parallel_loop3A_254 : i32 to vector<16xi32>
        %parallel_loop3A_311 = vector.broadcast %parallel_loop3A_309 : f32 to vector<16xf32>
        %parallel_loop3A_312 = arith.addf %broadcast_in_dim3A_0, %parallel_loop3A_311 : vector<16xf32>
        tpu.vector_store_idx %arg18[%parallel_loop3A_310], %parallel_loop3A_312 masked %eq3A_2 : memref<80xf32, #tpu.memory_space<vmem>>[vector<16xi32>], vector<16xf32>, vector<16xi1>
      } {sc.loop_unroll_factor = 8 : i64, sc.parallel_access}
      %scan3A_167 = arith.constant 0 : i32
      %scan3A_168 = arith.constant 5 : i32
      %scan3A_169 = arith.addi %scan3A_167, %scan3A_168 : i32
      %scan3A_170 = arith.constant 1 : i32
      scf.for %scan3A_254 = %scan3A_167 to %scan3A_169 step %scan3A_170  : i32 {
        %mul3A_255 = arith.constant 16 : i32
        %mul3A_256 = arith.muli %scan3A_254, %mul3A_255 : i32
        %add3A_257 = arith.constant 0 : i32
        %add3A_258 = arith.addi %add3A_257, %mul3A_256 : i32
        %get3A_259 = arith.index_cast %add3A_258 : i32 to index
        %get3A_260 = tpu.vector_load %arg18[%get3A_259] {strides = array<i32>} : memref<80xf32, #tpu.memory_space<vmem>>, vector<16xf32>,
        %exp3A = math.exp %get3A_260 : vector<16xf32>
        %swap3A = arith.index_cast %add3A_258 : i32 to index
        %swap3A_261 = tpu.vector_load %arg19[%swap3A] {strides = array<i32>} : memref<80xf32, #tpu.memory_space<vmem>>, vector<16xf32>,
        tpu.vector_store %arg19[%swap3A], %exp3A {strides = array<i32>} : memref<80xf32, #tpu.memory_space<vmem>>, vector<16xf32>,
      }
      %scan3A_171 = arith.constant 5 : i32
      %gt3A = arith.constant 0 : i32
      %gt3A_172 = arith.cmpi sgt, %add3A_109, %gt3A : i32
      %convert_element_type3A = arith.extui %gt3A_172 : i1 to i32
      %cond3A = arith.constant 0 : i32
      %cond3A_173 = arith.cmpi ne, %convert_element_type3A, %cond3A : i32
      scf.if %cond3A_173 {
        %dma_wait3A_254 = arith.constant 0 : i32
        %dma_wait3A_255 = arith.constant 0 : i32
        %dma_wait3A_256 = tpu.memref_slice %arg20[%dma_wait3A_254, %dma_wait3A_255] : memref<10112x80xf32, #tpu.memory_space<vmem_shared>> -> memref<10112x80xf32, #tpu.memory_space<vmem_shared>>
        tpu.wait_indirect_dma semaphore(%arg23 : memref<!tpu.dma_semaphore, #tpu.memory_space<semaphore_mem>>) src(%arg15 : memref<80x80xf32, #tpu.memory_space<vmem>>) dst(%dma_wait3A_256 : memref<10112x80xf32, #tpu.memory_space<vmem_shared>>)
      } else {
      }
      %parallel_loop3A_174 = arith.constant 0 : i32
      %parallel_loop3A_175 = arith.constant 80 : i32
      %parallel_loop3A_176 = arith.constant 1 : i32
      scf.for %parallel_loop3A_254 = %parallel_loop3A_174 to %parallel_loop3A_175 step %parallel_loop3A_176  : i32 {
        %parallel_loop3A_255 = vector.broadcast %parallel_loop3A_254 : i32 to vector<16xi32>
        %parallel_loop3A_256 = tpu.vector_load_idx %arg19[%parallel_loop3A_255] : memref<80xf32, #tpu.memory_space<vmem>>[vector<16xi32>], vector<16xf32>,
        %parallel_loop3A_257 = arith.index_cast %parallel_loop3A_254 : i32 to index
        %parallel_loop3A_258 = arith.constant 0 : index
        %parallel_loop3A_259 = tpu.vector_load %arg11[%parallel_loop3A_257, %parallel_loop3A_258] {strides = array<i32>} : memref<80x64xf32, #tpu.memory_space<vmem>>, vector<16xf32>,
        %parallel_loop3A_260 = arith.mulf %parallel_loop3A_259, %parallel_loop3A_256 : vector<16xf32>
        %parallel_loop3A_261 = arith.index_cast %parallel_loop3A_254 : i32 to index
        %parallel_loop3A_262 = arith.constant 0 : index
        %parallel_loop3A_263 = tpu.vector_load %arg15[%parallel_loop3A_261, %parallel_loop3A_262] {strides = array<i32>} : memref<80x80xf32, #tpu.memory_space<vmem>>, vector<16xf32>,
        tpu.vector_store %arg15[%parallel_loop3A_261, %parallel_loop3A_262], %parallel_loop3A_260 {strides = array<i32>} : memref<80x80xf32, #tpu.memory_space<vmem>>, vector<16xf32>,
        %parallel_loop3A_264 = arith.index_cast %parallel_loop3A_254 : i32 to index
        %parallel_loop3A_265 = arith.constant 16 : index
        %parallel_loop3A_266 = tpu.vector_load %arg11[%parallel_loop3A_264, %parallel_loop3A_265] {strides = array<i32>} : memref<80x64xf32, #tpu.memory_space<vmem>>, vector<16xf32>,
        %parallel_loop3A_267 = arith.mulf %parallel_loop3A_266, %parallel_loop3A_256 : vector<16xf32>
        %parallel_loop3A_268 = arith.index_cast %parallel_loop3A_254 : i32 to index
        %parallel_loop3A_269 = arith.constant 16 : index
        %parallel_loop3A_270 = tpu.vector_load %arg15[%parallel_loop3A_268, %parallel_loop3A_269] {strides = array<i32>} : memref<80x80xf32, #tpu.memory_space<vmem>>, vector<16xf32>,
        tpu.vector_store %arg15[%parallel_loop3A_268, %parallel_loop3A_269], %parallel_loop3A_267 {strides = array<i32>} : memref<80x80xf32, #tpu.memory_space<vmem>>, vector<16xf32>,
        %parallel_loop3A_271 = arith.index_cast %parallel_loop3A_254 : i32 to index
        %parallel_loop3A_272 = arith.constant 32 : index
        %parallel_loop3A_273 = tpu.vector_load %arg11[%parallel_loop3A_271, %parallel_loop3A_272] {strides = array<i32>} : memref<80x64xf32, #tpu.memory_space<vmem>>, vector<16xf32>,
        %parallel_loop3A_274 = arith.mulf %parallel_loop3A_273, %parallel_loop3A_256 : vector<16xf32>
        %parallel_loop3A_275 = arith.index_cast %parallel_loop3A_254 : i32 to index
        %parallel_loop3A_276 = arith.constant 32 : index
        %parallel_loop3A_277 = tpu.vector_load %arg15[%parallel_loop3A_275, %parallel_loop3A_276] {strides = array<i32>} : memref<80x80xf32, #tpu.memory_space<vmem>>, vector<16xf32>,
        tpu.vector_store %arg15[%parallel_loop3A_275, %parallel_loop3A_276], %parallel_loop3A_274 {strides = array<i32>} : memref<80x80xf32, #tpu.memory_space<vmem>>, vector<16xf32>,
        %parallel_loop3A_278 = arith.index_cast %parallel_loop3A_254 : i32 to index
        %parallel_loop3A_279 = arith.constant 48 : index
        %parallel_loop3A_280 = tpu.vector_load %arg11[%parallel_loop3A_278, %parallel_loop3A_279] {strides = array<i32>} : memref<80x64xf32, #tpu.memory_space<vmem>>, vector<16xf32>,
        %parallel_loop3A_281 = arith.mulf %parallel_loop3A_280, %parallel_loop3A_256 : vector<16xf32>
        %parallel_loop3A_282 = arith.index_cast %parallel_loop3A_254 : i32 to index
        %parallel_loop3A_283 = arith.constant 48 : index
        %parallel_loop3A_284 = tpu.vector_load %arg15[%parallel_loop3A_282, %parallel_loop3A_283] {strides = array<i32>} : memref<80x80xf32, #tpu.memory_space<vmem>>, vector<16xf32>,
        tpu.vector_store %arg15[%parallel_loop3A_282, %parallel_loop3A_283], %parallel_loop3A_281 {strides = array<i32>} : memref<80x80xf32, #tpu.memory_space<vmem>>, vector<16xf32>,
        %parallel_loop3A_285 = arith.index_cast %parallel_loop3A_254 : i32 to index
        %parallel_loop3A_286 = arith.constant 64 : index
        %parallel_loop3A_287 = tpu.vector_load %arg15[%parallel_loop3A_285, %parallel_loop3A_286] {strides = array<i32>} : memref<80x80xf32, #tpu.memory_space<vmem>>, vector<16xf32>,
        tpu.vector_store %arg15[%parallel_loop3A_285, %parallel_loop3A_286], %parallel_loop3A_256 {strides = array<i32>} : memref<80x80xf32, #tpu.memory_space<vmem>>, vector<16xf32>,
      } {sc.loop_unroll_factor = 8 : i64, sc.parallel_access}
      %dma_start3A_177 = arith.constant 0 : i32
      %dma_start3A_178 = arith.constant 0 : i32
      %dma_start3A_179 = tpu.memref_slice %arg20[%dma_start3A_177, %dma_start3A_178] : memref<10112x80xf32, #tpu.memory_space<vmem_shared>> -> memref<10112x80xf32, #tpu.memory_space<vmem_shared>>
      tpu.enqueue_indirect_dma source(%arg15 : memref<80x80xf32, #tpu.memory_space<vmem>>) target(%dma_start3A_179 : memref<10112x80xf32, #tpu.memory_space<vmem_shared>>) offsets(%arg9 : memref<80xi32, #tpu.memory_space<vmem>>) semaphore(%arg23 : memref<!tpu.dma_semaphore, #tpu.memory_space<semaphore_mem>>) {add = true}
      %dma_wait3A_180 = arith.constant 0 : i32
      %dma_wait3A_181 = arith.constant 0 : i32
      %dma_wait3A_182 = tpu.memref_slice %arg8[%dma_wait3A_180, %dma_wait3A_181] : memref<2x80xi32, #tpu.memory_space<vmem>> -> memref<1x80xi32, #tpu.memory_space<vmem>>
      %dma_wait3A_183 = tpu.memref_squeeze %dma_wait3A_182 : memref<1x80xi32, #tpu.memory_space<vmem>> -> memref<80xi32, #tpu.memory_space<vmem>>
      %dma_wait3A_184 = arith.constant 0 : i32
      %dma_wait3A_185 = arith.constant 0 : i32
      %dma_wait3A_186 = tpu.memref_slice %arg2[%dma_wait3A_184, %dma_wait3A_185] : memref<10240x64xf32, #tpu.memory_space<hbm>> -> memref<10240x64xf32, #tpu.memory_space<hbm>>
      tpu.wait_indirect_dma semaphore(%arg22 : memref<!tpu.dma_semaphore, #tpu.memory_space<semaphore_mem>>) src(%dma_wait3A_186 : memref<10240x64xf32, #tpu.memory_space<hbm>>) dst(%arg13 : memref<80x64xf32, #tpu.memory_space<vmem>>)
      %dma_wait3A_187 = arith.constant 1 : i32
      %dma_wait3A_188 = arith.constant 0 : i32
      %dma_wait3A_189 = tpu.memref_slice %arg8[%dma_wait3A_187, %dma_wait3A_188] : memref<2x80xi32, #tpu.memory_space<vmem>> -> memref<1x80xi32, #tpu.memory_space<vmem>>
      %dma_wait3A_190 = tpu.memref_squeeze %dma_wait3A_189 : memref<1x80xi32, #tpu.memory_space<vmem>> -> memref<80xi32, #tpu.memory_space<vmem>>
      %dma_wait3A_191 = arith.constant 0 : i32
      %dma_wait3A_192 = arith.constant 0 : i32
      %dma_wait3A_193 = tpu.memref_slice %arg3[%dma_wait3A_191, %dma_wait3A_192] : memref<10240x64xf32, #tpu.memory_space<hbm>> -> memref<10240x64xf32, #tpu.memory_space<hbm>>
      tpu.wait_indirect_dma semaphore(%arg22 : memref<!tpu.dma_semaphore, #tpu.memory_space<semaphore_mem>>) src(%dma_wait3A_193 : memref<10240x64xf32, #tpu.memory_space<hbm>>) dst(%arg14 : memref<80x64xf32, #tpu.memory_space<vmem>>)
      %scan3A_194 = arith.constant 0 : i32
      %scan3A_195 = arith.constant 5 : i32
      %scan3A_196 = arith.addi %scan3A_194, %scan3A_195 : i32
      %scan3A_197 = arith.constant 1 : i32
      scf.for %scan3A_254 = %scan3A_194 to %scan3A_196 step %scan3A_197  : i32 {
        %mul3A_255 = arith.constant 16 : i32
        %mul3A_256 = arith.muli %scan3A_254, %mul3A_255 : i32
        %add3A_257 = arith.constant 0 : i32
        %add3A_258 = arith.addi %add3A_257, %mul3A_256 : i32
        %get3A_259 = arith.constant 1 : i32
        %get3A_260 = arith.index_cast %get3A_259 : i32 to index
        %get3A_261 = arith.index_cast %add3A_258 : i32 to index
        %get3A_262 = tpu.vector_load %arg8[%get3A_260, %get3A_261] {strides = array<i32>} : memref<2x80xi32, #tpu.memory_space<vmem>>, vector<16xi32>,
        %swap3A = arith.index_cast %add3A_258 : i32 to index
        %swap3A_263 = tpu.vector_load %arg10[%swap3A] {strides = array<i32>} : memref<80xi32, #tpu.memory_space<vmem>>, vector<16xi32>,
        tpu.vector_store %arg10[%swap3A], %get3A_262 {strides = array<i32>} : memref<80xi32, #tpu.memory_space<vmem>>, vector<16xi32>,
      }
      %scan3A_198 = arith.constant 5 : i32
      %add3A_199 = arith.constant 3 : i32
      %add3A_200 = arith.addi %add3A_109, %add3A_199 : i32
      %add3A_201 = arith.addi %mul3A_25, %add3A_200 : i32
      %min3A_202 = arith.constant 4031 : i32
      %min3A_203 = arith.minsi %add3A_201, %min3A_202 : i32
      %dma_start3A_204 = arith.constant 0 : i32
      %dma_start3A_205 = arith.constant 0 : i32
      %dma_start3A_206 = tpu.memref_slice %arg4[%min3A_203, %dma_start3A_204, %dma_start3A_205] : memref<4032x2x80xi32, #tpu.memory_space<hbm>> -> memref<1x2x80xi32, #tpu.memory_space<hbm>>
      %dma_start3A_207 = tpu.memref_squeeze %dma_start3A_206 : memref<1x2x80xi32, #tpu.memory_space<hbm>> -> memref<2x80xi32, #tpu.memory_space<hbm>>
      %dma_start3A_208 = arith.constant 0 : i32
      %dma_start3A_209 = arith.constant 0 : i32
      %dma_start3A_210 = tpu.memref_slice %arg4[%min3A_203, %dma_start3A_208, %dma_start3A_209] : memref<4032x2x80xi32, #tpu.memory_space<hbm>> -> memref<1x2x80xi32, #tpu.memory_space<hbm>>
      %dma_start3A_211 = tpu.memref_squeeze %dma_start3A_210 : memref<1x2x80xi32, #tpu.memory_space<hbm>> -> memref<2x80xi32, #tpu.memory_space<hbm>>
      tpu.enqueue_dma source(%dma_start3A_211 : memref<2x80xi32, #tpu.memory_space<hbm>>) target(%arg8 : memref<2x80xi32, #tpu.memory_space<vmem>>) target_semaphore(%arg22 : memref<!tpu.dma_semaphore, #tpu.memory_space<semaphore_mem>>)
      %parallel_loop3A_212 = arith.constant 0 : i32
      %parallel_loop3A_213 = arith.constant 80 : i32
      %parallel_loop3A_214 = arith.constant 1 : i32
      scf.for %parallel_loop3A_254 = %parallel_loop3A_212 to %parallel_loop3A_213 step %parallel_loop3A_214  : i32 {
        %parallel_loop3A_255 = arith.index_cast %parallel_loop3A_254 : i32 to index
        %parallel_loop3A_256 = arith.constant 0 : index
        %parallel_loop3A_257 = tpu.vector_load %arg13[%parallel_loop3A_255, %parallel_loop3A_256] {strides = array<i32>} : memref<80x64xf32, #tpu.memory_space<vmem>>, vector<16xf32>,
        %parallel_loop3A_258 = arith.index_cast %parallel_loop3A_254 : i32 to index
        %parallel_loop3A_259 = arith.constant 0 : index
        %parallel_loop3A_260 = tpu.vector_load %arg14[%parallel_loop3A_258, %parallel_loop3A_259] {strides = array<i32>} : memref<80x64xf32, #tpu.memory_space<vmem>>, vector<16xf32>,
        %parallel_loop3A_261 = arith.addf %parallel_loop3A_257, %parallel_loop3A_260 : vector<16xf32>
        %parallel_loop3A_262 = arith.constant 2.000000e-01 : f32
        %parallel_loop3A_263 = vector.broadcast %parallel_loop3A_262 : f32 to vector<16xf32>
        %parallel_loop3A_264 = arith.mulf %parallel_loop3A_263, %parallel_loop3A_261 : vector<16xf32>
        %parallel_loop3A_265 = arith.maximumf %parallel_loop3A_261, %parallel_loop3A_264 : vector<16xf32>
        %parallel_loop3A_266 = arith.mulf %parallel_loop3A_265, %get3A_14 : vector<16xf32>
        %parallel_loop3A_267 = arith.index_cast %parallel_loop3A_254 : i32 to index
        %parallel_loop3A_268 = arith.constant 16 : index
        %parallel_loop3A_269 = tpu.vector_load %arg13[%parallel_loop3A_267, %parallel_loop3A_268] {strides = array<i32>} : memref<80x64xf32, #tpu.memory_space<vmem>>, vector<16xf32>,
        %parallel_loop3A_270 = arith.index_cast %parallel_loop3A_254 : i32 to index
        %parallel_loop3A_271 = arith.constant 16 : index
        %parallel_loop3A_272 = tpu.vector_load %arg14[%parallel_loop3A_270, %parallel_loop3A_271] {strides = array<i32>} : memref<80x64xf32, #tpu.memory_space<vmem>>, vector<16xf32>,
        %parallel_loop3A_273 = arith.addf %parallel_loop3A_269, %parallel_loop3A_272 : vector<16xf32>
        %parallel_loop3A_274 = arith.constant 2.000000e-01 : f32
        %parallel_loop3A_275 = vector.broadcast %parallel_loop3A_274 : f32 to vector<16xf32>
        %parallel_loop3A_276 = arith.mulf %parallel_loop3A_275, %parallel_loop3A_273 : vector<16xf32>
        %parallel_loop3A_277 = arith.maximumf %parallel_loop3A_273, %parallel_loop3A_276 : vector<16xf32>
        %parallel_loop3A_278 = arith.mulf %parallel_loop3A_277, %get3A_16 : vector<16xf32>
        %parallel_loop3A_279 = arith.addf %parallel_loop3A_266, %parallel_loop3A_278 : vector<16xf32>
        %parallel_loop3A_280 = arith.index_cast %parallel_loop3A_254 : i32 to index
        %parallel_loop3A_281 = arith.constant 32 : index
        %parallel_loop3A_282 = tpu.vector_load %arg13[%parallel_loop3A_280, %parallel_loop3A_281] {strides = array<i32>} : memref<80x64xf32, #tpu.memory_space<vmem>>, vector<16xf32>,
        %parallel_loop3A_283 = arith.index_cast %parallel_loop3A_254 : i32 to index
        %parallel_loop3A_284 = arith.constant 32 : index
        %parallel_loop3A_285 = tpu.vector_load %arg14[%parallel_loop3A_283, %parallel_loop3A_284] {strides = array<i32>} : memref<80x64xf32, #tpu.memory_space<vmem>>, vector<16xf32>,
        %parallel_loop3A_286 = arith.addf %parallel_loop3A_282, %parallel_loop3A_285 : vector<16xf32>
        %parallel_loop3A_287 = arith.constant 2.000000e-01 : f32
        %parallel_loop3A_288 = vector.broadcast %parallel_loop3A_287 : f32 to vector<16xf32>
        %parallel_loop3A_289 = arith.mulf %parallel_loop3A_288, %parallel_loop3A_286 : vector<16xf32>
        %parallel_loop3A_290 = arith.maximumf %parallel_loop3A_286, %parallel_loop3A_289 : vector<16xf32>
        %parallel_loop3A_291 = arith.mulf %parallel_loop3A_290, %get3A_18 : vector<16xf32>
        %parallel_loop3A_292 = arith.addf %parallel_loop3A_279, %parallel_loop3A_291 : vector<16xf32>
        %parallel_loop3A_293 = arith.index_cast %parallel_loop3A_254 : i32 to index
        %parallel_loop3A_294 = arith.constant 48 : index
        %parallel_loop3A_295 = tpu.vector_load %arg13[%parallel_loop3A_293, %parallel_loop3A_294] {strides = array<i32>} : memref<80x64xf32, #tpu.memory_space<vmem>>, vector<16xf32>,
        %parallel_loop3A_296 = arith.index_cast %parallel_loop3A_254 : i32 to index
        %parallel_loop3A_297 = arith.constant 48 : index
        %parallel_loop3A_298 = tpu.vector_load %arg14[%parallel_loop3A_296, %parallel_loop3A_297] {strides = array<i32>} : memref<80x64xf32, #tpu.memory_space<vmem>>, vector<16xf32>,
        %parallel_loop3A_299 = arith.addf %parallel_loop3A_295, %parallel_loop3A_298 : vector<16xf32>
        %parallel_loop3A_300 = arith.constant 2.000000e-01 : f32
        %parallel_loop3A_301 = vector.broadcast %parallel_loop3A_300 : f32 to vector<16xf32>
        %parallel_loop3A_302 = arith.mulf %parallel_loop3A_301, %parallel_loop3A_299 : vector<16xf32>
        %parallel_loop3A_303 = arith.maximumf %parallel_loop3A_299, %parallel_loop3A_302 : vector<16xf32>
        %parallel_loop3A_304 = arith.mulf %parallel_loop3A_303, %get3A_20 : vector<16xf32>
        %parallel_loop3A_305 = arith.addf %parallel_loop3A_292, %parallel_loop3A_304 : vector<16xf32>
        %parallel_loop3A_306 = arith.constant true
        %parallel_loop3A_307 = vector.broadcast %parallel_loop3A_306 : i1 to vector<16xi1>
        %parallel_loop3A_308 = tpu.scan <sum>, %parallel_loop3A_305 masked %parallel_loop3A_307 : vector<16xf32>, vector<16xi1> -> vector<16xf32>
        %parallel_loop3A_309 = vector.extract %parallel_loop3A_308[15] : f32 from vector<16xf32>
        %parallel_loop3A_310 = vector.broadcast %parallel_loop3A_254 : i32 to vector<16xi32>
        %parallel_loop3A_311 = vector.broadcast %parallel_loop3A_309 : f32 to vector<16xf32>
        %parallel_loop3A_312 = arith.addf %broadcast_in_dim3A_0, %parallel_loop3A_311 : vector<16xf32>
        tpu.vector_store_idx %arg18[%parallel_loop3A_310], %parallel_loop3A_312 masked %eq3A_2 : memref<80xf32, #tpu.memory_space<vmem>>[vector<16xi32>], vector<16xf32>, vector<16xi1>
      } {sc.loop_unroll_factor = 8 : i64, sc.parallel_access}
      %scan3A_215 = arith.constant 0 : i32
      %scan3A_216 = arith.constant 5 : i32
      %scan3A_217 = arith.addi %scan3A_215, %scan3A_216 : i32
      %scan3A_218 = arith.constant 1 : i32
      scf.for %scan3A_254 = %scan3A_215 to %scan3A_217 step %scan3A_218  : i32 {
        %mul3A_255 = arith.constant 16 : i32
        %mul3A_256 = arith.muli %scan3A_254, %mul3A_255 : i32
        %add3A_257 = arith.constant 0 : i32
        %add3A_258 = arith.addi %add3A_257, %mul3A_256 : i32
        %get3A_259 = arith.index_cast %add3A_258 : i32 to index
        %get3A_260 = tpu.vector_load %arg18[%get3A_259] {strides = array<i32>} : memref<80xf32, #tpu.memory_space<vmem>>, vector<16xf32>,
        %exp3A = math.exp %get3A_260 : vector<16xf32>
        %swap3A = arith.index_cast %add3A_258 : i32 to index
        %swap3A_261 = tpu.vector_load %arg19[%swap3A] {strides = array<i32>} : memref<80xf32, #tpu.memory_space<vmem>>, vector<16xf32>,
        tpu.vector_store %arg19[%swap3A], %exp3A {strides = array<i32>} : memref<80xf32, #tpu.memory_space<vmem>>, vector<16xf32>,
      }
      %scan3A_219 = arith.constant 5 : i32
      %gt3A_220 = arith.constant 0 : i32
      %gt3A_221 = arith.cmpi sgt, %add3A_109, %gt3A_220 : i32
      %convert_element_type3A_222 = arith.extui %gt3A_221 : i1 to i32
      %cond3A_223 = arith.constant 0 : i32
      %cond3A_224 = arith.cmpi ne, %convert_element_type3A_222, %cond3A_223 : i32
      scf.if %cond3A_224 {
        %dma_wait3A_254 = arith.constant 0 : i32
        %dma_wait3A_255 = arith.constant 0 : i32
        %dma_wait3A_256 = tpu.memref_slice %arg20[%dma_wait3A_254, %dma_wait3A_255] : memref<10112x80xf32, #tpu.memory_space<vmem_shared>> -> memref<10112x80xf32, #tpu.memory_space<vmem_shared>>
        tpu.wait_indirect_dma semaphore(%arg24 : memref<!tpu.dma_semaphore, #tpu.memory_space<semaphore_mem>>) src(%arg16 : memref<80x80xf32, #tpu.memory_space<vmem>>) dst(%dma_wait3A_256 : memref<10112x80xf32, #tpu.memory_space<vmem_shared>>)
      } else {
      }
      %parallel_loop3A_225 = arith.constant 0 : i32
      %parallel_loop3A_226 = arith.constant 80 : i32
      %parallel_loop3A_227 = arith.constant 1 : i32
      scf.for %parallel_loop3A_254 = %parallel_loop3A_225 to %parallel_loop3A_226 step %parallel_loop3A_227  : i32 {
        %parallel_loop3A_255 = vector.broadcast %parallel_loop3A_254 : i32 to vector<16xi32>
        %parallel_loop3A_256 = tpu.vector_load_idx %arg19[%parallel_loop3A_255] : memref<80xf32, #tpu.memory_space<vmem>>[vector<16xi32>], vector<16xf32>,
        %parallel_loop3A_257 = arith.index_cast %parallel_loop3A_254 : i32 to index
        %parallel_loop3A_258 = arith.constant 0 : index
        %parallel_loop3A_259 = tpu.vector_load %arg13[%parallel_loop3A_257, %parallel_loop3A_258] {strides = array<i32>} : memref<80x64xf32, #tpu.memory_space<vmem>>, vector<16xf32>,
        %parallel_loop3A_260 = arith.mulf %parallel_loop3A_259, %parallel_loop3A_256 : vector<16xf32>
        %parallel_loop3A_261 = arith.index_cast %parallel_loop3A_254 : i32 to index
        %parallel_loop3A_262 = arith.constant 0 : index
        %parallel_loop3A_263 = tpu.vector_load %arg16[%parallel_loop3A_261, %parallel_loop3A_262] {strides = array<i32>} : memref<80x80xf32, #tpu.memory_space<vmem>>, vector<16xf32>,
        tpu.vector_store %arg16[%parallel_loop3A_261, %parallel_loop3A_262], %parallel_loop3A_260 {strides = array<i32>} : memref<80x80xf32, #tpu.memory_space<vmem>>, vector<16xf32>,
        %parallel_loop3A_264 = arith.index_cast %parallel_loop3A_254 : i32 to index
        %parallel_loop3A_265 = arith.constant 16 : index
        %parallel_loop3A_266 = tpu.vector_load %arg13[%parallel_loop3A_264, %parallel_loop3A_265] {strides = array<i32>} : memref<80x64xf32, #tpu.memory_space<vmem>>, vector<16xf32>,
        %parallel_loop3A_267 = arith.mulf %parallel_loop3A_266, %parallel_loop3A_256 : vector<16xf32>
        %parallel_loop3A_268 = arith.index_cast %parallel_loop3A_254 : i32 to index
        %parallel_loop3A_269 = arith.constant 16 : index
        %parallel_loop3A_270 = tpu.vector_load %arg16[%parallel_loop3A_268, %parallel_loop3A_269] {strides = array<i32>} : memref<80x80xf32, #tpu.memory_space<vmem>>, vector<16xf32>,
        tpu.vector_store %arg16[%parallel_loop3A_268, %parallel_loop3A_269], %parallel_loop3A_267 {strides = array<i32>} : memref<80x80xf32, #tpu.memory_space<vmem>>, vector<16xf32>,
        %parallel_loop3A_271 = arith.index_cast %parallel_loop3A_254 : i32 to index
        %parallel_loop3A_272 = arith.constant 32 : index
        %parallel_loop3A_273 = tpu.vector_load %arg13[%parallel_loop3A_271, %parallel_loop3A_272] {strides = array<i32>} : memref<80x64xf32, #tpu.memory_space<vmem>>, vector<16xf32>,
        %parallel_loop3A_274 = arith.mulf %parallel_loop3A_273, %parallel_loop3A_256 : vector<16xf32>
        %parallel_loop3A_275 = arith.index_cast %parallel_loop3A_254 : i32 to index
        %parallel_loop3A_276 = arith.constant 32 : index
        %parallel_loop3A_277 = tpu.vector_load %arg16[%parallel_loop3A_275, %parallel_loop3A_276] {strides = array<i32>} : memref<80x80xf32, #tpu.memory_space<vmem>>, vector<16xf32>,
        tpu.vector_store %arg16[%parallel_loop3A_275, %parallel_loop3A_276], %parallel_loop3A_274 {strides = array<i32>} : memref<80x80xf32, #tpu.memory_space<vmem>>, vector<16xf32>,
        %parallel_loop3A_278 = arith.index_cast %parallel_loop3A_254 : i32 to index
        %parallel_loop3A_279 = arith.constant 48 : index
        %parallel_loop3A_280 = tpu.vector_load %arg13[%parallel_loop3A_278, %parallel_loop3A_279] {strides = array<i32>} : memref<80x64xf32, #tpu.memory_space<vmem>>, vector<16xf32>,
        %parallel_loop3A_281 = arith.mulf %parallel_loop3A_280, %parallel_loop3A_256 : vector<16xf32>
        %parallel_loop3A_282 = arith.index_cast %parallel_loop3A_254 : i32 to index
        %parallel_loop3A_283 = arith.constant 48 : index
        %parallel_loop3A_284 = tpu.vector_load %arg16[%parallel_loop3A_282, %parallel_loop3A_283] {strides = array<i32>} : memref<80x80xf32, #tpu.memory_space<vmem>>, vector<16xf32>,
        tpu.vector_store %arg16[%parallel_loop3A_282, %parallel_loop3A_283], %parallel_loop3A_281 {strides = array<i32>} : memref<80x80xf32, #tpu.memory_space<vmem>>, vector<16xf32>,
        %parallel_loop3A_285 = arith.index_cast %parallel_loop3A_254 : i32 to index
        %parallel_loop3A_286 = arith.constant 64 : index
        %parallel_loop3A_287 = tpu.vector_load %arg16[%parallel_loop3A_285, %parallel_loop3A_286] {strides = array<i32>} : memref<80x80xf32, #tpu.memory_space<vmem>>, vector<16xf32>,
        tpu.vector_store %arg16[%parallel_loop3A_285, %parallel_loop3A_286], %parallel_loop3A_256 {strides = array<i32>} : memref<80x80xf32, #tpu.memory_space<vmem>>, vector<16xf32>,
      } {sc.loop_unroll_factor = 8 : i64, sc.parallel_access}
      %dma_start3A_228 = arith.constant 0 : i32
      %dma_start3A_229 = arith.constant 0 : i32
      %dma_start3A_230 = tpu.memref_slice %arg20[%dma_start3A_228, %dma_start3A_229] : memref<10112x80xf32, #tpu.memory_space<vmem_shared>> -> memref<10112x80xf32, #tpu.memory_space<vmem_shared>>
      tpu.enqueue_indirect_dma source(%arg16 : memref<80x80xf32, #tpu.memory_space<vmem>>) target(%dma_start3A_230 : memref<10112x80xf32, #tpu.memory_space<vmem_shared>>) offsets(%arg10 : memref<80xi32, #tpu.memory_space<vmem>>) semaphore(%arg24 : memref<!tpu.dma_semaphore, #tpu.memory_space<semaphore_mem>>) {add = true}
      %dma_wait3A_231 = arith.constant 0 : i32
      %dma_wait3A_232 = arith.constant 0 : i32
      %dma_wait3A_233 = arith.constant 0 : i32
      %dma_wait3A_234 = tpu.memref_slice %arg4[%dma_wait3A_231, %dma_wait3A_232, %dma_wait3A_233] : memref<4032x2x80xi32, #tpu.memory_space<hbm>> -> memref<1x2x80xi32, #tpu.memory_space<hbm>>
      %dma_wait3A_235 = tpu.memref_squeeze %dma_wait3A_234 : memref<1x2x80xi32, #tpu.memory_space<hbm>> -> memref<2x80xi32, #tpu.memory_space<hbm>>
      %dma_wait3A_236 = arith.constant 0 : i32
      %dma_wait3A_237 = arith.constant 0 : i32
      %dma_wait3A_238 = tpu.memref_slice %arg4[%dma_wait3A_231, %dma_wait3A_236, %dma_wait3A_237] : memref<4032x2x80xi32, #tpu.memory_space<hbm>> -> memref<1x2x80xi32, #tpu.memory_space<hbm>>
      %dma_wait3A_239 = tpu.memref_squeeze %dma_wait3A_238 : memref<1x2x80xi32, #tpu.memory_space<hbm>> -> memref<2x80xi32, #tpu.memory_space<hbm>>
      tpu.wait_dma2 semaphore(%arg21 : memref<!tpu.dma_semaphore, #tpu.memory_space<semaphore_mem>>) src(%dma_wait3A_239 : memref<2x80xi32, #tpu.memory_space<hbm>>) dst(%arg7 : memref<2x80xi32, #tpu.memory_space<vmem>>)
      %dma_start3A_240 = arith.constant 0 : i32
      %dma_start3A_241 = arith.constant 0 : i32
      %dma_start3A_242 = tpu.memref_slice %arg7[%dma_start3A_240, %dma_start3A_241] : memref<2x80xi32, #tpu.memory_space<vmem>> -> memref<1x80xi32, #tpu.memory_space<vmem>>
      %dma_start3A_243 = tpu.memref_squeeze %dma_start3A_242 : memref<1x80xi32, #tpu.memory_space<vmem>> -> memref<80xi32, #tpu.memory_space<vmem>>
      %dma_start3A_244 = arith.constant 0 : i32
      %dma_start3A_245 = arith.constant 0 : i32
      %dma_start3A_246 = tpu.memref_slice %arg2[%dma_start3A_244, %dma_start3A_245] : memref<10240x64xf32, #tpu.memory_space<hbm>> -> memref<10240x64xf32, #tpu.memory_space<hbm>>
      tpu.enqueue_indirect_dma source(%dma_start3A_246 : memref<10240x64xf32, #tpu.memory_space<hbm>>) target(%arg11 : memref<80x64xf32, #tpu.memory_space<vmem>>) offsets(%dma_start3A_243 : memref<80xi32, #tpu.memory_space<vmem>>) semaphore(%arg21 : memref<!tpu.dma_semaphore, #tpu.memory_space<semaphore_mem>>)
      %dma_start3A_247 = arith.constant 1 : i32
      %dma_start3A_248 = arith.constant 0 : i32
      %dma_start3A_249 = tpu.memref_slice %arg7[%dma_start3A_247, %dma_start3A_248] : memref<2x80xi32, #tpu.memory_space<vmem>> -> memref<1x80xi32, #tpu.memory_space<vmem>>
      %dma_start3A_250 = tpu.memref_squeeze %dma_start3A_249 : memref<1x80xi32, #tpu.memory_space<vmem>> -> memref<80xi32, #tpu.memory_space<vmem>>
      %dma_start3A_251 = arith.constant 0 : i32
      %dma_start3A_252 = arith.constant 0 : i32
      %dma_start3A_253 = tpu.memref_slice %arg3[%dma_start3A_251, %dma_start3A_252] : memref<10240x64xf32, #tpu.memory_space<hbm>> -> memref<10240x64xf32, #tpu.memory_space<hbm>>
      tpu.enqueue_indirect_dma source(%dma_start3A_253 : memref<10240x64xf32, #tpu.memory_space<hbm>>) target(%arg12 : memref<80x64xf32, #tpu.memory_space<vmem>>) offsets(%dma_start3A_250 : memref<80xi32, #tpu.memory_space<vmem>>) semaphore(%arg21 : memref<!tpu.dma_semaphore, #tpu.memory_space<semaphore_mem>>)
    }
    %scan3A_74 = arith.constant 63 : i32
    %dma_wait3A_75 = arith.constant 0 : i32
    %dma_wait3A_76 = arith.constant 0 : i32
    %dma_wait3A_77 = tpu.memref_slice %arg7[%dma_wait3A_75, %dma_wait3A_76] : memref<2x80xi32, #tpu.memory_space<vmem>> -> memref<1x80xi32, #tpu.memory_space<vmem>>
    %dma_wait3A_78 = tpu.memref_squeeze %dma_wait3A_77 : memref<1x80xi32, #tpu.memory_space<vmem>> -> memref<80xi32, #tpu.memory_space<vmem>>
    %dma_wait3A_79 = arith.constant 0 : i32
    %dma_wait3A_80 = arith.constant 0 : i32
    %dma_wait3A_81 = tpu.memref_slice %arg2[%dma_wait3A_79, %dma_wait3A_80] : memref<10240x64xf32, #tpu.memory_space<hbm>> -> memref<10240x64xf32, #tpu.memory_space<hbm>>
    tpu.wait_indirect_dma semaphore(%arg21 : memref<!tpu.dma_semaphore, #tpu.memory_space<semaphore_mem>>) src(%dma_wait3A_81 : memref<10240x64xf32, #tpu.memory_space<hbm>>) dst(%arg11 : memref<80x64xf32, #tpu.memory_space<vmem>>)
    %dma_wait3A_82 = arith.constant 1 : i32
    %dma_wait3A_83 = arith.constant 0 : i32
    %dma_wait3A_84 = tpu.memref_slice %arg7[%dma_wait3A_82, %dma_wait3A_83] : memref<2x80xi32, #tpu.memory_space<vmem>> -> memref<1x80xi32, #tpu.memory_space<vmem>>
    %dma_wait3A_85 = tpu.memref_squeeze %dma_wait3A_84 : memref<1x80xi32, #tpu.memory_space<vmem>> -> memref<80xi32, #tpu.memory_space<vmem>>
    %dma_wait3A_86 = arith.constant 0 : i32
    %dma_wait3A_87 = arith.constant 0 : i32
    %dma_wait3A_88 = tpu.memref_slice %arg3[%dma_wait3A_86, %dma_wait3A_87] : memref<10240x64xf32, #tpu.memory_space<hbm>> -> memref<10240x64xf32, #tpu.memory_space<hbm>>
    tpu.wait_indirect_dma semaphore(%arg21 : memref<!tpu.dma_semaphore, #tpu.memory_space<semaphore_mem>>) src(%dma_wait3A_88 : memref<10240x64xf32, #tpu.memory_space<hbm>>) dst(%arg12 : memref<80x64xf32, #tpu.memory_space<vmem>>)
    %dma_wait3A_89 = arith.constant 0 : i32
    %dma_wait3A_90 = arith.constant 0 : i32
    %dma_wait3A_91 = arith.constant 0 : i32
    %dma_wait3A_92 = tpu.memref_slice %arg4[%dma_wait3A_89, %dma_wait3A_90, %dma_wait3A_91] : memref<4032x2x80xi32, #tpu.memory_space<hbm>> -> memref<1x2x80xi32, #tpu.memory_space<hbm>>
    %dma_wait3A_93 = tpu.memref_squeeze %dma_wait3A_92 : memref<1x2x80xi32, #tpu.memory_space<hbm>> -> memref<2x80xi32, #tpu.memory_space<hbm>>
    %dma_wait3A_94 = arith.constant 0 : i32
    %dma_wait3A_95 = arith.constant 0 : i32
    %dma_wait3A_96 = tpu.memref_slice %arg4[%dma_wait3A_89, %dma_wait3A_94, %dma_wait3A_95] : memref<4032x2x80xi32, #tpu.memory_space<hbm>> -> memref<1x2x80xi32, #tpu.memory_space<hbm>>
    %dma_wait3A_97 = tpu.memref_squeeze %dma_wait3A_96 : memref<1x2x80xi32, #tpu.memory_space<hbm>> -> memref<2x80xi32, #tpu.memory_space<hbm>>
    tpu.wait_dma2 semaphore(%arg22 : memref<!tpu.dma_semaphore, #tpu.memory_space<semaphore_mem>>) src(%dma_wait3A_97 : memref<2x80xi32, #tpu.memory_space<hbm>>) dst(%arg8 : memref<2x80xi32, #tpu.memory_space<vmem>>)
    %dma_wait3A_98 = arith.constant 0 : i32
    %dma_wait3A_99 = arith.constant 0 : i32
    %dma_wait3A_100 = tpu.memref_slice %arg20[%dma_wait3A_98, %dma_wait3A_99] : memref<10112x80xf32, #tpu.memory_space<vmem_shared>> -> memref<10112x80xf32, #tpu.memory_space<vmem_shared>>
    tpu.wait_indirect_dma semaphore(%arg23 : memref<!tpu.dma_semaphore, #tpu.memory_space<semaphore_mem>>) src(%arg15 : memref<80x80xf32, #tpu.memory_space<vmem>>) dst(%dma_wait3A_100 : memref<10112x80xf32, #tpu.memory_space<vmem_shared>>)
    %dma_wait3A_101 = arith.constant 0 : i32
    %dma_wait3A_102 = arith.constant 0 : i32
    %dma_wait3A_103 = tpu.memref_slice %arg20[%dma_wait3A_101, %dma_wait3A_102] : memref<10112x80xf32, #tpu.memory_space<vmem_shared>> -> memref<10112x80xf32, #tpu.memory_space<vmem_shared>>
    tpu.wait_indirect_dma semaphore(%arg24 : memref<!tpu.dma_semaphore, #tpu.memory_space<semaphore_mem>>) src(%arg16 : memref<80x80xf32, #tpu.memory_space<vmem>>) dst(%dma_wait3A_103 : memref<10112x80xf32, #tpu.memory_space<vmem_shared>>)
    %barrier3A_104 = arith.constant 0 : index
    tpu.barrier barrier_id(%barrier3A_104)
    "tpu.region"() ({
      %run_scoped3A = tpu.sem_alloc : memref<!tpu.dma_semaphore, #tpu.memory_space<semaphore_mem>>
      %dma_start3A_105 = arith.constant 0 : i32
      %dma_start3A_106 = arith.constant 0 : i32
      %dma_start3A_107 = tpu.memref_slice %arg6[%arg0, %dma_start3A_105, %dma_start3A_106] : memref<2x10240x80xf32, #tpu.memory_space<hbm>> -> memref<1x10240x80xf32, #tpu.memory_space<hbm>>
      %dma_start3A_108 = tpu.memref_squeeze %dma_start3A_107 : memref<1x10240x80xf32, #tpu.memory_space<hbm>> -> memref<10240x80xf32, #tpu.memory_space<hbm>>
      %dma_start3A_109 = arith.constant 0 : i32
      %dma_start3A_110 = tpu.memref_slice %dma_start3A_108[%mul3A_7, %dma_start3A_109] : memref<10240x80xf32, #tpu.memory_space<hbm>> -> memref<632x80xf32, #tpu.memory_space<hbm>>
      %dma_start3A_111 = arith.constant 0 : i32
      %dma_start3A_112 = tpu.memref_slice %arg20[%mul3A_7, %dma_start3A_111] : memref<10112x80xf32, #tpu.memory_space<vmem_shared>> -> memref<632x80xf32, #tpu.memory_space<vmem_shared>>
      tpu.enqueue_dma source(%dma_start3A_112 : memref<632x80xf32, #tpu.memory_space<vmem_shared>>) target(%dma_start3A_110 : memref<632x80xf32, #tpu.memory_space<hbm>>) target_semaphore(%run_scoped3A : memref<!tpu.dma_semaphore, #tpu.memory_space<semaphore_mem>>)
      %dma_wait3A_113 = arith.constant 0 : i32
      %dma_wait3A_114 = arith.constant 0 : i32
      %dma_wait3A_115 = tpu.memref_slice %arg6[%arg0, %dma_wait3A_113, %dma_wait3A_114] : memref<2x10240x80xf32, #tpu.memory_space<hbm>> -> memref<1x10240x80xf32, #tpu.memory_space<hbm>>
      %dma_wait3A_116 = tpu.memref_squeeze %dma_wait3A_115 : memref<1x10240x80xf32, #tpu.memory_space<hbm>> -> memref<10240x80xf32, #tpu.memory_space<hbm>>
      %dma_wait3A_117 = arith.constant 0 : i32
      %dma_wait3A_118 = tpu.memref_slice %dma_wait3A_116[%mul3A_7, %dma_wait3A_117] : memref<10240x80xf32, #tpu.memory_space<hbm>> -> memref<632x80xf32, #tpu.memory_space<hbm>>
      %dma_wait3A_119 = arith.constant 0 : i32
      %dma_wait3A_120 = tpu.memref_slice %arg20[%mul3A_7, %dma_wait3A_119] : memref<10112x80xf32, #tpu.memory_space<vmem_shared>> -> memref<632x80xf32, #tpu.memory_space<vmem_shared>>
      tpu.wait_dma2 semaphore(%run_scoped3A : memref<!tpu.dma_semaphore, #tpu.memory_space<semaphore_mem>>) src(%dma_wait3A_120 : memref<632x80xf32, #tpu.memory_space<vmem_shared>>) dst(%dma_wait3A_118 : memref<632x80xf32, #tpu.memory_space<hbm>>)
      tpu.yield
    }) : () -> ()
    return
  }
}

module attributes {stable_mosaic.version = 14 : i64} {
  func.func @_pre_body(%arg0: i32, %arg1: memref<1024x128xf32, #tpu.memory_space<vmem>>, %arg2: memref<128x64xf32, #tpu.memory_space<vmem>>, %arg3: memref<128x64xf32, #tpu.memory_space<vmem>>, %arg4: memref<128x64xf32, #tpu.memory_space<vmem>>, %arg5: memref<1x64xf32, #tpu.memory_space<vmem>>, %arg6: memref<1x64xf32, #tpu.memory_space<vmem>>, %arg7: memref<1024x64xf32, #tpu.memory_space<vmem>>, %arg8: memref<1024x64xf32, #tpu.memory_space<vmem>>, %arg9: memref<1024x64xf32, #tpu.memory_space<vmem>>, %arg10: memref<1024x64xf32, #tpu.memory_space<vmem>>, %arg11: memref<1024x1xf32, #tpu.memory_space<vmem>>) attributes {dimension_semantics = [#tpu.dimension_semantics<arbitrary>], iteration_bounds = array<i64: 10>, scalar_prefetch = 0 : i64, scratch_operands = 0 : i64, tpu.core_type = #tpu.core_type<tc>, window_params = [{transform_indices = @transform_0, window_bounds = array<i64: 1024, 128>}, {pipeline_mode = #tpu.pipeline_mode<synchronous>, transform_indices = @transform_1, window_bounds = array<i64: 128, 64>}, {pipeline_mode = #tpu.pipeline_mode<synchronous>, transform_indices = @transform_2, window_bounds = array<i64: 128, 64>}, {pipeline_mode = #tpu.pipeline_mode<synchronous>, transform_indices = @transform_3, window_bounds = array<i64: 128, 64>}, {pipeline_mode = #tpu.pipeline_mode<synchronous>, transform_indices = @transform_4, window_bounds = array<i64: 1, 64>}, {pipeline_mode = #tpu.pipeline_mode<synchronous>, transform_indices = @transform_5, window_bounds = array<i64: 1, 64>}, {transform_indices = @transform_6, window_bounds = array<i64: 1024, 64>}, {transform_indices = @transform_7, window_bounds = array<i64: 1024, 64>}, {transform_indices = @transform_8, window_bounds = array<i64: 1024, 64>}, {transform_indices = @transform_9, window_bounds = array<i64: 1024, 64>}, {transform_indices = @transform_10, window_bounds = array<i64: 1024, 1>}]} {
    %get3A = arith.constant 0 : index
    %get3A_0 = arith.constant 0 : index
    %get3A_1 = vector.load %arg1[%get3A, %get3A_0] : memref<1024x128xf32, #tpu.memory_space<vmem>>, vector<1024x128xf32>
    %get3A_2 = arith.constant 0 : index
    %get3A_3 = arith.constant 0 : index
    %get3A_4 = vector.load %arg2[%get3A_2, %get3A_3] : memref<128x64xf32, #tpu.memory_space<vmem>>, vector<128x64xf32>
    %dot_general3A = arith.constant dense<0.000000e+00> : vector<1024x64xf32>
    %dot_general3A_5 = tpu.matmul %get3A_1, %get3A_4, %dot_general3A {dimension_numbers = #tpu.dot_dimension_numbers<[1], [0], [0], [1], [0, 0, 1, 1], [], []>, transpose_lhs_hint = false} : vector<1024x128xf32>, vector<128x64xf32>, vector<1024x64xf32> -> vector<1024x64xf32>
    %get3A_6 = arith.constant 0 : index
    %get3A_7 = arith.constant 0 : index
    %get3A_8 = vector.load %arg3[%get3A_6, %get3A_7] : memref<128x64xf32, #tpu.memory_space<vmem>>, vector<128x64xf32>
    %dot_general3A_9 = arith.constant dense<0.000000e+00> : vector<1024x64xf32>
    %dot_general3A_10 = tpu.matmul %get3A_1, %get3A_8, %dot_general3A_9 {dimension_numbers = #tpu.dot_dimension_numbers<[1], [0], [0], [1], [0, 0, 1, 1], [], []>, transpose_lhs_hint = false} : vector<1024x128xf32>, vector<128x64xf32>, vector<1024x64xf32> -> vector<1024x64xf32>
    %get3A_11 = arith.constant 0 : index
    %get3A_12 = arith.constant 0 : index
    %get3A_13 = vector.load %arg4[%get3A_11, %get3A_12] : memref<128x64xf32, #tpu.memory_space<vmem>>, vector<128x64xf32>
    %dot_general3A_14 = arith.constant dense<0.000000e+00> : vector<1024x64xf32>
    %dot_general3A_15 = tpu.matmul %get3A_1, %get3A_13, %dot_general3A_14 {dimension_numbers = #tpu.dot_dimension_numbers<[1], [0], [0], [1], [0, 0, 1, 1], [], []>, transpose_lhs_hint = false} : vector<1024x128xf32>, vector<128x64xf32>, vector<1024x64xf32> -> vector<1024x64xf32>
    %swap3A = arith.constant 0 : index
    %swap3A_16 = arith.constant 0 : index
    %swap3A_17 = vector.load %arg7[%swap3A, %swap3A_16] : memref<1024x64xf32, #tpu.memory_space<vmem>>, vector<1024x64xf32>
    tpu.vector_store %arg7[%swap3A, %swap3A_16], %dot_general3A_5 {strides = array<i32>} : memref<1024x64xf32, #tpu.memory_space<vmem>>, vector<1024x64xf32>,
    %swap3A_18 = arith.constant 0 : index
    %swap3A_19 = arith.constant 0 : index
    %swap3A_20 = vector.load %arg8[%swap3A_18, %swap3A_19] : memref<1024x64xf32, #tpu.memory_space<vmem>>, vector<1024x64xf32>
    tpu.vector_store %arg8[%swap3A_18, %swap3A_19], %dot_general3A_10 {strides = array<i32>} : memref<1024x64xf32, #tpu.memory_space<vmem>>, vector<1024x64xf32>,
    %get3A_21 = arith.constant 0 : index
    %get3A_22 = arith.constant 0 : index
    %get3A_23 = vector.load %arg6[%get3A_21, %get3A_22] : memref<1x64xf32, #tpu.memory_space<vmem>>, vector<1x64xf32>
    %add3A = vector.broadcast %get3A_23 : vector<1x64xf32> to vector<1024x64xf32>
    %add3A_24 = arith.addf %dot_general3A_15, %add3A : vector<1024x64xf32>
    %swap3A_25 = arith.constant 0 : index
    %swap3A_26 = arith.constant 0 : index
    %swap3A_27 = vector.load %arg9[%swap3A_25, %swap3A_26] : memref<1024x64xf32, #tpu.memory_space<vmem>>, vector<1024x64xf32>
    tpu.vector_store %arg9[%swap3A_25, %swap3A_26], %add3A_24 {strides = array<i32>} : memref<1024x64xf32, #tpu.memory_space<vmem>>, vector<1024x64xf32>,
    %add3A_28 = arith.addf %dot_general3A_5, %dot_general3A_10 : vector<1024x64xf32>
    %mul3A = arith.constant 2.000000e-01 : f32
    %mul3A_29 = vector.broadcast %mul3A : f32 to vector<1024x64xf32>
    %mul3A_30 = arith.mulf %mul3A_29, %add3A_28 : vector<1024x64xf32>
    %max3A = arith.maximumf %add3A_28, %mul3A_30 : vector<1024x64xf32>
    %get3A_31 = arith.constant 0 : index
    %get3A_32 = arith.constant 0 : index
    %get3A_33 = vector.load %arg5[%get3A_31, %get3A_32] : memref<1x64xf32, #tpu.memory_space<vmem>>, vector<1x64xf32>
    %mul3A_34 = vector.broadcast %get3A_33 : vector<1x64xf32> to vector<1024x64xf32>
    %mul3A_35 = arith.mulf %max3A, %mul3A_34 : vector<1024x64xf32>
    %reduce_sum3A = arith.constant dense<0.000000e+00> : vector<1024xf32>
    %reduce_sum3A_36 = vector.multi_reduction <add>, %mul3A_35, %reduce_sum3A [1] : vector<1024x64xf32> to vector<1024xf32>
    %broadcast_in_dim3A = vector.shape_cast %reduce_sum3A_36 : vector<1024xf32> to vector<1024x1xf32>
    %exp3A = math.exp %broadcast_in_dim3A : vector<1024x1xf32>
    %mul3A_37 = vector.broadcast %exp3A : vector<1024x1xf32> to vector<1024x64xf32>
    %mul3A_38 = arith.mulf %dot_general3A_5, %mul3A_37 : vector<1024x64xf32>
    %swap3A_39 = arith.constant 0 : index
    %swap3A_40 = arith.constant 0 : index
    %swap3A_41 = vector.load %arg10[%swap3A_39, %swap3A_40] : memref<1024x64xf32, #tpu.memory_space<vmem>>, vector<1024x64xf32>
    tpu.vector_store %arg10[%swap3A_39, %swap3A_40], %mul3A_38 {strides = array<i32>} : memref<1024x64xf32, #tpu.memory_space<vmem>>, vector<1024x64xf32>,
    %swap3A_42 = arith.constant 0 : index
    %swap3A_43 = arith.constant 0 : index
    %swap3A_44 = vector.load %arg11[%swap3A_42, %swap3A_43] : memref<1024x1xf32, #tpu.memory_space<vmem>>, vector<1024x1xf32>
    tpu.vector_store %arg11[%swap3A_42, %swap3A_43], %exp3A {strides = array<i32>} : memref<1024x1xf32, #tpu.memory_space<vmem>>, vector<1024x1xf32>,
    return
  }
  func.func @transform_0(%arg0: i32) -> (i32, i32) {
    %c0_i32 = arith.constant 0 : i32
    %c0_i32_0 = arith.constant 0 : i32
    return %arg0, %c0_i32 : i32, i32
  }
  func.func @transform_1(%arg0: i32) -> (i32, i32) {
    %c0_i32 = arith.constant 0 : i32
    %c0_i32_0 = arith.constant 0 : i32
    %c0_i32_1 = arith.constant 0 : i32
    return %c0_i32, %c0_i32_0 : i32, i32
  }
  func.func @transform_2(%arg0: i32) -> (i32, i32) {
    %c0_i32 = arith.constant 0 : i32
    %c0_i32_0 = arith.constant 0 : i32
    %c0_i32_1 = arith.constant 0 : i32
    return %c0_i32, %c0_i32_0 : i32, i32
  }
  func.func @transform_3(%arg0: i32) -> (i32, i32) {
    %c0_i32 = arith.constant 0 : i32
    %c0_i32_0 = arith.constant 0 : i32
    %c0_i32_1 = arith.constant 0 : i32
    return %c0_i32, %c0_i32_0 : i32, i32
  }
  func.func @transform_4(%arg0: i32) -> (i32, i32) {
    %c0_i32 = arith.constant 0 : i32
    %c0_i32_0 = arith.constant 0 : i32
    %c0_i32_1 = arith.constant 0 : i32
    return %c0_i32, %c0_i32_0 : i32, i32
  }
  func.func @transform_5(%arg0: i32) -> (i32, i32) {
    %c0_i32 = arith.constant 0 : i32
    %c0_i32_0 = arith.constant 0 : i32
    %c0_i32_1 = arith.constant 0 : i32
    return %c0_i32, %c0_i32_0 : i32, i32
  }
  func.func @transform_6(%arg0: i32) -> (i32, i32) {
    %c0_i32 = arith.constant 0 : i32
    %c0_i32_0 = arith.constant 0 : i32
    return %arg0, %c0_i32 : i32, i32
  }
  func.func @transform_7(%arg0: i32) -> (i32, i32) {
    %c0_i32 = arith.constant 0 : i32
    %c0_i32_0 = arith.constant 0 : i32
    return %arg0, %c0_i32 : i32, i32
  }
  func.func @transform_8(%arg0: i32) -> (i32, i32) {
    %c0_i32 = arith.constant 0 : i32
    %c0_i32_0 = arith.constant 0 : i32
    return %arg0, %c0_i32 : i32, i32
  }
  func.func @transform_9(%arg0: i32) -> (i32, i32) {
    %c0_i32 = arith.constant 0 : i32
    %c0_i32_0 = arith.constant 0 : i32
    return %arg0, %c0_i32 : i32, i32
  }
  func.func @transform_10(%arg0: i32) -> (i32, i32) {
    %c0_i32 = arith.constant 0 : i32
    %c0_i32_0 = arith.constant 0 : i32
    return %arg0, %c0_i32 : i32, i32
  }
}

module attributes {stable_mosaic.version = 14 : i64} {
  func.func @_post_body(%arg0: i32, %arg1: memref<1024x80xf32, #tpu.memory_space<vmem>>, %arg2: memref<1024x80xf32, #tpu.memory_space<vmem>>, %arg3: memref<1024x64xf32, #tpu.memory_space<vmem>>, %arg4: memref<1024x1xf32, #tpu.memory_space<vmem>>, %arg5: memref<1024x64xf32, #tpu.memory_space<vmem>>, %arg6: memref<1x64xf32, #tpu.memory_space<vmem>>, %arg7: memref<1024x64xf32, #tpu.memory_space<vmem>>) attributes {dimension_semantics = [#tpu.dimension_semantics<arbitrary>], iteration_bounds = array<i64: 10>, scalar_prefetch = 0 : i64, scratch_operands = 0 : i64, tpu.core_type = #tpu.core_type<tc>, window_params = [{transform_indices = @transform_0, window_bounds = array<i64: 1024, 80>}, {transform_indices = @transform_1, window_bounds = array<i64: 1024, 80>}, {transform_indices = @transform_2, window_bounds = array<i64: 1024, 64>}, {transform_indices = @transform_3, window_bounds = array<i64: 1024, 1>}, {transform_indices = @transform_4, window_bounds = array<i64: 1024, 64>}, {pipeline_mode = #tpu.pipeline_mode<synchronous>, transform_indices = @transform_5, window_bounds = array<i64: 1, 64>}, {transform_indices = @transform_6, window_bounds = array<i64: 1024, 64>}]} {
    %get3A = arith.constant 0 : index
    %get3A_0 = arith.constant 0 : index
    %get3A_1 = vector.load %arg1[%get3A, %get3A_0] : memref<1024x80xf32, #tpu.memory_space<vmem>>, vector<1024x80xf32>
    %get3A_2 = arith.constant 0 : index
    %get3A_3 = arith.constant 0 : index
    %get3A_4 = vector.load %arg2[%get3A_2, %get3A_3] : memref<1024x80xf32, #tpu.memory_space<vmem>>, vector<1024x80xf32>
    %slice3A = vector.extract_strided_slice %get3A_1 {offsets = [0, 0], sizes = [1024, 64], strides = [1, 1]} : vector<1024x80xf32> to vector<1024x64xf32>
    %slice3A_5 = vector.extract_strided_slice %get3A_4 {offsets = [0, 0], sizes = [1024, 64], strides = [1, 1]} : vector<1024x80xf32> to vector<1024x64xf32>
    %add3A = arith.addf %slice3A, %slice3A_5 : vector<1024x64xf32>
    %get3A_6 = arith.constant 0 : index
    %get3A_7 = arith.constant 0 : index
    %get3A_8 = vector.load %arg3[%get3A_6, %get3A_7] : memref<1024x64xf32, #tpu.memory_space<vmem>>, vector<1024x64xf32>
    %add3A_9 = arith.addf %add3A, %get3A_8 : vector<1024x64xf32>
    %slice3A_10 = vector.extract_strided_slice %get3A_1 {offsets = [0, 64], sizes = [1024, 1], strides = [1, 1]} : vector<1024x80xf32> to vector<1024x1xf32>
    %slice3A_11 = vector.extract_strided_slice %get3A_4 {offsets = [0, 64], sizes = [1024, 1], strides = [1, 1]} : vector<1024x80xf32> to vector<1024x1xf32>
    %add3A_12 = arith.addf %slice3A_10, %slice3A_11 : vector<1024x1xf32>
    %get3A_13 = arith.constant 0 : index
    %get3A_14 = arith.constant 0 : index
    %get3A_15 = vector.load %arg4[%get3A_13, %get3A_14] : memref<1024x1xf32, #tpu.memory_space<vmem>>, vector<1024x1xf32>
    %add3A_16 = arith.addf %add3A_12, %get3A_15 : vector<1024x1xf32>
    %add3A_17 = arith.constant 1.000000e-16 : f32
    %add3A_18 = vector.broadcast %add3A_17 : f32 to vector<1024x1xf32>
    %add3A_19 = arith.addf %add3A_16, %add3A_18 : vector<1024x1xf32>
    %div3A = vector.broadcast %add3A_19 : vector<1024x1xf32> to vector<1024x64xf32>
    %div3A_20 = arith.divf %add3A_9, %div3A : vector<1024x64xf32>
    %get3A_21 = arith.constant 0 : index
    %get3A_22 = arith.constant 0 : index
    %get3A_23 = vector.load %arg6[%get3A_21, %get3A_22] : memref<1x64xf32, #tpu.memory_space<vmem>>, vector<1x64xf32>
    %add3A_24 = vector.broadcast %get3A_23 : vector<1x64xf32> to vector<1024x64xf32>
    %add3A_25 = arith.addf %div3A_20, %add3A_24 : vector<1024x64xf32>
    %get3A_26 = arith.constant 0 : index
    %get3A_27 = arith.constant 0 : index
    %get3A_28 = vector.load %arg5[%get3A_26, %get3A_27] : memref<1024x64xf32, #tpu.memory_space<vmem>>, vector<1024x64xf32>
    %add3A_29 = arith.addf %add3A_25, %get3A_28 : vector<1024x64xf32>
    %max3A = arith.constant 0.000000e+00 : f32
    %max3A_30 = vector.broadcast %max3A : f32 to vector<1024x64xf32>
    %max3A_31 = arith.maximumf %add3A_29, %max3A_30 : vector<1024x64xf32>
    %swap3A = arith.constant 0 : index
    %swap3A_32 = arith.constant 0 : index
    %swap3A_33 = vector.load %arg7[%swap3A, %swap3A_32] : memref<1024x64xf32, #tpu.memory_space<vmem>>, vector<1024x64xf32>
    tpu.vector_store %arg7[%swap3A, %swap3A_32], %max3A_31 {strides = array<i32>} : memref<1024x64xf32, #tpu.memory_space<vmem>>, vector<1024x64xf32>,
    return
  }
  func.func @transform_0(%arg0: i32) -> (i32, i32) {
    %c0_i32 = arith.constant 0 : i32
    %c0_i32_0 = arith.constant 0 : i32
    return %arg0, %c0_i32 : i32, i32
  }
  func.func @transform_1(%arg0: i32) -> (i32, i32) {
    %c0_i32 = arith.constant 0 : i32
    %c0_i32_0 = arith.constant 0 : i32
    return %arg0, %c0_i32 : i32, i32
  }
  func.func @transform_2(%arg0: i32) -> (i32, i32) {
    %c0_i32 = arith.constant 0 : i32
    %c0_i32_0 = arith.constant 0 : i32
    return %arg0, %c0_i32 : i32, i32
  }
  func.func @transform_3(%arg0: i32) -> (i32, i32) {
    %c0_i32 = arith.constant 0 : i32
    %c0_i32_0 = arith.constant 0 : i32
    return %arg0, %c0_i32 : i32, i32
  }
  func.func @transform_4(%arg0: i32) -> (i32, i32) {
    %c0_i32 = arith.constant 0 : i32
    %c0_i32_0 = arith.constant 0 : i32
    return %arg0, %c0_i32 : i32, i32
  }
  func.func @transform_5(%arg0: i32) -> (i32, i32) {
    %c0_i32 = arith.constant 0 : i32
    %c0_i32_0 = arith.constant 0 : i32
    %c0_i32_1 = arith.constant 0 : i32
    return %c0_i32, %c0_i32_0 : i32, i32
  }
  func.func @transform_6(%arg0: i32) -> (i32, i32) {
    %c0_i32 = arith.constant 0 : i32
    %c0_i32_0 = arith.constant 0 : i32
    return %arg0, %c0_i32 : i32, i32
  }
}

</mosaic_0001>

<sc_bundles>
// kernel: kernel.5.cloned.1.call-start
scs
__scs_entry_jumppad:
0x0: {  	(pc) =	sbr.rel $0x88, $3  }
0x1: {  	(tag) =	ssettag $0x0;
	lr =	simm.s32 $0x1  }
0x2: {  	[smem:$0x3F99] =	sst lr;
	_ =	strace $0xD0000000  }
0x3: {  	_ = 	snop  }
0x4: {  	_ = 	snop  }
0x5: {  	_ = 	snop  }
0x6: {  	_ = 	snop  }
0x7: {  	_ = 	snop  }
__scs_overlays_trampoline_lowered:
0x8: {  	[smem:$0x3FA8] =	sst s0  }
0x9: {  	[smem:$0x3FA9] =	sst s1  }
0xa: {  	[smem:$0x3FAA] =	sst s2  }
0xb: {  	[smem:$0x3FAB] =	sst s3  }
0xc: {  	[smem:$0x3FAC] =	sst s4  }
0xd: {  	[smem:$0x3FAD] =	sst s5  }
0xe: {  	[smem:$0x3FAE] =	sst s6  }
0xf: {  	[smem:$0x3FAF] =	sst s7  }
0x10: {  	[smem:$0x3FB0] =	sst s8  }
0x11: {  	[smem:$0x3FB1] =	sst s9;
	s0 =	simm.s32 @!p0 $0x0  }
0x12: {  	s1 =	sld [smem:$0x3F97];
	s0 =	simm.s32 @p0 $0x1  }
0x13: {  	[smem:$0x3FB2] =	sst s0;
	s0 =	simm.s32 @!p1 $0x0  }
0x14: {  	s2 =	sld [smem:$0x3F96];
	s0 =	simm.s32 @p1 $0x1  }
0x15: {  	[smem:$0x3FB3] =	sst s0;
	s0 =	simm.s32 @!p2 $0x0  }
0x16: {  	s3 =	sld [smem:$0x3FDB];
	s0 =	simm.s32 @p2 $0x1  }
0x17: {  	s4 =	simm.s32 $0x1BF5;
	[smem:$0x3FB5] =	sst s0  }
0x18: {  	s0 =	sld [smem:$0x3F98];
	_ =	swait.ge [sflag:s4], $0x0  }
0x19: {  	s7 =	sld [smem:$0x3F99]  }
0x1a: {  	s8 =	sadd.s32 $0xFFFFE003, lr  }
0x1b: {  	s9 =	sadd.s32 $0xFFFFFEF7, lr;
	s5 =	simm.s32 $0xFFFFFFFF;
	p2 =	slt.u32 s8, $0xFFFFF086  }
0x1c: {  	p1 =	slt.u32 s9, $0xF7A;
	s5 =	simm.s32 @!p2 $0x0  }
0x1d: {  	s5 =	simm.s32 @p1 $0x1;
	p0 =	seq.s32 s7, s2  }
0x1e: {  	s7 =	smul.u32 @!p0 $0xF7A, s2;
	p2 =	seq.s32 @!p0 s5, $0x0  }
0x1f: {  	s9 =	smul.u32 $0xF7A, s1;
	s8 =	simm.s32 @!p0 $0x1BF5;
	p2 =	por !p2, p0  }
0x20: {  	[sflag:s8] =	ssyncset.s32 @!p0 $0xFFFFF086;
	s6 =	sadd.s32 @!p0 s3, s7;
	s7 =	simm.s32 @!p0 $0x108  }
0x21: {  	s3 =	sadd.s32 s3, s9;
	s6 =	sadd.s32 @!p0 $0x88, s6;
	s7 =	simm.s32 @p2 $0x1082  }
0x22: {  	[simem:s7], [sflag:s8] =	dma.local @!p0 [hbm:s6], $0xF7A  }
0x23: {  	s9 =	sor.u32 $0xD0000000, s2;
	s6 =	simm.s32 $0x108;
	_ =	swait.ge @!p0 [sflag:s8], $0x0  }
0x24: {  	s3 =	sadd.s32 $0x88, s3;
	s6 =	simm.s32 @!p1 $0x1082;
	[sflag:s4] =	ssyncset.s32 $0xFFFFF086  }
0x25: {  	[simem:s6], [sflag:s4] =	dma.local [hbm:s3], $0xF7A  }
0x26: {  	[smem:$0x3F99] =	sst s1;
	(tag) =	ssettag s2;
	_ =	strace s9  }
0x27: {  	s1 =	sld [smem:$0x3FA9]  }
0x28: {  	s2 =	sld [smem:$0x3FAA]  }
0x29: {  	s4 =	sld [smem:$0x3FAC]  }
0x2a: {  	p0 =	seq.s32 s5, $0x0;
	s5 =	sld [smem:$0x3FAD]  }
0x2b: {  	s6 =	sld [smem:$0x3FAE]  }
0x2c: {  	s7 =	sld [smem:$0x3FAF]  }
0x2d: {  	s3 =	simm.s32 $0x108;
	s8 =	sld [smem:$0x3FB0]  }
0x2e: {  	s3 =	simm.s32 @!p0 $0x1082;
	s9 =	sld [smem:$0x3FB1]  }
0x2f: {  	lr =	sadd.s32 s0, s3;
	s0 =	sld [smem:$0x3FA8]  }
0x30: {  	s3 =	sld [smem:$0x3FAB]  }
0x31: {  	[smem:$0x3FB4] =	sst s10  }
0x32: {  	s10 =	sld [smem:$0x3FB2];
	_ =	sdelay $0x3  }
0x33: {  	p0 =	seq.s32 s10, $0x1;
	s10 =	sld [smem:$0x3FB4];
	_ =	sdelay $0x3  }
0x34: {  	[smem:$0x3FB4] =	sst s10  }
0x35: {  	s10 =	sld [smem:$0x3FB3];
	_ =	sdelay $0x3  }
0x36: {  	p1 =	seq.s32 s10, $0x1;
	s10 =	sld [smem:$0x3FB4];
	_ =	sdelay $0x3  }
0x37: {  	[smem:$0x3FB4] =	sst s10  }
0x38: {  	s10 =	sld [smem:$0x3FB5]  }
0x39: {  	_ = 	snop;
	(pc) =	sbr.ind lr, $3  }
0x3a: {  	_ = 	snop  }
0x3b: {  	_ = 	snop  }
0x3c: {  	p2 =	seq.s32 s10, $0x1;
	s10 =	sld [smem:$0x3FB4]  }
0x3d: {  	_ =	shalt  }
0x3e: {  	_ =	shalt  }
0x3f: {  	_ =	shalt  }
0x40: {  	_ =	shalt  }
0x41: {  	_ =	shalt  }
0x42: {  	_ =	shalt  }
0x43: {  	_ =	shalt  }
0x44: {  	_ =	shalt  }
0x45: {  	_ =	shalt  }
0x46: {  	_ =	shalt  }
0x47: {  	_ =	shalt  }
0x48: {  	_ =	shalt  }
0x49: {  	_ =	shalt  }
0x4a: {  	_ =	shalt  }
0x4b: {  	_ =	shalt  }
0x4c: {  	_ =	shalt  }
0x4d: {  	_ =	shalt  }
0x4e: {  	_ =	shalt  }
0x4f: {  	_ =	shalt  }
0x50: {  	_ =	shalt  }
0x51: {  	_ =	shalt  }
0x52: {  	_ =	shalt  }
0x53: {  	_ =	shalt  }
0x54: {  	_ =	shalt  }
0x55: {  	_ =	shalt  }
0x56: {  	_ =	shalt  }
0x57: {  	_ =	shalt  }
0x58: {  	_ =	shalt  }
0x59: {  	_ =	shalt  }
0x5a: {  	_ =	shalt  }
0x5b: {  	_ =	shalt  }
0x5c: {  	_ =	shalt  }
0x5d: {  	_ =	shalt  }
0x5e: {  	_ =	shalt  }
0x5f: {  	_ =	shalt  }
0x60: {  	_ =	shalt  }
0x61: {  	_ =	shalt  }
0x62: {  	_ =	shalt  }
0x63: {  	_ =	shalt  }
0x64: {  	_ =	shalt  }
0x65: {  	_ =	shalt  }
0x66: {  	_ =	shalt  }
0x67: {  	_ =	shalt  }
0x68: {  	_ =	shalt  }
0x69: {  	_ =	shalt  }
0x6a: {  	_ =	shalt  }
0x6b: {  	_ =	shalt  }
0x6c: {  	_ =	shalt  }
0x6d: {  	_ =	shalt  }
0x6e: {  	_ =	shalt  }
0x6f: {  	_ =	shalt  }
0x70: {  	_ =	shalt  }
0x71: {  	_ =	shalt  }
0x72: {  	_ =	shalt  }
0x73: {  	_ =	shalt  }
0x74: {  	_ =	shalt  }
0x75: {  	_ =	shalt  }
0x76: {  	_ =	shalt  }
0x77: {  	_ =	shalt  }
0x78: {  	_ =	shalt  }
0x79: {  	_ =	shalt  }
0x7a: {  	_ =	shalt  }
0x7b: {  	_ =	shalt  }
0x7c: {  	_ =	shalt  }
0x7d: {  	_ =	shalt  }
0x7e: {  	_ =	shalt  }
0x7f: {  	_ =	shalt  }
0x80: {  	_ =	shalt  }
0x81: {  	_ =	shalt  }
0x82: {  	_ =	shalt  }
0x83: {  	_ =	shalt  }
0x84: {  	_ =	shalt  }
0x85: {  	_ =	shalt  }
0x86: {  	_ =	shalt  }
0x87: {  	_ =	shalt  }
.Lfunc_end0:
.L_simem_size_0:
called_computation_lowered:
.L_overlay_start_0:
0x88: {  	s2 =	sld [smem:$0x3FD9]  }
0x89: {  	s3 =	sld [smem:$0x3FFE];
	_ =	sdelay $0x1  }
0x8a: {  	s1 =	srdreg.scid  }
0x8b: {  	s0 =	sand.u32 $0x1, s1  }
0x8c: {  	s17 =	sshll.u32 s0, $0xA;
	s2 =	sadd.s32 s3, s2  }
0x8d: {  	s2 =	sadd.s32 s2, s17  }
0x8e: {  	[smem:$0x3FC0] =	sst s2  }
0x8f: {  	_ = 	snop  }
0x90: {  	s2 =	sld [smem:$0x3FC5]  }
0x91: {  	s18 =	sld [smem:$0x3FD0];
	(tm) =	ssettm $0x1  }
0x92: {  	s4 =	sld [smem:$0x3FFB];
	_ =	sdelay $0x3  }
0x93: {  	_ =	strace s4  }
0x94: {  	s4 =	sld [smem:$0x3FFC];
	_ =	sdelay $0x3  }
0x95: {  	_ =	strace s4  }
0x96: {  	s4 =	sld [smem:$0x3FFD];
	_ =	sdelay $0x3  }
0x97: {  	_ =	strace s4  }
0x98: {  	_ =	strace $0x8FFFFFFF  }
0x99: {  	s19 =	sld [smem:$0x3FDB];
	_ =	sdelay $0x1  }
0x9a: {  	s5 =	simm.s32 $_scs_section_size  }
0x9b: {  	s6 =	simm.s32 $_size__tile_overlayer_lowered;
	s7 =	simm.s32 $_tile_overlayer_lowered  }
0x9c: {  	s22 =	simm.s32 $0x1BFF;
	s21 =	sshll.u32 s7, $0x1;
	s4 =	sadd.s32 s5, s19  }
0x9d: {  	s8 =	simm.s32 $0x0;
	s20 =	sshll.u32 s6, $0x1;
	s6 =	sadd.s32 s21, s4  }
0x9e: {  	[timem:s8], [sflag:s22] =	dma.local [hbm:s6], s20  }
0x9f: {  	_ =	swait.ge [sflag:s22], s20  }
0xa0: {  	s5 =	ssub.s32 $0x0, s20;
	[sflag:s22] =	ssyncset.done $0x0  }
0xa1: {  	[sflag:s22] =	ssyncadd.s32 s5;
	_ =	sdelay $0x1  }
0xa2: {  	s23 =	simm.s32 $0x1B8B  }
0xa3: {  	_ =	swait.ge [sflag:s23], $0x1  }
0xa4: {  	[sflag:s23] =	ssyncset.done $0x0  }
0xa5: {  	s25 =	simm.s32 $0x1B8E;
	s24 =	sld [smem:$0x3FFE];
	[sflag:s23] =	ssyncadd.s32 $0xFFFFFFFF  }
0xa6: {  	s26 =	simm.s32 $execute0_lowered;
	[smem:$0x3FD2] =	sst s25  }
0xa7: {  	s6 =	sshll.u32 s26, $0x1;
	_ =	strace $0x80000046;
	[dreg:$0x1] =	wrdreg $0xFFFFFFFF  }
0xa8: {  	s28 =	simm.s32 $_size_execute0_lowered;
	s4 =	sadd.s32 s4, s6;
	[dreg:$0x0] =	wrdreg $0x0  }
0xa9: {  	s6 =	sshll.u32 s28, $0x1;
	[dreg:$0x2] =	wrdreg s4  }
0xaa: {  	[dreg:$0x3] =	wrdreg s6  }
0xab: {  	[dreg:$0x4] =	wrdreg $0xC0  }
0xac: {  	_ =	task [dreg:s8], $0x5FFFF  }
0xad: {  	[dreg:$0x1] =	wrdreg $0xFFFFFFFF  }
0xae: {  	[dreg:$0x0] =	wrdreg $0x60  }
0xaf: {  	[dreg:$0x2] =	wrdreg s24  }
0xb0: {  	[dreg:$0x3] =	wrdreg s18  }
0xb1: {  	[dreg:$0x4] =	wrdreg s2  }
0xb2: {  	[dreg:$0x5] =	wrdreg $0x84C00  }
0xb3: {  	[dreg:$0x6] =	wrdreg $0x9  }
0xb4: {  	_ =	task.clear_ibuf [dreg:s8], $0x7FFFF;
	_ =	strace $0x90000046  }
0xb5: {  	s29 =	simm.s32 $0x9;
	_ =	strace $0x80000048  }
0xb6: {  	_ =	swait.ge [sflag:s29], $0x1  }
0xb7: {  	[sflag:s29] =	ssyncadd.s32 $0xFFFFFFFF  }
0xb8: {  	_ =	strace $0x90000048  }
0xb9: {  	_ =	sfence  }
0xba: {  	s30 =	sld [smem:$0x0];
	_ =	sdelay $0x2  }
0xbb: {  	s31 =	sshll.u32 s1, $0xD;
	s1 =	sshrl.u32 s1, $0x2  }
0xbc: {  	s3 =	sand.u32 $0x4000, s31;
	s1 =	sadd.s32 s1, s30  }
0xbd: {  	s0 =	sor.u32 s3, s0;
	s1 =	sshll.u32 s1, $0x11  }
0xbe: {  	s0 =	sor.u32 s1, s0  }
0xbf: {  	s0 =	sadd.s32 $0x8F2B, s0  }
0xc0: {  	[sflag:s0] =	ssyncadd.remote.s32 $0x1  }
0xc1: {  	_ =	sfence.sel $0xFFFF  }
0xc2: {  	[dreg:$0x0] =	wrdreg $0xFFFFFFFF;
	(pc) =	sbr.abs _section_cstart, $3  }
0xc3: {  	[dreg:$0x1] =	wrdreg $0xFFFFFFFF  }
0xc4: {  	_ =	task.clear_ibuf [dreg:s8], $0x2FFFF;
	_ =	strace $0x9FFFFFFF  }
0xc5: {  	(tm) =	ssettm $0x7FFFFFFF  }
tec
execute0_lowered:
.L_overlay_start_1:
0x0: {  	(tag) =	ssettag $0x1  }
0x1: {  	s0 =	rddreg [dreg:$0x0]  }
0x2: {  	s1 =	rddreg [dreg:$0x1]  }
0x3: {  	s3 =	rddreg [dreg:$0x3]  }
0x4: {  	s4 =	simm.s32 $0x0;
	s2 =	srdreg.scid;
	s11 =	stileid.u32  }
0x5: {  	s28 =	simm.s32 $0x1;
	s29 =	simm.s32 $0x50;
	s30 =	simm.s32 $0x1E0  }
0x6: {  	s31 =	simm.s32 $0x15E0;
	s14 =	simm.s32 $0x140;
	[smem:$0x7FF] =	sst s4  }
0x7: {  	s6 =	sadd.s32 $0x51000, s0;
	s7 =	sadd.s32 $0x65000, s0;
	s9 =	smul.u32 $0x31600, s11  }
0x8: {  	s2 =	sand.u32 $0x1, s2;
	s17 =	smul.u32 $0xC580, s11;
	_ =	strace $0x80000047  }
0x9: {  	s5 =	smul.u32 $0x19000, s2;
	s8 =	sshll.u32 s2, $0x4;
	s2 =	ssub.s32 $0x2, s2  }
0xa: {  	s8 =	sor.u32 s11, s8;
	s15 =	sshrl.u32 s2, $0x1;
	s16 =	sshrl.u32 s9, $0x2  }
0xb: {  	s19 =	sshrl.u32 s17, $0x3;
	s11 =	simm.s32 $0x8470;
	s10 =	smul.u32 $0x9D8, s8  }
0xc: {  	s0 =	sadd.s32 s5, s0;
	s2 =	ssub.s32 s2, s15;
	s8 =	smul.u32 $0x7E, s8  }
0xd: {  	s9 =	sadd.s32 s16, s3;
	s5 =	sadd.s32 s17, s3;
	s15 =	simm.s32 $0x190  }
0xe: {  	s16 =	simm.s32 $0x6AE0;
	s18 =	sadd.s32 $0xAF00, s9;
	[dreg:$0x5] =	wrdreg s9  }
0xf: {  	s0 =	sadd.s32 $0x79000, s0;
	s2 =	smax.u32 s2, $0x1;
	[dreg:$0x7] =	wrdreg s18  }
0x10: {  	s20 =	sadd.s32 $0x1900, s9;
	s21 =	sadd.s32 $0x3200, s9;
	[dreg:$0x9] =	wrdreg s2  }
0x11: {  	s22 =	sadd.s32 $0x4B00, s9;
	s23 =	sadd.s32 $0x6400, s9;
	[dreg:$0xa] =	wrdreg s20  }
0x12: {  	s24 =	sadd.s32 $0x7D00, s9;
	s25 =	sadd.s32 $0x9600, s9;
	[dreg:$0xb] =	wrdreg s21  }
0x13: {  	s26 =	sshrl.u32 s5, $0x3;
	s5 =	simm.s32 $0x3DE0;
	[dreg:$0xc] =	wrdreg s22  }
0x14: {  	s9 =	simm.s32 $0x0;
	s10 =	sadd.s32 s1, s10;
	[dreg:$0xd] =	wrdreg s23  }
0x15: {  	s12 =	sadd.s32 $0x2, s8;
	s13 =	sadd.s32 $0x3, s8;
	[dreg:$0xe] =	wrdreg s24  }
0x16: {  	[dreg:$0xf] =	wrdreg s25;
	s21 =	simm.s32 $0x51E0;
	s22 =	simm.s32 $0x5  }
0x17: {  	s0 =	sadd.s32 s19, s0;
	[dreg:$0x11] =	wrdreg s26;
	s26 =	simm.s32 $0xA0  }
0x18: {  	s2 =	simm.s32 $0x29E0;
	s24 =	simm.s32 $0xF0;
	[dreg:$0x6] =	wrdreg s10  }
0x19: {  	v1 =	vimm.s32 $0x0;
	vm0 =	vcmask $0x300;
	s20 =	simm.s32 $0x0;
	s10 =	sadd.s32 $0x14, s10;
	[dreg:$0x10] =	wrdreg s0  }
0x1a: {  	v0 =	vimm.f32 $0.0e+00;
	v1 =	vsel vm0, $0x3, v1;
	s0 =	simm.s32 $0x2;
	[dreg:$0x8] =	wrdreg s10;
	s10 =	simm.s32 $0x8420  }
.LBB2_1:
0x1b: {  	[dreg:$0x12] =	wrdreg s9;
	s8 =	simm.s32 $0x40;
	s9 =	simm.s32 $0x240  }
.LBB2_2:
0x1c: {  	p0 =	sne.s32 s9, $0x63C0;
	[tilespmem:s8+$0x6AE0] =	vst v0  }
0x1d: {  	[tilespmem:s8+$0x51A0] =	vst v0  }
0x1e: {  	[tilespmem:s8+$0x51B0] =	vst v0  }
0x1f: {  	[tilespmem:s8+$0x51C0] =	vst v0  }
0x20: {  	[tilespmem:s8+$0x51D0] =	vst v0  }
.Ltmp0:
0x21: {  	[tilespmem:s8+$0x51E0] =	vst v0;
	(pc) =	sbr.rel @p0 .LBB2_2-.Ltmp0, $4  }
0x22: {  	[tilespmem:s8+$0x6AA0] =	vst v0  }
0x23: {  	[tilespmem:s8+$0x6AB0] =	vst v0  }
0x24: {  	[tilespmem:s8+$0x6AC0] =	vst v0  }
0x25: {  	[tilespmem:s8+$0x6AD0] =	vst v0;
	s8 =	sshra.s32 s9, $0x2;
	s9 =	sadd.s32 $0x140, s9  }
0x26: {  	[tilespmem:s8+$0x6AE0] =	vst v0  }
0x27: {  	[tilespmem:s8+$0x51A0] =	vst v0  }
0x28: {  	[tilespmem:s8+$0x51B0] =	vst v0  }
0x29: {  	[tilespmem:s8+$0x51C0] =	vst v0  }
0x2a: {  	[tilespmem:s8+$0x51D0] =	vst v0  }
0x2b: {  	[tilespmem:s8+$0x51E0] =	vst v0  }
0x2c: {  	[tilespmem:s8+$0x6AA0] =	vst v0  }
0x2d: {  	[tilespmem:s8+$0x6AB0] =	vst v0  }
0x2e: {  	[tilespmem:s8+$0x6AC0] =	vst v0  }
0x2f: {  	[tilespmem:s8+$0x6AD0] =	vst v0;
	s17 =	rddreg [dreg:$0x5]  }
0x30: {  	[spmem:s17] =	stream.linear.scatter [tilespmem:s21], [sflag:$0x5], $0x1900, $0x38;
	[tilespmem:$0x14A40] =	vst v63  }
0x31: {  	_ =	swait.ge [sflag:s22], $0x1900  }
0x32: {  	[sflag:s22] =	ssyncset.done $0x0  }
0x33: {  	s18 =	rddreg [dreg:$0xa];
	[sflag:s22] =	ssyncadd.s32 $0xFFFFE700  }
0x34: {  	[spmem:s18] =	stream.linear.scatter [tilespmem:s21], [sflag:$0x5], $0x1900, $0x38;
	[tilespmem:$0x14A40] =	vst v63  }
0x35: {  	_ =	swait.ge [sflag:s22], $0x1900  }
0x36: {  	[sflag:s22] =	ssyncset.done $0x0  }
0x37: {  	s19 =	rddreg [dreg:$0xb];
	[sflag:s22] =	ssyncadd.s32 $0xFFFFE700  }
0x38: {  	[spmem:s19] =	stream.linear.scatter [tilespmem:s21], [sflag:$0x5], $0x1900, $0x38;
	[tilespmem:$0x14A40] =	vst v63  }
0x39: {  	_ =	swait.ge [sflag:s22], $0x1900  }
0x3a: {  	[sflag:s22] =	ssyncset.done $0x0  }
0x3b: {  	s23 =	rddreg [dreg:$0xc];
	[sflag:s22] =	ssyncadd.s32 $0xFFFFE700  }
0x3c: {  	[spmem:s23] =	stream.linear.scatter [tilespmem:s21], [sflag:$0x5], $0x1900, $0x38;
	[tilespmem:$0x14A40] =	vst v63  }
0x3d: {  	_ =	swait.ge [sflag:s22], $0x1900  }
0x3e: {  	[sflag:s22] =	ssyncset.done $0x0  }
0x3f: {  	s25 =	rddreg [dreg:$0xd];
	[sflag:s22] =	ssyncadd.s32 $0xFFFFE700  }
0x40: {  	[spmem:s25] =	stream.linear.scatter [tilespmem:s21], [sflag:$0x5], $0x1900, $0x38;
	[tilespmem:$0x14A40] =	vst v63  }
0x41: {  	_ =	swait.ge [sflag:s22], $0x1900  }
0x42: {  	[sflag:s22] =	ssyncset.done $0x0  }
0x43: {  	s9 =	rddreg [dreg:$0xe];
	[sflag:s22] =	ssyncadd.s32 $0xFFFFE700  }
0x44: {  	[spmem:s9] =	stream.linear.scatter [tilespmem:s21], [sflag:$0x5], $0x1900, $0x38;
	[tilespmem:$0x14A40] =	vst v63  }
0x45: {  	_ =	swait.ge [sflag:s22], $0x1900  }
0x46: {  	[sflag:s22] =	ssyncset.done $0x0  }
0x47: {  	s17 =	rddreg [dreg:$0xf];
	[sflag:s22] =	ssyncadd.s32 $0xFFFFE700  }
0x48: {  	[spmem:s17] =	stream.linear.scatter [tilespmem:s21], [sflag:$0x5], $0x1900, $0x38;
	[tilespmem:$0x14A40] =	vst v63  }
0x49: {  	_ =	swait.ge [sflag:s22], $0x1900  }
0x4a: {  	[sflag:s22] =	ssyncset.done $0x0  }
0x4b: {  	s18 =	rddreg [dreg:$0x7];
	[sflag:s22] =	ssyncadd.s32 $0xFFFFE700  }
0x4c: {  	[spmem:s18] =	stream.linear.scatter [tilespmem:s21], [sflag:$0x5], $0x1680, $0x38;
	[tilespmem:$0x14A40] =	vst v63  }
0x4d: {  	_ =	swait.ge [sflag:s22], $0x1680  }
0x4e: {  	[sflag:s22] =	ssyncset.done $0x0  }
0x4f: {  	[sflag:s22] =	ssyncadd.s32 $0xFFFFE980  }
0x50: {  	s9 =	simm.s32 $0x83E0;
	s19 =	rddreg [dreg:$0x2]  }
0x51: {  	[tilespmem:s9], [sflag:$0x5] =	stream.linear.gather [hbm4b:s19+s20], $0x40, $0x38;
	[tilespmem:$0x14A40] =	vst v63  }
0x52: {  	_ =	swait.ge [sflag:s22], $0x40  }
0x53: {  	[sflag:s22] =	ssyncset.done $0x0  }
0x54: {  	[sflag:s22] =	ssyncadd.s32 $0xFFFFFFC0  }
0x55: {  	[bflag:$0x0] =	sbarrier.arrive $0xFFFF  }
0x56: {  	v2 =	vld [tilespmem:$0x83E0]  }
0x57: {  	v3 =	vld [tilespmem:$0x83F0]  }
0x58: {  	v4 =	vld [tilespmem:$0x8400];
	s23 =	rddreg [dreg:$0x6]  }
0x59: {  	v5 =	vld [tilespmem:$0x8410];
	[tilespmem:s20], [sflag:$0x1] =	stream.linear.gather [hbm4b:s23+s20], $0xA0, $0x38  }
0x5a: {  	s25 =	rddreg [dreg:$0x8]  }
0x5b: {  	[tilespmem:s26], [sflag:$0x2] =	stream.linear.gather [hbm4b:s25+s20], $0xA0, $0x38;
	[tilespmem:$0x14A40] =	vst v63  }
0x5c: {  	_ =	swait.ge [sflag:s28], $0xA0  }
0x5d: {  	[sflag:s28] =	ssyncset.done $0x0  }
0x5e: {  	[sflag:s28] =	ssyncadd.s32 $0xFFFFFF60  }
0x5f: {  	[tilespmem:s30], [sflag:$0x1] =	stream.indirect.gather [hbm4b:s6+s29], $0x40, s20, s29, $0xb8;
	[tilespmem:$0x14A40] =	vst v63  }
0x60: {  	s23 =	simm.s32 $0x0  }
0x61: {  	[tilespmem:s31], [sflag:$0x1] =	stream.indirect.gather [hbm4b:s7+s29], $0x40, s29, s29, $0xb8;
	[tilespmem:$0x14A40] =	vst v63  }
.LBB2_4:
0x62: {  	_ =	swait.ge [sflag:s0], $0xA0  }
0x63: {  	[sflag:s0] =	ssyncset.done $0x0  }
0x64: {  	[sflag:s0] =	ssyncadd.s32 $0xFFFFFF60  }
0x65: {  	_ =	swait.ge [sflag:s28], $0x1400  }
0x66: {  	[sflag:s28] =	ssyncset.done $0x0  }
0x67: {  	[sflag:s28] =	ssyncadd.s32 $0xFFFFEC00  }
0x68: {  	_ =	swait.ge [sflag:s28], $0x1400  }
0x69: {  	[sflag:s28] =	ssyncset.done $0x0  }
0x6a: {  	[sflag:s28] =	ssyncadd.s32 $0xFFFFEC00  }
0x6b: {  	[tilespmem:s2], [sflag:$0x2] =	stream.indirect.gather [hbm4b:s6+s29], $0x40, s26, s29, $0xb8;
	[tilespmem:$0x14A40] =	vst v63  }
0x6c: {  	_ = 	snop  }
0x6d: {  	[tilespmem:s5], [sflag:$0x2] =	stream.indirect.gather [hbm4b:s7+s29], $0x40, s24, s29, $0xb8;
	[tilespmem:$0x14A40] =	vst v63  }
0x6e: {  	v6 =	vld [tilespmem:$0x50]  }
0x6f: {  	v7 =	vld [tilespmem:$0x60]  }
0x70: {  	v8 =	vld [tilespmem:$0x70]  }
0x71: {  	v9 =	vld [tilespmem:$0x80]  }
0x72: {  	s25 =	sshll.u32 s23, $0x1;
	v10 =	vld [tilespmem:$0x90]  }
0x73: {  	s8 =	sadd.s32 s25, s12;
	[tilespmem:$0x140] =	vst v6  }
0x74: {  	s8 =	smin.u32 s8, $0xFBF;
	[tilespmem:$0x150] =	vst v7  }
0x75: {  	s8 =	smul.u32 $0x14, s8;
	[tilespmem:$0x160] =	vst v8  }
0x76: {  	[tilespmem:$0x170] =	vst v9  }
0x77: {  	s9 =	simm.s32 $0x2E0;
	s8 =	sadd.s32 s1, s8;
	[tilespmem:$0x180] =	vst v10  }
0x78: {  	[tilespmem:s20], [sflag:$0x1] =	stream.linear.gather [hbm4b:s8+s20], $0xA0, $0x38;
	[tilespmem:$0x14A40] =	vst v63  }
0x79: {  	v6 =	vld [tilespmem:s9+$0xF0]  }
0x7a: {  	s8 =	simm.s32 $0x16E0;
	v7 =	vld [tilespmem:s9+$0xC0]  }
0x7b: {  	v8 =	vld [tilespmem:s8+$0xC0]  }
0x7c: {  	v9 =	vld [tilespmem:s9+$0xD0]  }
0x7d: {  	v10 =	vld [tilespmem:s8+$0xD0]  }
0x7e: {  	v11 =	vld [tilespmem:s9+$0xE0]  }
0x7f: {  	v12 =	vld [tilespmem:s8+$0xE0]  }
0x80: {  	v13 =	vld [tilespmem:s8+$0xF0]  }
0x81: {  	v14 =	vld [tilespmem:s8+$0xFFFFFF00]  }
0x82: {  	v15 =	vld [tilespmem:s9+$0xFFFFFF10]  }
0x83: {  	v18 =	vld [tilespmem:s9+$0xFFFFFF80]  }
0x84: {  	v19 =	vld [tilespmem:s8+$0xFFFFFF80]  }
0x85: {  	v20 =	vld [tilespmem:s8+$0xFFFFFFD0]  }
0x86: {  	v7 =	vadd.f32 v8, v7;
	v8 =	vadd.f32 v10, v9;
	v9 =	vld [tilespmem:s8+$0xFFFFFF10]  }
0x87: {  	v10 =	vld [tilespmem:s9+$0xFFFFFF40]  }
0x88: {  	v11 =	vadd.f32 v12, v11;
	v12 =	vld [tilespmem:s8+$0xFFFFFF40];
	v16 =	vmul.f32 $2.000000030e-01, v7;
	v17 =	vmul.f32 $2.000000030e-01, v8  }
0x89: {  	v6 =	vadd.f32 v13, v6;
	v13 =	vld [tilespmem:s9+$0xFFFFFF50]  }
0x8a: {  	v7 =	vmax.f32 v7, v16;
	v8 =	vmax.f32 v8, v17;
	v16 =	vmul.f32 $2.000000030e-01, v11;
	v17 =	vld [tilespmem:s8+$0xFFFFFF50]  }
0x8b: {  	v21 =	vld [tilespmem:s8+$0x10];
	v7 =	vmul.f32 v7, v2;
	v8 =	vmul.f32 v8, v3  }
0x8c: {  	s17 =	simm.s32 $0x7;
	v24 =	vld [tilespmem:s9+$0x80];
	v9 =	vadd.f32 v9, v15;
	v11 =	vmax.f32 v11, v16;
	v16 =	vmul.f32 $2.000000030e-01, v6  }
0x8d: {  	v22 =	vmov s17;
	v7 =	vadd.f32 v8, v7;
	v8 =	vmul.f32 v11, v4;
	v11 =	vld [tilespmem:s9+$0xFFFFFF90]  }
0x8e: {  	v10 =	vadd.f32 v12, v10;
	v15 =	vmul.f32 $2.000000030e-01, v9;
	v6 =	vmax.f32 v6, v16;
	v16 =	vld [tilespmem:s8+$0xFFFFFF90]  }
0x8f: {  	s19 =	simm.s32 $0x2;
	v12 =	vld [tilespmem:s8+$0xFFFFFFC0];
	v7 =	vadd.f32 v8, v7;
	v6 =	vmul.f32 v6, v5;
	v13 =	vadd.f32 v17, v13  }
0x90: {  	v29 =	vmov s19;
	v18 =	vadd.f32 v19, v18;
	v8 =	vld [tilespmem:s9+$0xFFFFFFC0];
	v17 =	vmul.f32 $2.000000030e-01, v10  }
0x91: {  	v9 =	vmax.f32 v9, v15;
	v6 =	vadd.f32 v6, v7;
	v7 =	vld [tilespmem:s9+$0xFFFFFFD0];
	v15 =	vmul.f32 $2.000000030e-01, v13  }
0x92: {  	v22 =	vshrl.u32 v22, $0x3;
	v19 =	vmul.f32 v9, v3;
	v9 =	vmax.f32 v10, v17;
	v10 =	vld [tilespmem:s8+$0x0]  }
0x93: {  	s19 =	simm.s32 $0x4;
	(xrf2) =	vadd.scan.msk.f32 $0xffff, v6;
	v6 =	vld [tilespmem:s9+$0x0];
	v13 =	vmax.f32 v13, v15;
	v15 =	vmul.f32 $2.000000030e-01, v18;
	v11 =	vadd.f32 v16, v11  }
0x94: {  	v52 =	vmov s19;
	v9 =	vmul.f32 v9, v2;
	v16 =	vld [tilespmem:s9+$0x10];
	v13 =	vmul.f32 v13, v3  }
0x95: {  	v8 =	vadd.f32 v12, v8;
	v12 =	vld [tilespmem:s9+$0x40];
	v15 =	vmax.f32 v18, v15;
	v18 =	vmul.f32 $2.000000030e-01, v11  }
0x96: {  	v13 =	vadd.f32 v13, v9;
	v9 =	vmul.f32 v15, v2;
	v15 =	vadd.f32 v20, v7;
	v20 =	vld [tilespmem:s8+$0x40]  }
0x97: {  	v29 =	vshrl.u32 v29, $0x3;
	v22 =	vshll.u32 v22, v1;
	v11 =	vmax.f32 v11, v18;
	v18 =	vld [tilespmem:s9+$0x50]  }
0x98: {  	s19 =	simm.s32 $0x6;
	v17 =	vmov s20;
	v7 =	vmul.f32 $2.000000030e-01, v8;
	v6 =	vadd.f32 v10, v6;
	v10 =	vld [tilespmem:s8+$0x50]  }
0x99: {  	v59 =	vmov s19;
	v25 =	vld [tilespmem:s9+$0x90];
	v17 =	vshrl.u32 v17, $0x3;
	v23 =	vmul.f32 $2.000000030e-01, v15  }
0x9a: {  	v17 =	vshll.u32 v17, v1;
	v8 =	vmax.f32 v8, v7;
	v16 =	vadd.f32 v21, v16;
	v21 =	vld [tilespmem:s8+$0x80]  }
0x9b: {  	v45 =	vld [tilespmem:s9+$0xFFFFFF60];
	v7 =	vadd.s32 $0x7, v22;
	v22 =	vmul.f32 $2.000000030e-01, v6;
	v15 =	vmax.f32 v15, v23  }
0x9c: {  	v8 =	vmul.f32 v8, v2;
	v12 =	vadd.f32 v20, v12;
	v20 =	vld [tilespmem:s8+$0x90];
	v15 =	vmul.f32 v15, v3  }
0x9d: {  	v23 =	vmul.f32 $2.000000030e-01, v16;
	v6 =	vmax.f32 v6, v22;
	v22 =	vld [tilespmem:s9+$0xFFFFFF00];
	v10 =	vadd.f32 v10, v18  }
0x9e: {  	v11 =	vmul.f32 v11, v3;
	v26 =	vmul.f32 $2.000000030e-01, v12;
	v18 =	vld [tilespmem:s9+$0xFFFFFF20];
	v8 =	vadd.f32 v15, v8  }
0x9f: {  	v15 =	vmax.f32 v16, v23;
	v16 =	vld [tilespmem:s8+$0xFFFFFF20];
	v21 =	vadd.f32 v21, v24;
	v23 =	vmul.f32 $2.000000030e-01, v10  }
0xa0: {  	v46 =	vld [tilespmem:s8+$0xFFFFFF60];
	v6 =	vmul.f32 v6, v2;
	v15 =	vmul.f32 v15, v3;
	v12 =	vmax.f32 v12, v26  }
0xa1: {  	v47 =	vld [tilespmem:s9+$0xFFFFFFA0];
	v20 =	vadd.f32 v20, v25;
	v10 =	vmax.f32 v10, v23;
	v23 =	vmul.f32 $2.000000030e-01, v21  }
0xa2: {  	v12 =	vmul.f32 v12, v2;
	v6 =	vadd.f32 v15, v6;
	v15 =	vld [tilespmem:s8+$0xFFFFFFA0];
	v14 =	vadd.f32 v14, v22  }
0xa3: {  	v27 =	vld [tilespmem:s9+$0xFFFFFFE0];
	v10 =	vmul.f32 v10, v3;
	v21 =	vmax.f32 v21, v23;
	v23 =	vmul.f32 $2.000000030e-01, v20  }
0xa4: {  	v16 =	vadd.f32 v16, v18;
	v28 =	vmul.f32 $2.000000030e-01, v14;
	v18 =	vmul.f32 v21, v2;
	v21 =	vld [tilespmem:s8+$0xFFFFFFE0]  }
0xa5: {  	v48 =	vld [tilespmem:s8+$0x20];
	v7 =	vbroadcast v7, $0x0;
	v24 =	vadd.f32 v46, v45;
	v10 =	vadd.f32 v10, v12  }
0xa6: {  	v12 =	vmax.f32 v20, v23;
	v20 =	vld [tilespmem:s9+$0x20];
	v14 =	vmax.f32 v14, v28;
	v23 =	vmul.f32 $2.000000030e-01, v16  }
0xa7: {  	v30 =	vld [tilespmem:s9+$0x60];
	v11 =	vadd.f32 v11, v9;
	v15 =	vadd.f32 v15, v47;
	v14 =	vmul.f32 v14, v2  }
0xa8: {  	v50 =	vld [tilespmem:s8+$0x60];
	v12 =	vmul.f32 v12, v3;
	v16 =	vmax.f32 v16, v23;
	v23 =	vmul.f32 $2.000000030e-01, v24  }
0xa9: {  	v51 =	vld [tilespmem:s8+$0xA0];
	v14 =	vadd.f32 v19, v14;
	v16 =	vmul.f32 v16, v4;
	v19 =	vadd.f32 v21, v27  }
0xaa: {  	v12 =	vadd.f32 v12, v18;
	v21 =	vld [tilespmem:s9+$0xA0];
	v18 =	vmax.f32 v24, v23;
	v23 =	vmul.f32 $2.000000030e-01, v15  }
0xab: {  	v9, _, _ =	vpop (xrf2);
	v14 =	vadd.f32 v16, v14;
	v16 =	vld [tilespmem:s9+$0xFFFFFF30];
	v20 =	vadd.f32 v48, v20;
	v27 =	vmul.f32 $2.000000030e-01, v19  }
0xac: {  	v9 =	vadd.f32 $0.0e+00, v9;
	v18 =	vmul.f32 v18, v4;
	v15 =	vmax.f32 v15, v23;
	v23 =	vld [tilespmem:s8+$0xFFFFFF30]  }
0xad: {  	v53 =	vld [tilespmem:s9+$0xFFFFFF70];
	v25 =	vadd.f32 v50, v30;
	v54 =	vmul.f32 $2.000000030e-01, v20;
	v19 =	vmax.f32 v19, v27  }
0xae: {  	v13 =	vadd.f32 v18, v13;
	v15 =	vmul.f32 v15, v4;
	v18 =	vld [tilespmem:s8+$0xFFFFFF70];
	v19 =	vmul.f32 v19, v4  }
0xaf: {  	v55 =	vld [tilespmem:s9+$0xFFFFFFB0];
	v56 =	vmul.f32 $2.000000030e-01, v25;
	v20 =	vmax.f32 v20, v54;
	v21 =	vadd.f32 v51, v21  }
0xb0: {  	v11 =	vadd.f32 v15, v11;
	v15 =	vld [tilespmem:s8+$0xFFFFFFB0];
	v19 =	vadd.f32 v19, v8;
	v8 =	vmul.f32 v20, v4  }
0xb1: {  	v16 =	vadd.f32 v23, v16;
	v20 =	vld [tilespmem:s9+$0xFFFFFFF0];
	v23 =	vmax.f32 v25, v56;
	v57 =	vmul.f32 $2.000000030e-01, v21  }
0xb2: {  	v26 =	vshrl.u32 v52, $0x3;
	v31 =	vadd.f32 v8, v6;
	v6 =	vld [tilespmem:s8+$0xFFFFFFF0];
	v8 =	vmul.f32 v23, v4  }
0xb3: {  	v18 =	vadd.f32 v18, v53;
	v23 =	vmul.f32 $2.000000030e-01, v16;
	v21 =	vmax.f32 v21, v57  }
0xb4: {  	v60 =	vld [tilespmem:s9+$0x30];
	v9 =	vbroadcast v9, $0xF;
	v10 =	vadd.f32 v8, v10;
	v8 =	vmul.f32 v21, v4  }
0xb5: {  	s18 =	simm.s32 $0x1;
	v15 =	vadd.f32 v15, v55;
	v16 =	vmax.f32 v16, v23;
	v21 =	vld [tilespmem:s8+$0x30];
	v23 =	vmul.f32 $2.000000030e-01, v18  }
0xb6: {  	v22 =	vmov s18;
	v16 =	vmul.f32 v16, v5;
	v8 =	vadd.f32 v8, v12;
	v12 =	vld [tilespmem:s9+$0x70]  }
0xb7: {  	s18 =	simm.s32 $0x3;
	v18 =	vmax.f32 v18, v23;
	v23 =	vld [tilespmem:s8+$0x70];
	v6 =	vadd.f32 v6, v20;
	v20 =	vmul.f32 $2.000000030e-01, v15  }
0xb8: {  	v49 =	vmov s18;
	v22 =	vshrl.u32 v22, $0x3;
	[tilespmem:v7+s10+$0x0] =	vst.idx.msk $0x1, v9;
	v16 =	vadd.f32 v16, v14;
	v14 =	vld [tilespmem:s9+$0xB0]  }
0xb9: {  	s18 =	simm.s32 $0x5;
	v9 =	vshll.u32 v29, v1;
	v18 =	vmul.f32 v18, v5;
	v15 =	vmax.f32 v15, v20;
	v20 =	vld [tilespmem:s8+$0xB0]  }
0xba: {  	v58 =	vmov s18;
	v7 =	vshll.u32 v22, v1;
	v61 =	vmul.f32 $2.000000030e-01, v6  }
0xbb: {  	v21 =	vadd.f32 v21, v60;
	v18 =	vadd.f32 v18, v13;
	(xrf2) =	vadd.scan.msk.f32 $0xffff, v16;
	v13 =	vmul.f32 v15, v5  }
0xbc: {  	v28 =	vshrl.u32 v49, $0x3;
	v6 =	vmax.f32 v6, v61;
	v12 =	vadd.f32 v23, v12  }
0xbd: {  	v62 =	vmul.f32 $2.000000030e-01, v21;
	v23 =	vadd.f32 v13, v11;
	v11 =	vmul.f32 v6, v5  }
0xbe: {  	v25 =	vshrl.u32 v58, $0x3;
	s8 =	simm.s32 $0x4E0;
	(xrf2) =	vadd.scan.msk.f32 $0xffff, v18;
	v63 =	vmul.f32 $2.000000030e-01, v12;
	v20 =	vadd.f32 v20, v14  }
0xbf: {  	v16 =	vshll.u32 v26, v1;
	v18 =	vld [tilespmem:s8+$0xD0];
	v21 =	vmax.f32 v21, v62;
	v14 =	vadd.f32 v11, v19  }
0xc0: {  	s17 =	simm.s32 $0x18E0;
	v13 =	vld [tilespmem:s8+$0xF0];
	v19 =	vmul.f32 v21, v5;
	v21 =	vmax.f32 v12, v63;
	v22 =	vmul.f32 $2.000000030e-01, v20  }
0xc1: {  	v15 =	vshrl.u32 v59, $0x3;
	v6 =	vbroadcast v17, $0x0;
	v17 =	vld [tilespmem:s17+$0xC0];
	(xrf2) =	vadd.scan.msk.f32 $0xffff, v23;
	v24 =	vmul.f32 v21, v5  }
0xc2: {  	v11 =	vld [tilespmem:s8+$0xC0];
	v12 =	vadd.f32 v19, v31;
	v21 =	vshll.u32 v28, v1;
	v22 =	vmax.f32 v20, v22  }
0xc3: {  	s18 =	simm.s32 $0x10;
	s9 =	simm.s32 $0x8;
	v19 =	vld [tilespmem:s17+$0xD0];
	v10 =	vadd.f32 v24, v10;
	v20 =	vshll.u32 v25, v1;
	v22 =	vmul.f32 v22, v5  }
.LBB2_5:
0xc4: {  	p0 =	slt.u32 s18, $0x48;
	v23 =	vld [tilespmem:s8+$0xE0];
	v7 =	vadd.s32 $0x1, v7;
	v9 =	vadd.s32 $0x2, v9;
	v15 =	vshll.u32 v15, v1;
	(xrf2) =	vadd.scan.msk.f32 $0xffff, v14  }
0xc5: {  	v21 =	vadd.s32 $0x3, v21;
	v16 =	vadd.s32 $0x4, v16;
	v14 =	vld [tilespmem:s17+$0xE0];
	v22 =	vadd.f32 v22, v8;
	v8, _, _ =	vpop (xrf2)  }
0xc6: {  	v20 =	vadd.s32 $0x5, v20;
	v25 =	vbroadcast v7, $0x0;
	v24 =	vld [tilespmem:s17+$0xF0];
	v8 =	vadd.f32 $0.0e+00, v8  }
0xc7: {  	v9 =	vbroadcast v9, $0x0;
	v21 =	vbroadcast v21, $0x0;
	v15 =	vadd.s32 $0x6, v15;
	v7 =	vld [tilespmem:s17+$0xFFFFFF00];
	(xrf2) =	vadd.scan.msk.f32 $0xffff, v12  }
0xc8: {  	v11 =	vadd.f32 v17, v11;
	v12 =	vld [tilespmem:s8+$0xFFFFFF10];
	v17 =	vadd.f32 v19, v18;
	v8 =	vbroadcast v8, $0xF;
	v18, _, _ =	vpop (xrf2)  }
0xc9: {  	v16 =	vbroadcast v16, $0x0;
	v20 =	vbroadcast v20, $0x0;
	v19 =	vld [tilespmem:s17+$0xFFFFFF10];
	v18 =	vadd.f32 $0.0e+00, v18  }
0xca: {  	v27 =	vmul.f32 $2.000000030e-01, v11;
	v26 =	vld [tilespmem:s8+$0xFFFFFF40];
	v28 =	vmul.f32 $2.000000030e-01, v17;
	v14 =	vadd.f32 v14, v23;
	(xrf2) =	vadd.scan.msk.f32 $0xffff, v10  }
0xcb: {  	v10 =	vld [tilespmem:s17+$0xFFFFFF40];
	v13 =	vadd.f32 v24, v13;
	[tilespmem:v6+s10+$0x0] =	vst.idx.msk $0x1, v8;
	v29 =	vbroadcast v18, $0xF;
	v8 =	vbroadcast v15, $0x0;
	v15, _, _ =	vpop (xrf2)  }
0xcc: {  	v11 =	vmax.f32 v11, v27;
	v18 =	vld [tilespmem:s8+$0xFFFFFF50];
	v17 =	vmax.f32 v17, v28;
	v23 =	vmul.f32 $2.000000030e-01, v14  }
0xcd: {  	v11 =	vmul.f32 v11, v2;
	v15 =	vadd.f32 $0.0e+00, v15;
	v24 =	vld [tilespmem:s17+$0xFFFFFF50];
	v17 =	vmul.f32 v17, v3;
	(xrf2) =	vadd.scan.msk.f32 $0xffff, v22  }
0xce: {  	v22 =	vmul.f32 $2.000000030e-01, v13;
	v12 =	vadd.f32 v19, v12;
	v19 =	vld [tilespmem:s8+$0xFFFFFF80];
	v14 =	vmax.f32 v14, v23;
	[tilespmem:v25+s10+$0x0] =	vst.idx.msk $0x1, v29;
	v6, _, _ =	vpop (xrf2)  }
0xcf: {  	v23 =	vld [tilespmem:s17+$0xFFFFFF80];
	v11 =	vadd.f32 v17, v11;
	v14 =	vmul.f32 v14, v4;
	v17 =	vadd.f32 $0.0e+00, v6  }
0xd0: {  	v13 =	vmax.f32 v13, v22;
	v6 =	vmul.f32 $2.000000030e-01, v12;
	v10 =	vadd.f32 v10, v26;
	v25 =	vld [tilespmem:s8+$0xFFFFFF90]  }
0xd1: {  	v13 =	vmul.f32 v13, v5;
	v22 =	vld [tilespmem:s17+$0xFFFFFF90];
	v11 =	vadd.f32 v14, v11;
	v14 =	vbroadcast v15, $0xF;
	v15, _, _ =	vpop (xrf2)  }
0xd2: {  	v6 =	vmax.f32 v12, v6;
	v12 =	vmul.f32 $2.000000030e-01, v10;
	v18 =	vadd.f32 v24, v18;
	v24 =	vld [tilespmem:s8+$0xFFFFFFC0]  }
0xd3: {  	v6 =	vmul.f32 v6, v3;
	v26 =	vld [tilespmem:s17+$0xFFFFFFC0];
	v11 =	vadd.f32 v13, v11;
	[tilespmem:v9+s10+$0x0] =	vst.idx.msk $0x1, v14;
	v9 =	vadd.f32 $0.0e+00, v15  }
0xd4: {  	v10 =	vmax.f32 v10, v12;
	v12 =	vmul.f32 $2.000000030e-01, v18;
	v13 =	vadd.f32 v23, v19;
	v14 =	vld [tilespmem:s8+$0xFFFFFFD0];
	v15, _, _ =	vpop (xrf2)  }
0xd5: {  	v10 =	vmul.f32 v10, v2;
	v19 =	vld [tilespmem:s17+$0xFFFFFFD0];
	(xrf2) =	vadd.scan.msk.f32 $0xffff, v11;
	v11 =	vbroadcast v17, $0xF;
	v15 =	vadd.f32 $0.0e+00, v15  }
0xd6: {  	v12 =	vmax.f32 v18, v12;
	v17 =	vmul.f32 $2.000000030e-01, v13;
	v18 =	vadd.f32 v22, v25;
	v22 =	vld [tilespmem:s8+$0x0]  }
0xd7: {  	v23 =	vmov s9;
	v12 =	vmul.f32 v12, v3;
	v25 =	vld [tilespmem:s17+$0x0];
	[tilespmem:v21+s10+$0x0] =	vst.idx.msk $0x1, v11;
	v11 =	vbroadcast v9, $0xF;
	v21, _, _ =	vpop (xrf2)  }
0xd8: {  	v13 =	vmax.f32 v13, v17;
	v17 =	vmul.f32 $2.000000030e-01, v18;
	v24 =	vadd.f32 v26, v24;
	v26 =	vld [tilespmem:s8+$0x10]  }
0xd9: {  	s19 =	sadd.s32 $0x7, s9;
	v9 =	vadd.f32 v12, v10;
	v10 =	vmul.f32 v13, v2;
	v12 =	vld [tilespmem:s17+$0x10];
	[tilespmem:v16+s10+$0x0] =	vst.idx.msk $0x1, v11;
	v11 =	vadd.f32 $0.0e+00, v21  }
0xda: {  	v13 =	vmul.f32 $2.000000030e-01, v24;
	v14 =	vadd.f32 v19, v14;
	v16 =	vld [tilespmem:s8+$0x40];
	v19 =	vmov s19  }
0xdb: {  	v15 =	vbroadcast v15, $0xF;
	v17 =	vmax.f32 v18, v17;
	v18 =	vld [tilespmem:s17+$0x40];
	v19 =	vshrl.u32 v19, $0x3  }
0xdc: {  	v27 =	vmul.f32 $2.000000030e-01, v14;
	v22 =	vadd.f32 v25, v22;
	v25 =	vld [tilespmem:s8+$0x50];
	v19 =	vshll.u32 v19, v1  }
0xdd: {  	v17 =	vmul.f32 v17, v3;
	v13 =	vmax.f32 v24, v13;
	v24 =	vld [tilespmem:s17+$0x50];
	v19 =	vadd.s32 $0x7, v19;
	[tilespmem:v20+s10+$0x0] =	vst.idx.msk $0x1, v15  }
0xde: {  	v15 =	vmul.f32 $2.000000030e-01, v22;
	v12 =	vadd.f32 v12, v26;
	v20 =	vld [tilespmem:s8+$0x80];
	v19 =	vbroadcast v19, $0x0  }
0xdf: {  	v10 =	vadd.f32 v17, v10;
	v13 =	vmul.f32 v13, v2;
	v14 =	vmax.f32 v14, v27;
	v17 =	vld [tilespmem:s17+$0x80];
	v21, _, _ =	vpop (xrf2)  }
0xe0: {  	v26 =	vmul.f32 $2.000000030e-01, v12;
	v16 =	vadd.f32 v18, v16;
	v18 =	vld [tilespmem:s8+$0x90];
	v21 =	vadd.f32 $0.0e+00, v21  }
0xe1: {  	v11 =	vbroadcast v11, $0xF;
	v14 =	vmul.f32 v14, v3;
	v15 =	vmax.f32 v22, v15;
	v22 =	vld [tilespmem:s17+$0x90]  }
0xe2: {  	v27 =	vld [tilespmem:s8+$0xFFFFFF00];
	v28 =	vmul.f32 $2.000000030e-01, v16;
	v24 =	vadd.f32 v24, v25;
	v21 =	vbroadcast v21, $0xF  }
0xe3: {  	v13 =	vadd.f32 v14, v13;
	v14 =	vmul.f32 v15, v2;
	v12 =	vmax.f32 v12, v26;
	v25 =	vld [tilespmem:s8+$0xFFFFFF20]  }
0xe4: {  	v15 =	vld [tilespmem:s17+$0xFFFFFF20];
	v16 =	vmax.f32 v16, v28;
	v26 =	vmul.f32 $2.000000030e-01, v24;
	v17 =	vadd.f32 v17, v20;
	[tilespmem:v19+s10+$0x0] =	vst.idx.msk $0x1, v21  }
0xe5: {  	v12 =	vmul.f32 v12, v3;
	v19 =	vshrl.u32 v23, $0x3;
	v20 =	vld [tilespmem:s8+$0xFFFFFF60];
	v16 =	vmul.f32 v16, v2;
	[tilespmem:v8+s10+$0x0] =	vst.idx.msk $0x1, v11  }
0xe6: {  	v8 =	vld [tilespmem:s17+$0xFFFFFF60];
	v11 =	vmax.f32 v24, v26;
	v21 =	vmul.f32 $2.000000030e-01, v17;
	v18 =	vadd.f32 v22, v18  }
0xe7: {  	s19 =	sadd.s32 $0x1, s9;
	v12 =	vadd.f32 v12, v14;
	v7 =	vadd.f32 v7, v27;
	v22 =	vld [tilespmem:s8+$0xFFFFFFA0];
	v11 =	vmul.f32 v11, v3  }
0xe8: {  	v14 =	vmov s19;
	v23 =	vld [tilespmem:s17+$0xFFFFFFA0];
	v17 =	vmax.f32 v17, v21;
	v21 =	vmul.f32 $2.000000030e-01, v18  }
0xe9: {  	s19 =	sadd.s32 $0x2, s9;
	v24 =	vmul.f32 $2.000000030e-01, v7;
	v15 =	vadd.f32 v15, v25;
	v25 =	vld [tilespmem:s8+$0xFFFFFFE0];
	v17 =	vmul.f32 v17, v2  }
0xea: {  	v26 =	vmov s19;
	v11 =	vadd.f32 v11, v16;
	v27 =	vld [tilespmem:s17+$0xFFFFFFE0];
	v16 =	vmax.f32 v18, v21  }
0xeb: {  	s19 =	sadd.s32 $0x3, s9;
	v7 =	vmax.f32 v7, v24;
	v18 =	vmul.f32 $2.000000030e-01, v15;
	v8 =	vadd.f32 v8, v20;
	v20 =	vld [tilespmem:s8+$0x20]  }
0xec: {  	v21 =	vmov s19;
	v16 =	vmul.f32 v16, v3;
	v7 =	vmul.f32 v7, v2;
	v24 =	vld [tilespmem:s17+$0x20]  }
0xed: {  	v15 =	vmax.f32 v15, v18;
	v18 =	vmul.f32 $2.000000030e-01, v8;
	v22 =	vadd.f32 v23, v22;
	v23 =	vld [tilespmem:s8+$0x60]  }
0xee: {  	v16 =	vadd.f32 v16, v17;
	v6 =	vadd.f32 v6, v7;
	v7 =	vmul.f32 v15, v4;
	v15 =	vld [tilespmem:s17+$0x60]  }
0xef: {  	s19 =	sadd.s32 $0x4, s9;
	v8 =	vmax.f32 v8, v18;
	v17 =	vmul.f32 $2.000000030e-01, v22;
	v18 =	vadd.f32 v27, v25;
	v25 =	vld [tilespmem:s8+$0xA0]  }
0xf0: {  	v27 =	vmov s19;
	v6 =	vadd.f32 v7, v6;
	v7 =	vmul.f32 v8, v4;
	v8 =	vld [tilespmem:s17+$0xA0]  }
0xf1: {  	s19 =	sadd.s32 $0x5, s9;
	v28 =	vld [tilespmem:s8+$0xFFFFFF30];
	v17 =	vmax.f32 v22, v17;
	v22 =	vmul.f32 $2.000000030e-01, v18;
	v20 =	vadd.f32 v24, v20  }
0xf2: {  	v24 =	vld [tilespmem:s17+$0xFFFFFF30];
	v7 =	vadd.f32 v7, v9;
	v9 =	vmul.f32 v17, v4;
	v17 =	vmov s19  }
0xf3: {  	s19 =	sadd.s32 $0x6, s9;
	s9 =	smov.u32 s18;
	v29 =	vld [tilespmem:s8+$0xFFFFFF70];
	v18 =	vmax.f32 v18, v22;
	v22 =	vmul.f32 $2.000000030e-01, v20;
	v15 =	vadd.f32 v15, v23  }
0xf4: {  	v23 =	vld [tilespmem:s17+$0xFFFFFF70];
	v9 =	vadd.f32 v9, v10;
	v10 =	vmul.f32 v18, v4;
	v18 =	vmov s19  }
0xf5: {  	v30 =	vld [tilespmem:s8+$0xFFFFFFB0];
	v20 =	vmax.f32 v20, v22;
	v22 =	vmul.f32 $2.000000030e-01, v15;
	v8 =	vadd.f32 v8, v25  }
0xf6: {  	v19 =	vshll.u32 v19, v1;
	v25 =	vld [tilespmem:s17+$0xFFFFFFB0];
	v10 =	vadd.f32 v10, v13;
	v13 =	vmul.f32 v20, v4  }
0xf7: {  	v20 =	vadd.f32 v24, v28;
	v24 =	vld [tilespmem:s8+$0xFFFFFFF0];
	v15 =	vmax.f32 v15, v22;
	v22 =	vmul.f32 $2.000000030e-01, v8  }
0xf8: {  	v28 =	vshrl.u32 v14, $0x3;
	v14 =	vld [tilespmem:s17+$0xFFFFFFF0];
	v12 =	vadd.f32 v13, v12;
	v13 =	vmul.f32 v15, v4  }
0xf9: {  	v15 =	vmul.f32 $2.000000030e-01, v20;
	v23 =	vadd.f32 v23, v29;
	v29 =	vld [tilespmem:s8+$0x30];
	v8 =	vmax.f32 v8, v22  }
0xfa: {  	v22 =	vshrl.u32 v26, $0x3;
	v26 =	vld [tilespmem:s17+$0x30];
	v31 =	vadd.f32 v13, v11;
	v8 =	vmul.f32 v8, v4  }
0xfb: {  	v11 =	vmax.f32 v20, v15;
	v13 =	vmul.f32 $2.000000030e-01, v23;
	v15 =	vadd.f32 v25, v30;
	v20 =	vld [tilespmem:s8+$0x70]  }
0xfc: {  	v21 =	vshrl.u32 v21, $0x3;
	v11 =	vmul.f32 v11, v5;
	v25 =	vld [tilespmem:s17+$0x70];
	v8 =	vadd.f32 v8, v16  }
0xfd: {  	v13 =	vmax.f32 v23, v13;
	v16 =	vmul.f32 $2.000000030e-01, v15;
	v14 =	vadd.f32 v14, v24;
	v23 =	vld [tilespmem:s8+$0xB0]  }
0xfe: {  	v24 =	vshrl.u32 v27, $0x3;
	v6 =	vadd.f32 v11, v6;
	v11 =	vmul.f32 v13, v5;
	v13 =	vld [tilespmem:s17+$0xB0]  }
0xff: {  	v15 =	vmax.f32 v15, v16;
	v16 =	vmul.f32 $2.000000030e-01, v14;
	v26 =	vadd.f32 v26, v29  }
0x100: {  	v27 =	vshrl.u32 v17, $0x3;
	v7 =	vadd.f32 v11, v7;
	v11 =	vmul.f32 v15, v5;
	(xrf2) =	vadd.scan.msk.f32 $0xffff, v6  }
0x101: {  	v6 =	vmax.f32 v14, v16;
	v14 =	vmul.f32 $2.000000030e-01, v26;
	v16 =	vadd.f32 v25, v20  }
0x102: {  	v15 =	vshrl.u32 v18, $0x3;
	v20 =	vadd.f32 v11, v9;
	v9 =	vmul.f32 v6, v5  }
0x103: {  	s8 =	sadd.s32 $0x200, s8;
	v11 =	vmax.f32 v26, v14;
	v17 =	vmul.f32 $2.000000030e-01, v16;
	v23 =	vadd.f32 v13, v23;
	(xrf2) =	vadd.scan.msk.f32 $0xffff, v7  }
.Ltmp1:
0x104: {  	v6 =	vbroadcast v19, $0x0;
	v13 =	vld [tilespmem:s8+$0xF0];
	v14 =	vadd.f32 v9, v10;
	v10 =	vmul.f32 v11, v5;
	(pc) =	sbr.rel @p0 .LBB2_5-.Ltmp1, $4  }
0x105: {  	s17 =	sadd.s32 $0x200, s17;
	v7 =	vshll.u32 v28, v1;
	v11 =	vld [tilespmem:s8+$0xC0];
	v16 =	vmax.f32 v16, v17;
	v19 =	vmul.f32 $2.000000030e-01, v23  }
0x106: {  	v9 =	vshll.u32 v22, v1;
	v17 =	vld [tilespmem:s17+$0xC0];
	v12 =	vadd.f32 v10, v12;
	v10 =	vmul.f32 v16, v5;
	(xrf2) =	vadd.scan.msk.f32 $0xffff, v20  }
0x107: {  	v21 =	vshll.u32 v21, v1;
	v16 =	vshll.u32 v24, v1;
	v18 =	vld [tilespmem:s8+$0xD0];
	v22 =	vmax.f32 v23, v19  }
0x108: {  	s18 =	sadd.s32 $0x8, s18;
	v20 =	vshll.u32 v27, v1;
	v19 =	vld [tilespmem:s17+$0xD0];
	v10 =	vadd.f32 v10, v31;
	v22 =	vmul.f32 v22, v5  }
0x109: {  	v23 =	vld [tilespmem:s8+$0xE0]  }
0x10a: {  	v24 =	vld [tilespmem:s17+$0xE0]  }
0x10b: {  	v25 =	vld [tilespmem:s17+$0xF0]  }
0x10c: {  	v26 =	vld [tilespmem:s17+$0xFFFFFF00]  }
0x10d: {  	v27 =	vld [tilespmem:s8+$0xFFFFFF10]  }
0x10e: {  	v28 =	vld [tilespmem:s17+$0xFFFFFF10]  }
0x10f: {  	v29 =	vld [tilespmem:s8+$0xFFFFFF40]  }
0x110: {  	v30 =	vld [tilespmem:s17+$0xFFFFFF40]  }
0x111: {  	v31 =	vld [tilespmem:s8+$0xFFFFFF50]  }
0x112: {  	v32 =	vld [tilespmem:s17+$0xFFFFFF50]  }
0x113: {  	v34 =	vld [tilespmem:s8+$0xFFFFFF80]  }
0x114: {  	v36 =	vld [tilespmem:s17+$0xFFFFFF80]  }
0x115: {  	v48 =	vld [tilespmem:s8+$0xFFFFFFD0]  }
0x116: {  	v7 =	vadd.s32 $0x1, v7;
	v33 =	vadd.s32 $0x2, v9;
	v49 =	vld [tilespmem:s17+$0xFFFFFFD0]  }
0x117: {  	v15 =	vshll.u32 v15, v1;
	v21 =	vadd.s32 $0x3, v21;
	v35 =	vadd.s32 $0x4, v16;
	v52 =	vld [tilespmem:s8+$0x10];
	v9, _, _ =	vpop (xrf2)  }
0x118: {  	v62 =	vld [tilespmem:s8+$0x90];
	v16 =	vadd.f32 v22, v8;
	v8 =	vbroadcast v33, $0x0;
	(xrf2) =	vadd.scan.msk.f32 $0xffff, v14;
	v22 =	vadd.f32 $0.0e+00, v9  }
0x119: {  	v44 =	vld [tilespmem:s17+$0x90];
	v9 =	vbroadcast v7, $0x0;
	v37 =	vadd.f32 v17, v11;
	v17 =	vadd.s32 $0x6, v15;
	(xrf2) =	vadd.scan.msk.f32 $0xffff, v12  }
0x11a: {  	v20 =	vadd.s32 $0x5, v20;
	v54 =	vld [tilespmem:s17+$0x10];
	v7 =	vbroadcast v21, $0x0;
	(xrf2) =	vadd.scan.msk.f32 $0xffff, v10;
	v10 =	vbroadcast v17, $0x0  }
0x11b: {  	v21 =	vld [tilespmem:s17+$0xFFFFFF90];
	v18 =	vadd.f32 v19, v18;
	v45 =	vmul.f32 $2.000000030e-01, v37;
	v23 =	vadd.f32 v24, v23  }
0x11c: {  	v15 =	vld [tilespmem:s17+$0xFFFFFFC0];
	v11 =	vbroadcast v22, $0xF;
	v13 =	vadd.f32 v25, v13;
	v27 =	vadd.f32 v28, v27  }
0x11d: {  	v19 =	vld [tilespmem:s8+$0xFFFFFF90];
	v53 =	vadd.f32 v36, v34;
	v58 =	vadd.f32 v49, v48;
	v38 =	vmul.f32 $2.000000030e-01, v18  }
0x11e: {  	v24 =	vld [tilespmem:s8+$0xFFFFFFC0];
	v34 =	vadd.f32 v44, v62;
	v25 =	vmax.f32 v37, v45;
	v47 =	vmul.f32 $2.000000030e-01, v23  }
0x11f: {  	v59 =	vld [tilespmem:s8+$0x80];
	v22, _, _ =	vpop (xrf2);
	v28 =	vmul.f32 $2.000000030e-01, v13;
	v51 =	vmul.f32 $2.000000030e-01, v27;
	v46 =	vmax.f32 v18, v38  }
0x120: {  	v61 =	vld [tilespmem:s17+$0x80];
	v18 =	vadd.f32 $0.0e+00, v22;
	v22 =	vmul.f32 v25, v2;
	v25 =	vmul.f32 v46, v3  }
0x121: {  	v45 =	vld [tilespmem:s8+$0xFFFFFF00];
	v23 =	vmax.f32 v23, v47;
	v13 =	vmax.f32 v13, v28;
	v28 =	vadd.f32 v32, v31  }
0x122: {  	v56 =	vld [tilespmem:s8+$0x40];
	v27 =	vmax.f32 v27, v51;
	v19 =	vadd.f32 v21, v19;
	v31 =	vadd.f32 v54, v52  }
0x123: {  	v21 =	vld [tilespmem:s17+$0x40];
	v23 =	vmul.f32 v23, v4;
	v13 =	vmul.f32 v13, v5;
	v15 =	vadd.f32 v15, v24  }
0x124: {  	v27 =	vmul.f32 v27, v3;
	v18 =	vbroadcast v18, $0xF;
	v22 =	vadd.f32 v25, v22  }
0x125: {  	v50 =	vld [tilespmem:s8+$0x0];
	v25 =	vadd.f32 v30, v29;
	v55 =	vmul.f32 $2.000000030e-01, v28;
	v57 =	vmul.f32 $2.000000030e-01, v19  }
0x126: {  	v29 =	vld [tilespmem:s17+$0x0];
	v30 =	vadd.f32 v61, v59;
	v26 =	vadd.f32 v26, v45;
	v60 =	vmul.f32 $2.000000030e-01, v15  }
0x127: {  	v22 =	vadd.f32 v23, v22;
	v23 =	vmul.f32 $2.000000030e-01, v25;
	v19 =	vmax.f32 v19, v57  }
0x128: {  	v19 =	vmul.f32 v19, v3;
	v15 =	vmax.f32 v15, v60;
	v21 =	vadd.f32 v21, v56  }
0x129: {  	v40 =	vld [tilespmem:s8+$0xFFFFFF20];
	v56 =	vmul.f32 $2.000000030e-01, v34;
	v23 =	vmax.f32 v25, v23;
	v25 =	vmul.f32 $2.000000030e-01, v53  }
0x12a: {  	v24 =	vld [tilespmem:s17+$0x50];
	v22 =	vadd.f32 v13, v22;
	v39 =	vmul.f32 v15, v2;
	v15 =	vbroadcast v35, $0x0  }
0x12b: {  	v13 =	vmul.f32 v23, v2;
	v23 =	vmax.f32 v28, v55;
	v28 =	vld [tilespmem:s8+$0x50];
	v29 =	vadd.f32 v29, v50  }
0x12c: {  	v48 =	vld [tilespmem:s8+$0xFFFFFF60];
	v47 =	vmul.f32 $2.000000030e-01, v21;
	v32 =	vmax.f32 v34, v56;
	v23 =	vmul.f32 v23, v3  }
0x12d: {  	v54 =	vld [tilespmem:s8+$0xFFFFFFE0];
	v25 =	vmax.f32 v53, v25;
	v53 =	vmul.f32 $2.000000030e-01, v30;
	v60 =	vmul.f32 v32, v3  }
0x12e: {  	v50 =	vld [tilespmem:s17+$0xFFFFFF60];
	v25 =	vmul.f32 v25, v2;
	v63 =	vmul.f32 $2.000000030e-01, v29;
	v21 =	vmax.f32 v21, v47  }
0x12f: {  	v55 =	vld [tilespmem:s17+$0xFFFFFFE0];
	v23 =	vadd.f32 v23, v13;
	v13 =	vmul.f32 $2.000000030e-01, v58;
	v30 =	vmax.f32 v30, v53  }
0x130: {  	v19 =	vadd.f32 v19, v25;
	v25 =	vmul.f32 $2.000000030e-01, v31;
	v24 =	vadd.f32 v24, v28;
	v28 =	vld [tilespmem:s17+$0xFFFFFF20]  }
0x131: {  	v42, _, _ =	vpop (xrf2);
	v51 =	vld [tilespmem:s8+$0xFFFFFFA0];
	v21 =	vmul.f32 v21, v2;
	v29 =	vmax.f32 v29, v63;
	v14 =	vmul.f32 v30, v2  }
0x132: {  	v52 =	vld [tilespmem:s17+$0xFFFFFFA0];
	v30 =	vadd.f32 $0.0e+00, v42;
	v25 =	vmax.f32 v31, v25;
	v49 =	vmul.f32 $2.000000030e-01, v24  }
0x133: {  	v41 =	vld [tilespmem:s17+$0xFFFFFF30];
	v13 =	vmax.f32 v58, v13;
	v29 =	vmul.f32 v29, v2;
	v25 =	vmul.f32 v25, v3  }
0x134: {  	v44 =	vld [tilespmem:s17+$0xFFFFFF70];
	v35 =	vadd.f32 v50, v48;
	v62 =	vadd.f32 v55, v54;
	v24 =	vmax.f32 v24, v49  }
0x135: {  	(xrf2) =	vadd.scan.msk.f32 $0xffff, v16;
	v59 =	vld [tilespmem:s17+$0x60];
	v47, _, _ =	vpop (xrf2);
	v25 =	vadd.f32 v25, v29;
	v29 =	vmul.f32 $2.000000030e-01, v26;
	v28 =	vadd.f32 v28, v40  }
0x136: {  	v57 =	vld [tilespmem:s17+$0x20];
	(xrf2) =	vadd.scan.msk.f32 $0xffff, v22;
	v22 =	vadd.f32 $0.0e+00, v47;
	v46 =	vmul.f32 v13, v3;
	v24 =	vmul.f32 v24, v3  }
0x137: {  	v58 =	vld [tilespmem:s8+$0x60];
	v31 =	vadd.f32 v52, v51;
	v26 =	vmax.f32 v26, v29;
	v29 =	vmul.f32 $2.000000030e-01, v28  }
0x138: {  	v13 =	vbroadcast v20, $0x0;
	v30 =	vbroadcast v30, $0xF;
	v21 =	vadd.f32 v24, v21;
	v24 =	vld [tilespmem:s8+$0x20]  }
0x139: {  	v53 =	vld [tilespmem:s17+$0x30];
	v61 =	vmul.f32 $2.000000030e-01, v31;
	v28 =	vmax.f32 v28, v29;
	v29 =	vmul.f32 $2.000000030e-01, v35  }
0x13a: {  	v63 =	vld [tilespmem:s17+$0xA0];
	v14 =	vadd.f32 v60, v14;
	v22 =	vbroadcast v22, $0xF;
	v26 =	vmul.f32 v26, v2  }
0x13b: {  	v51 =	vld [tilespmem:s8+$0x30];
	v20 =	vadd.f32 v46, v39;
	v39 =	vmax.f32 v31, v61;
	v29 =	vmax.f32 v35, v29  }
0x13c: {  	v26 =	vadd.f32 v27, v26;
	v27 =	vld [tilespmem:s8+$0xA0];
	v12 =	vmul.f32 v28, v4;
	v28 =	vmul.f32 v29, v4  }
0x13d: {  	v40 =	vmul.f32 $2.000000030e-01, v62;
	v33 =	vadd.f32 v59, v58;
	v29 =	vld [tilespmem:s8+$0xFFFFFF30];
	v24 =	vadd.f32 v57, v24  }
0x13e: {  	s18 =	sadd.s32 $0x7, s9;
	v12 =	vadd.f32 v12, v26;
	v26 =	vmul.f32 v39, v4;
	v23 =	vadd.f32 v28, v23;
	v28 =	vld [tilespmem:s8+$0xFFFFFF70]  }
0x13f: {  	v31 =	vmax.f32 v62, v40;
	v46 =	vmul.f32 $2.000000030e-01, v33;
	v57 =	vmov s18  }
0x140: {  	v45 =	vld [tilespmem:s8+$0xFFFFFFB0];
	v43 =	vmul.f32 $2.000000030e-01, v24;
	v19 =	vadd.f32 v26, v19;
	v26 =	vmul.f32 v31, v4  }
0x141: {  	v32 =	vshrl.u32 v57, $0x3;
	v17 =	vadd.f32 v63, v27;
	v27 =	vld [tilespmem:s17+$0xFFFFFFB0];
	v31 =	vadd.f32 v53, v51  }
0x142: {  	v24 =	vmax.f32 v24, v43;
	v16 =	vadd.f32 v26, v20;
	v26 =	vmax.f32 v33, v46  }
0x143: {  	v49 =	vld [tilespmem:s17+$0xFFFFFFF0];
	v48 =	vmul.f32 $2.000000030e-01, v17;
	v29 =	vadd.f32 v41, v29;
	v28 =	vadd.f32 v44, v28  }
0x144: {  	v32 =	vshll.u32 v32, v1;
	v20 =	vmul.f32 v24, v4;
	v24 =	vld [tilespmem:s8+$0xFFFFFFF0];
	v26 =	vmul.f32 v26, v4  }
0x145: {  	v17 =	vmax.f32 v17, v48;
	v50 =	vmul.f32 $2.000000030e-01, v29;
	v52 =	vmul.f32 $2.000000030e-01, v28  }
0x146: {  	v54 =	vld [tilespmem:s8+$0x70];
	v32 =	vadd.s32 $0x7, v32;
	v27 =	vadd.f32 v27, v45;
	v17 =	vmul.f32 v17, v4  }
0x147: {  	v21 =	vadd.f32 v26, v21;
	v26 =	vld [tilespmem:s17+$0x70];
	v29 =	vmax.f32 v29, v50;
	v28 =	vmax.f32 v28, v52  }
0x148: {  	v55 =	vmul.f32 $2.000000030e-01, v27;
	v14 =	vadd.f32 v17, v14;
	v17 =	vmul.f32 v28, v5  }
0x149: {  	v20 =	vadd.f32 v20, v25;
	v25, _, _ =	vpop (xrf2);
	v29 =	vmul.f32 v29, v5;
	v24 =	vadd.f32 v49, v24;
	v28 =	vld [tilespmem:s8+$0xB0]  }
0x14a: {  	v25 =	vadd.f32 $0.0e+00, v25;
	v27 =	vmax.f32 v27, v55;
	v17 =	vadd.f32 v17, v23;
	v23 =	vld [tilespmem:s17+$0xB0]  }
0x14b: {  	v56, _, _ =	vpop (xrf2);
	v12 =	vadd.f32 v29, v12;
	v29 =	vmul.f32 $2.000000030e-01, v24;
	v27 =	vmul.f32 v27, v5  }
0x14c: {  	v32 =	vbroadcast v32, $0x0;
	v34 =	vadd.f32 $0.0e+00, v56;
	v26 =	vadd.f32 v26, v54  }
0x14d: {  	v25 =	vbroadcast v25, $0xF;
	v19 =	vadd.f32 v27, v19;
	v27 =	vmul.f32 $2.000000030e-01, v31  }
0x14e: {  	v34 =	vbroadcast v34, $0xF;
	v24 =	vmax.f32 v24, v29;
	v59 =	vmul.f32 $2.000000030e-01, v26  }
0x14f: {  	s19 =	sadd.s32 $0x2, s9;
	(xrf2) =	vadd.scan.msk.f32 $0xffff, v12;
	v24 =	vmul.f32 v24, v5;
	v29, _, _ =	vpop (xrf2);
	v27 =	vmax.f32 v31, v27;
	v23 =	vadd.f32 v23, v28  }
0x150: {  	s18 =	sadd.s32 $0x1, s9;
	v12 =	vmax.f32 v26, v59;
	(xrf2) =	vadd.scan.msk.f32 $0xffff, v17;
	v17 =	vmov s19;
	v29 =	vadd.f32 $0.0e+00, v29  }
0x151: {  	[tilespmem:v6+s10+$0x0] =	vst.idx.msk $0x1, v11;
	v11 =	vadd.f32 v24, v16;
	v24 =	vmov s18;
	v16 =	vmul.f32 $2.000000030e-01, v23  }
0x152: {  	v58, _, _ =	vpop (xrf2);
	v26 =	vmul.f32 v27, v5;
	v12 =	vmul.f32 v12, v5;
	s18 =	sadd.s32 $0x4, s9;
	v17 =	vshrl.u32 v17, $0x3  }
0x153: {  	(xrf2) =	vadd.scan.msk.f32 $0xffff, v19;
	v33 =	vadd.f32 $0.0e+00, v58;
	v19 =	vmov s18;
	v16 =	vmax.f32 v23, v16  }
0x154: {  	s19 =	sadd.s32 $0x5, s9;
	v28 =	vmov s9;
	v20 =	vadd.f32 v26, v20;
	(xrf2) =	vadd.scan.msk.f32 $0xffff, v11;
	v16 =	vmul.f32 v16, v5  }
0x155: {  	s18 =	sadd.s32 $0x6, s9;
	v29 =	vbroadcast v29, $0xF;
	v12 =	vadd.f32 v12, v21;
	v21 =	vmov s19  }
0x156: {  	s17 =	sadd.s32 $0x3, s9;
	v11 =	vmov s18;
	v33 =	vbroadcast v33, $0xF;
	(xrf2) =	vadd.scan.msk.f32 $0xffff, v20;
	v14 =	vadd.f32 v16, v14  }
0x157: {  	v6 =	vshrl.u32 v28, $0x3;
	(xrf2) =	vadd.scan.msk.f32 $0xffff, v12;
	v12 =	vshrl.u32 v19, $0x3;
	v23 =	vmov s17  }
0x158: {  	v20 =	vshrl.u32 v23, $0x3;
	v16 =	vshrl.u32 v24, $0x3;
	(xrf2) =	vadd.scan.msk.f32 $0xffff, v14;
	v14 =	vshll.u32 v17, v1  }
0x159: {  	[tilespmem:v9+s10+$0x0] =	vst.idx.msk $0x1, v18;
	v19 =	vshrl.u32 v21, $0x3;
	v9 =	vshll.u32 v16, v1;
	v16 =	vshll.u32 v20, v1  }
0x15a: {  	v11 =	vshrl.u32 v11, $0x3;
	v6 =	vshll.u32 v6, v1;
	v17 =	vshll.u32 v19, v1  }
0x15b: {  	[tilespmem:v8+s10+$0x0] =	vst.idx.msk $0x1, v30;
	v12 =	vshll.u32 v12, v1;
	v8 =	vadd.s32 $0x1, v9;
	v9 =	vadd.s32 $0x2, v14;
	v14, _, _ =	vpop (xrf2)  }
0x15c: {  	[tilespmem:v7+s10+$0x0] =	vst.idx.msk $0x1, v22;
	v6 =	vbroadcast v6, $0x0;
	v12 =	vadd.s32 $0x4, v12;
	v7 =	vadd.s32 $0x3, v16;
	v16, _, _ =	vpop (xrf2)  }
0x15d: {  	[tilespmem:v15+s10+$0x0] =	vst.idx.msk $0x1, v25;
	v8 =	vbroadcast v8, $0x0;
	v15 =	vadd.s32 $0x5, v17;
	v14 =	vadd.f32 $0.0e+00, v14;
	v17, _, _ =	vpop (xrf2)  }
0x15e: {  	[tilespmem:v13+s10+$0x0] =	vst.idx.msk $0x1, v34;
	v9 =	vbroadcast v9, $0x0;
	v13 =	vadd.f32 $0.0e+00, v16;
	v16 =	vadd.f32 $0.0e+00, v17;
	v17, _, _ =	vpop (xrf2)  }
0x15f: {  	[tilespmem:v10+s10+$0x0] =	vst.idx.msk $0x1, v29;
	v7 =	vbroadcast v7, $0x0;
	v10 =	vbroadcast v15, $0x0;
	v15 =	vadd.f32 $0.0e+00, v17  }
0x160: {  	v11 =	vshll.u32 v11, v1;
	v12 =	vbroadcast v12, $0x0;
	v14 =	vbroadcast v14, $0xF  }
0x161: {  	v11 =	vadd.s32 $0x6, v11;
	[tilespmem:v32+s10+$0x0] =	vst.idx.msk $0x1, v33;
	v13 =	vbroadcast v13, $0xF;
	v17, _, _ =	vpop (xrf2)  }
0x162: {  	[tilespmem:v6+s10+$0x0] =	vst.idx.msk $0x1, v14;
	v6 =	vbroadcast v11, $0x0;
	v11 =	vbroadcast v16, $0xF;
	v14 =	vadd.f32 $0.0e+00, v17;
	v16, _, _ =	vpop (xrf2)  }
0x163: {  	[tilespmem:v8+s10+$0x0] =	vst.idx.msk $0x1, v13;
	v8 =	vbroadcast v15, $0xF;
	v13 =	vadd.f32 $0.0e+00, v16;
	v15, _, _ =	vpop (xrf2)  }
0x164: {  	[tilespmem:v9+s10+$0x0] =	vst.idx.msk $0x1, v11;
	v9 =	vbroadcast v14, $0xF;
	v11 =	vadd.f32 $0.0e+00, v15  }
0x165: {  	[tilespmem:v7+s10+$0x0] =	vst.idx.msk $0x1, v8;
	v7 =	vbroadcast v13, $0xF  }
0x166: {  	[tilespmem:v12+s10+$0x0] =	vst.idx.msk $0x1, v9;
	v8 =	vbroadcast v11, $0xF  }
0x167: {  	[tilespmem:v10+s10+$0x0] =	vst.idx.msk $0x1, v7  }
0x168: {  	[tilespmem:v6+s10+$0x0] =	vst.idx.msk $0x1, v8  }
0x169: {  	v6 =	vld [tilespmem:$0x8420]  }
0x16a: {  	v7 =	vld [tilespmem:$0x8430]  }
0x16b: {  	v8 =	vld [tilespmem:$0x8440]  }
0x16c: {  	v9 =	vld [tilespmem:$0x8450]  }
0x16d: {  	v10 =	vld [tilespmem:$0x8460]  }
0x16e: {  	v6 =	vmul.f32 $1.442695020e+00, v6  }
0x16f: {  	v7 =	vmul.f32 $1.442695020e+00, v7  }
0x170: {  	(erf) = vpow2.f32 v6;
	v6 =	vmul.f32 $1.442695020e+00, v8  }
0x171: {  	(erf) = vpow2.f32 v7;
	v7 =	vmul.f32 $1.442695020e+00, v9  }
0x172: {  	(erf) = vpow2.f32 v6;
	v6 =	vmul.f32 $1.442695020e+00, v10  }
0x173: {  	(erf) = vpow2.f32 v7  }
0x174: {  	(erf) = vpow2.f32 v6;
	_ =	sdelay $0x1  }
0x175: {  	s17 =	simm.s32 $0x2  }
0x176: {  	s18 =	simm.s32 $0x3;
	v8 =	vmov s17;
	s17 =	simm.s32 $0x6  }
0x177: {  	s19 =	simm.s32 $0x0;
	s9 =	simm.s32 $0x1;
	v9 =	vmov s18;
	v12 =	vmov s17  }
0x178: {  	v8 =	vshrl.u32 v8, $0x3;
	v7 =	vmov s9;
	v6 =	vmov s19;
	v13 =	vpop (erf)  }
0x179: {  	v9 =	vshrl.u32 v9, $0x3;
	v7 =	vshrl.u32 v7, $0x3;
	v6 =	vshrl.u32 v6, $0x3;
	v14 =	vpop (erf);
	[tilespmem:$0x8470] =	vst v13  }
0x17a: {  	v12 =	vshrl.u32 v12, $0x3;
	v7 =	vshll.u32 v7, v1;
	v6 =	vshll.u32 v6, v1;
	v13 =	vpop (erf);
	[tilespmem:$0x8480] =	vst v14  }
0x17b: {  	v8 =	vshll.u32 v8, v1;
	v7 =	vadd.s32 $0x1, v7;
	v6 =	vbroadcast v6, $0x0;
	v14 =	vpop (erf);
	[tilespmem:$0x8490] =	vst v13  }
0x17c: {  	p0 =	seq.s32 s23, $0x0;
	v9 =	vshll.u32 v9, v1;
	v8 =	vadd.s32 $0x2, v8;
	v7 =	vbroadcast v7, $0x0;
	[tilespmem:$0x84A0] =	vst v14;
	v13 =	vpop (erf)  }
0x17d: {  	s8 =	simm.s32 @!p0 $0x3;
	s9 =	simm.s32 $0x5;
	v12 =	vshll.u32 v12, v1;
	v9 =	vadd.s32 $0x3, v9;
	v8 =	vbroadcast v8, $0x0;
	[tilespmem:$0x84B0] =	vst v13  }
0x17e: {  	v11 =	vmov s9;
	v12 =	vadd.s32 $0x6, v12;
	v9 =	vbroadcast v9, $0x0;
	_ =	swait.ge @!p0 [sflag:s8], $0x1900  }
0x17f: {  	s18 =	simm.s32 $0x7;
	v11 =	vshrl.u32 v11, $0x3;
	v15 =	vbroadcast v12, $0x0;
	[sflag:s8] =	ssyncset.done @!p0 $0x0  }
0x180: {  	v11 =	vshll.u32 v11, v1;
	v13 =	vmov s18;
	[sflag:s8] =	ssyncadd.s32 @!p0 $0xFFFFE700  }
0x181: {  	s19 =	simm.s32 $0x4;
	v11 =	vadd.s32 $0x5, v11;
	v13 =	vshrl.u32 v13, $0x3;
	v6 =	vld.idx.msk [tilespmem:v6+s11+$0x0], $0xffff  }
0x182: {  	v10 =	vmov s19;
	v14 =	vbroadcast v11, $0x0;
	v11 =	vshll.u32 v13, v1;
	v13 =	vld.idx.msk [tilespmem:v7+s11+$0x0], $0xffff  }
0x183: {  	v10 =	vshrl.u32 v10, $0x3;
	v11 =	vadd.s32 $0x7, v11;
	v12 =	vld.idx.msk [tilespmem:v8+s11+$0x0], $0xffff  }
0x184: {  	v10 =	vshll.u32 v10, v1;
	v7 =	vbroadcast v11, $0x0;
	v11 =	vld.idx.msk [tilespmem:v9+s11+$0x0], $0xffff  }
0x185: {  	s9 =	simm.s32 $0x2E0;
	v10 =	vadd.s32 $0x4, v10;
	v8 =	vld.idx.msk [tilespmem:v15+s11+$0x0], $0xffff  }
0x186: {  	v10 =	vbroadcast v10, $0x0;
	v15 =	vld [tilespmem:s9+$0xFFFFFF00]  }
0x187: {  	v16 =	vld [tilespmem:s9+$0xFFFFFF40]  }
0x188: {  	v9 =	vld.idx.msk [tilespmem:v14+s11+$0x0], $0xffff  }
0x189: {  	v14 =	vld [tilespmem:s9+$0xC0]  }
0x18a: {  	v7 =	vld.idx.msk [tilespmem:v7+s11+$0x0], $0xffff  }
0x18b: {  	v18 =	vld [tilespmem:s9+$0xFFFFFFC0]  }
0x18c: {  	v10 =	vld.idx.msk [tilespmem:v10+s11+$0x0], $0xffff  }
0x18d: {  	v17 =	vld [tilespmem:s9+$0xFFFFFF80];
	v16 =	vmul.f32 v16, v13  }
0x18e: {  	s8 =	simm.s32 $0x5320;
	v20 =	vld [tilespmem:s9+$0x40]  }
0x18f: {  	v19 =	vld [tilespmem:s9+$0x0];
	[tilespmem:s8+$0xFFFFFF10] =	vst v16;
	v14 =	vmul.f32 v14, v7  }
0x190: {  	v15 =	vmul.f32 v15, v6;
	v16 =	vmul.f32 v18, v11;
	v18 =	vld [tilespmem:s9+$0xFFFFFF50]  }
0x191: {  	v21 =	vld [tilespmem:s9+$0x80];
	[tilespmem:s8+$0xF0] =	vst v14  }
0x192: {  	[tilespmem:s8+$0xFFFFFEC0] =	vst v15;
	v14 =	vmul.f32 v17, v12;
	v15 =	vld [tilespmem:s9+$0xD0]  }
0x193: {  	[tilespmem:s8+$0xFFFFFFB0] =	vst v16;
	v16 =	vmul.f32 v20, v9;
	v17 =	vld [tilespmem:s9+$0xFFFFFF10]  }
0x194: {  	v20 =	vld [tilespmem:s9+$0xFFFFFFD0];
	[tilespmem:s8+$0xFFFFFF60] =	vst v14;
	v14 =	vmul.f32 v19, v10  }
0x195: {  	[tilespmem:s8+$0x50] =	vst v16;
	v18 =	vmul.f32 v18, v13;
	v19 =	vld [tilespmem:s9+$0xFFFFFF90]  }
0x196: {  	s19 =	simm.s32 $0x8;
	[tilespmem:s8+$0x0] =	vst v14;
	v14 =	vmul.f32 v21, v8  }
0x197: {  	[tilespmem:s8+$0xFFFFFF20] =	vst v18;
	v21 =	vmov s19;
	v22 =	vld [tilespmem:s9+$0x10];
	v15 =	vmul.f32 v15, v7  }
0x198: {  	s19 =	simm.s32 $0xA;
	v16 =	vshrl.u32 v21, $0x3;
	v17 =	vmul.f32 v17, v6;
	v21 =	vld [tilespmem:s9+$0x50];
	[tilespmem:s8+$0xA0] =	vst v14  }
0x199: {  	s18 =	simm.s32 $0x9;
	v18 =	vmul.f32 v20, v11;
	v23 =	vmov s19;
	s19 =	simm.s32 $0xC;
	v24 =	vld [tilespmem:s9+$0x90];
	[tilespmem:s8+$0x100] =	vst v15  }
0x19a: {  	v14 =	vmov s18;
	s18 =	simm.s32 $0xB;
	v25 =	vmov s19;
	s19 =	simm.s32 $0xE;
	[tilespmem:s8+$0xFFFFFED0] =	vst v17;
	v17 =	vmul.f32 v19, v12;
	v19 =	vld [tilespmem:s9+$0xE0]  }
0x19b: {  	v16 =	vshll.u32 v16, v1;
	v27 =	vmov s19;
	v15 =	vmov s18;
	s18 =	simm.s32 $0xD;
	v28 =	vld [tilespmem:s9+$0xFFFFFF20]  }
0x19c: {  	v29 =	vld [tilespmem:s9+$0xFFFFFF60];
	v20 =	vshrl.u32 v14, $0x3;
	v26 =	vmov s18;
	[tilespmem:s8+$0xFFFFFF70] =	vst v17;
	v14 =	vmul.f32 v22, v10  }
0x19d: {  	[tilespmem:s8+$0xFFFFFFC0] =	vst v18;
	v15 =	vshrl.u32 v15, $0x3;
	v17 =	vshrl.u32 v23, $0x3;
	v18 =	vmul.f32 v21, v9;
	v22 =	vld [tilespmem:s9+$0xFFFFFFA0]  }
0x19e: {  	v21 =	vshrl.u32 v25, $0x3;
	v23 =	vshrl.u32 v26, $0x3;
	v25 =	vld [tilespmem:s9+$0xFFFFFFE0];
	[tilespmem:s8+$0x10] =	vst v14;
	v24 =	vmul.f32 v24, v8  }
0x19f: {  	v15 =	vshll.u32 v15, v1;
	v14 =	vbroadcast v16, $0x0;
	[tilespmem:s8+$0x60] =	vst v18;
	v26 =	vld [tilespmem:s9+$0x20];
	v18 =	vmul.f32 v19, v7  }
0x1a0: {  	v16 =	vshrl.u32 v27, $0x3;
	v27 =	vld [tilespmem:s9+$0x60];
	v19 =	vshll.u32 v20, v1;
	v20 =	vmul.f32 v28, v6;
	[tilespmem:s8+$0xB0] =	vst v24  }
0x1a1: {  	v17 =	vshll.u32 v17, v1;
	v21 =	vshll.u32 v21, v1;
	v24 =	vmul.f32 v29, v13;
	v28 =	vld [tilespmem:s9+$0xA0];
	[tilespmem:s8+$0x110] =	vst v18  }
0x1a2: {  	v61 =	vadd.s32 $0x2, v17;
	v60 =	vshll.u32 v16, v1;
	[tilespmem:s8+$0xFFFFFEE0] =	vst v20;
	v16 =	vmul.f32 v22, v12;
	v18 =	vld [tilespmem:s9+$0xF0]  }
0x1a3: {  	v29 =	vshll.u32 v23, v1;
	v62 =	vmul.f32 v25, v11;
	v22 =	vadd.s32 $0x1, v19;
	[tilespmem:s8+$0xFFFFFF30] =	vst v24;
	v19 =	vld [tilespmem:s9+$0xFFFFFF30]  }
0x1a4: {  	v23 =	vadd.s32 $0x4, v21;
	v25 =	vadd.s32 $0x3, v15;
	v20 =	vld [tilespmem:s9+$0xFFFFFF70];
	[tilespmem:s8+$0xFFFFFF80] =	vst v16;
	v63 =	vmul.f32 v26, v10  }
0x1a5: {  	v24 =	vadd.s32 $0x5, v29;
	v15 =	vbroadcast v22, $0x0;
	[tilespmem:s8+$0xFFFFFFD0] =	vst v62;
	v26 =	vmul.f32 v27, v9;
	v17 =	vld [tilespmem:s9+$0xFFFFFFB0]  }
0x1a6: {  	s17 =	simm.s32 $0x10;
	s18 =	simm.s32 $0xF;
	v22 =	vadd.s32 $0x6, v60;
	v16 =	vbroadcast v61, $0x0;
	v21 =	vld [tilespmem:s9+$0xFFFFFFF0];
	[tilespmem:s8+$0x20] =	vst v63;
	v27 =	vmul.f32 v28, v8  }
.LBB2_7:
0x1a7: {  	p1 =	slt.u32 s17, $0x48;
	v25 =	vbroadcast v25, $0x0;
	v28 =	vmov s18;
	v29 =	vld [tilespmem:s9+$0x30];
	[tilespmem:s8+$0x70] =	vst v26;
	v18 =	vmul.f32 v18, v7  }
0x1a8: {  	v23 =	vbroadcast v23, $0x0;
	v26 =	vshrl.u32 v28, $0x3;
	v19 =	vmul.f32 v19, v6;
	v28 =	vld [tilespmem:s9+$0x70];
	[tilespmem:s8+$0xC0] =	vst v27  }
0x1a9: {  	v24 =	vbroadcast v24, $0x0;
	v26 =	vshll.u32 v26, v1;
	v20 =	vmul.f32 v20, v13;
	v27 =	vld [tilespmem:s9+$0xB0];
	[tilespmem:s8+$0x120] =	vst v18  }
0x1aa: {  	v18 =	vbroadcast v22, $0x0;
	v14 =	vld.idx.msk [tilespmem:v14+s11+$0x0], $0xffff;
	v22 =	vadd.s32 $0x7, v26;
	[tilespmem:s8+$0xFFFFFEF0] =	vst v19;
	v17 =	vmul.f32 v17, v12  }
0x1ab: {  	v15 =	vld.idx.msk [tilespmem:v15+s11+$0x0], $0xffff;
	v19 =	vbroadcast v22, $0x0;
	[tilespmem:s8+$0xFFFFFF40] =	vst v20;
	v20 =	vmul.f32 v21, v11  }
0x1ac: {  	v16 =	vld.idx.msk [tilespmem:v16+s11+$0x0], $0xffff;
	[tilespmem:s8+$0xFFFFFF90] =	vst v17;
	v17 =	vmul.f32 v29, v10  }
0x1ad: {  	v21 =	vld.idx.msk [tilespmem:v25+s11+$0x0], $0xffff;
	[tilespmem:s8+$0xFFFFFFE0] =	vst v20;
	v20 =	vmul.f32 v28, v9  }
0x1ae: {  	v22 =	vld.idx.msk [tilespmem:v23+s11+$0x0], $0xffff;
	[tilespmem:s8+$0x30] =	vst v17;
	v17 =	vmul.f32 v27, v8  }
0x1af: {  	v23 =	vld.idx.msk [tilespmem:v24+s11+$0x0], $0xffff;
	[tilespmem:s8+$0x80] =	vst v20  }
0x1b0: {  	v18 =	vld.idx.msk [tilespmem:v18+s11+$0x0], $0xffff;
	[tilespmem:s8+$0xD0] =	vst v17  }
0x1b1: {  	s9 =	sadd.s32 $0x200, s9;
	v17 =	vld.idx.msk [tilespmem:v19+s11+$0x0], $0xffff;
	[tilespmem:s8+$0xFFFFFF50] =	vst v13;
	v13 =	vmov v15  }
0x1b2: {  	v15 =	vld [tilespmem:s9+$0xC0];
	[tilespmem:s8+$0xFFFFFFA0] =	vst v12;
	v12 =	vmov v16  }
0x1b3: {  	v16 =	vld [tilespmem:s9+$0xFFFFFF00];
	[tilespmem:s8+$0xFFFFFFF0] =	vst v11;
	v11 =	vmov v21  }
0x1b4: {  	v19 =	vld [tilespmem:s9+$0xFFFFFF40];
	[tilespmem:s8+$0x40] =	vst v10;
	v10 =	vmov v22  }
0x1b5: {  	v20 =	vld [tilespmem:s9+$0xFFFFFF80];
	[tilespmem:s8+$0x90] =	vst v9;
	v9 =	vmov v23  }
0x1b6: {  	v21 =	vld [tilespmem:s9+$0xFFFFFFC0];
	[tilespmem:s8+$0xE0] =	vst v8;
	v8 =	vmov v18  }
0x1b7: {  	v18 =	vld [tilespmem:s9+$0x0];
	v15 =	vmul.f32 v15, v17;
	[tilespmem:s8+$0x130] =	vst v7;
	v7 =	vmov v17  }
0x1b8: {  	v16 =	vmul.f32 v16, v14;
	v17 =	vld [tilespmem:s9+$0x40];
	[tilespmem:s8+$0xFFFFFF00] =	vst v6;
	s8 =	sadd.s32 $0x280, s8;
	v6 =	vmov v14  }
0x1b9: {  	v14 =	vmul.f32 v19, v13;
	v19 =	vld [tilespmem:s9+$0x80];
	[tilespmem:s8+$0xF0] =	vst v15  }
0x1ba: {  	[tilespmem:s8+$0xFFFFFEC0] =	vst v16;
	v15 =	vmul.f32 v20, v12;
	v16 =	vld [tilespmem:s9+$0xD0]  }
0x1bb: {  	v20 =	vld [tilespmem:s9+$0xFFFFFF10];
	[tilespmem:s8+$0xFFFFFF10] =	vst v14;
	v14 =	vmul.f32 v21, v11  }
0x1bc: {  	v21 =	vld [tilespmem:s9+$0xFFFFFF50];
	[tilespmem:s8+$0xFFFFFF60] =	vst v15;
	v15 =	vmul.f32 v18, v10  }
0x1bd: {  	v18 =	vld [tilespmem:s9+$0xFFFFFF90];
	[tilespmem:s8+$0xFFFFFFB0] =	vst v14;
	v14 =	vmul.f32 v17, v9  }
0x1be: {  	v17 =	vld [tilespmem:s9+$0xFFFFFFD0];
	[tilespmem:s8+$0x0] =	vst v15;
	v15 =	vmul.f32 v19, v8  }
0x1bf: {  	v19 =	vmov s17;
	v22 =	vld [tilespmem:s9+$0x10];
	[tilespmem:s8+$0x50] =	vst v14;
	v14 =	vmul.f32 v16, v7  }
0x1c0: {  	s18 =	sadd.s32 $0x1, s17;
	s19 =	sadd.s32 $0x2, s17;
	v16 =	vshrl.u32 v19, $0x3;
	v19 =	vmul.f32 v20, v6;
	v20 =	vld [tilespmem:s9+$0x50];
	[tilespmem:s8+$0xA0] =	vst v15  }
0x1c1: {  	v23 =	vmov s19;
	s19 =	sadd.s32 $0x4, s17;
	v15 =	vmov s18;
	s18 =	sadd.s32 $0x3, s17;
	v21 =	vmul.f32 v21, v13;
	v24 =	vld [tilespmem:s9+$0x90];
	[tilespmem:s8+$0x100] =	vst v14  }
0x1c2: {  	v25 =	vmov s19;
	s19 =	sadd.s32 $0x6, s17;
	v14 =	vmov s18;
	s18 =	sadd.s32 $0x5, s17;
	[tilespmem:s8+$0xFFFFFED0] =	vst v19;
	v18 =	vmul.f32 v18, v12;
	v19 =	vld [tilespmem:s9+$0xE0]  }
0x1c3: {  	v27 =	vmov s19;
	v26 =	vmov s18;
	v28 =	vld [tilespmem:s9+$0xFFFFFF20];
	[tilespmem:s8+$0xFFFFFF20] =	vst v21;
	v17 =	vmul.f32 v17, v11  }
0x1c4: {  	v16 =	vshll.u32 v16, v1;
	v15 =	vshrl.u32 v15, $0x3;
	v21 =	vld [tilespmem:s9+$0xFFFFFF60];
	[tilespmem:s8+$0xFFFFFF70] =	vst v18;
	v18 =	vmul.f32 v22, v10  }
0x1c5: {  	v22 =	vshrl.u32 v23, $0x3;
	v23 =	vshrl.u32 v14, $0x3;
	v29 =	vld [tilespmem:s9+$0xFFFFFFA0];
	[tilespmem:s8+$0xFFFFFFC0] =	vst v17;
	v17 =	vmul.f32 v20, v9  }
0x1c6: {  	v20 =	vshrl.u32 v25, $0x3;
	v25 =	vshrl.u32 v26, $0x3;
	v26 =	vld [tilespmem:s9+$0xFFFFFFE0];
	[tilespmem:s8+$0x10] =	vst v18;
	v18 =	vmul.f32 v24, v8  }
0x1c7: {  	v14 =	vbroadcast v16, $0x0;
	v16 =	vshrl.u32 v27, $0x3;
	v24 =	vld [tilespmem:s9+$0x20];
	[tilespmem:s8+$0x60] =	vst v17;
	v17 =	vmul.f32 v19, v7  }
0x1c8: {  	v15 =	vshll.u32 v15, v1;
	v19 =	vshll.u32 v22, v1;
	v22 =	vmul.f32 v28, v6;
	v27 =	vld [tilespmem:s9+$0x60];
	[tilespmem:s8+$0xB0] =	vst v18  }
0x1c9: {  	v23 =	vshll.u32 v23, v1;
	v20 =	vshll.u32 v20, v1;
	v21 =	vmul.f32 v21, v13;
	v28 =	vld [tilespmem:s9+$0xA0];
	[tilespmem:s8+$0x110] =	vst v17  }
.Ltmp2:
0x1ca: {  	v30 =	vshll.u32 v16, v1;
	v17 =	vshll.u32 v25, v1;
	[tilespmem:s8+$0xFFFFFEE0] =	vst v22;
	v16 =	vmul.f32 v29, v12;
	v18 =	vld [tilespmem:s9+$0xF0];
	(pc) =	sbr.rel @p1 .LBB2_7-.Ltmp2, $4  }
0x1cb: {  	v15 =	vadd.s32 $0x1, v15;
	v22 =	vadd.s32 $0x2, v19;
	v19 =	vld [tilespmem:s9+$0xFFFFFF30];
	[tilespmem:s8+$0xFFFFFF30] =	vst v21;
	v21 =	vmul.f32 v26, v11  }
0x1cc: {  	v25 =	vadd.s32 $0x3, v23;
	v23 =	vadd.s32 $0x4, v20;
	v20 =	vld [tilespmem:s9+$0xFFFFFF70];
	[tilespmem:s8+$0xFFFFFF80] =	vst v16;
	v29 =	vmul.f32 v24, v10  }
0x1cd: {  	v15 =	vbroadcast v15, $0x0;
	v24 =	vadd.s32 $0x5, v17;
	v17 =	vld [tilespmem:s9+$0xFFFFFFB0];
	[tilespmem:s8+$0xFFFFFFD0] =	vst v21;
	v26 =	vmul.f32 v27, v9  }
0x1ce: {  	s18 =	sadd.s32 $0x7, s17;
	s17 =	sadd.s32 $0x8, s17;
	v16 =	vbroadcast v22, $0x0;
	v22 =	vadd.s32 $0x6, v30;
	v21 =	vld [tilespmem:s9+$0xFFFFFFF0];
	[tilespmem:s8+$0x20] =	vst v29;
	v27 =	vmul.f32 v28, v8  }
0x1cf: {  	_ =	sdelay $0x1  }
0x1d0: {  	[tilespmem:s8+$0x70] =	vst v26  }
0x1d1: {  	v29 =	vld [tilespmem:s9+$0x30];
	[tilespmem:s8+$0xFFFFFF50] =	vst v13  }
0x1d2: {  	v28 =	vmov s18;
	v14 =	vld.idx.msk [tilespmem:v14+s11+$0x0], $0xffff;
	[tilespmem:s8+$0xFFFFFFA0] =	vst v12  }
0x1d3: {  	v18 =	vmul.f32 v18, v7;
	v15 =	vld.idx.msk [tilespmem:v15+s11+$0x0], $0xffff;
	[tilespmem:s8+$0xFFFFFFF0] =	vst v11;
	v37 =	vshrl.u32 v28, $0x3  }
0x1d4: {  	v19 =	vmul.f32 v19, v6;
	v38 =	vld [tilespmem:s9+$0x70];
	[tilespmem:s8+$0xC0] =	vst v27;
	v26 =	vshll.u32 v37, v1  }
0x1d5: {  	v25 =	vbroadcast v25, $0x0;
	v27 =	vld [tilespmem:s9+$0xB0];
	[tilespmem:s8+$0x120] =	vst v18;
	v18 =	vbroadcast v22, $0x0;
	v22 =	vadd.s32 $0x7, v26  }
0x1d6: {  	s17 =	sadd.s32 $0x200, s9;
	v16 =	vld.idx.msk [tilespmem:v16+s11+$0x0], $0xffff;
	[tilespmem:s8+$0xFFFFFEF0] =	vst v19;
	v17 =	vmul.f32 v17, v12;
	v19 =	vbroadcast v22, $0x0  }
0x1d7: {  	v23 =	vbroadcast v23, $0x0;
	[tilespmem:s8+$0x40] =	vst v10;
	v20 =	vmul.f32 v20, v13;
	v13 =	vld [tilespmem:s17+$0xC0]  }
0x1d8: {  	v24 =	vbroadcast v24, $0x0;
	v12 =	vld [tilespmem:s17+$0xFFFFFF00];
	[tilespmem:s8+$0xFFFFFF90] =	vst v17;
	v17 =	vmul.f32 v29, v10  }
0x1d9: {  	[tilespmem:s8+$0xFFFFFF40] =	vst v20;
	v20 =	vmul.f32 v21, v11;
	v11 =	vld [tilespmem:s17+$0xFFFFFF40]  }
0x1da: {  	v10 =	vld [tilespmem:s17+$0xFFFFFF80];
	[tilespmem:s8+$0x30] =	vst v17;
	v17 =	vmul.f32 v27, v8  }
0x1db: {  	v21 =	vld.idx.msk [tilespmem:v25+s11+$0x0], $0xffff  }
0x1dc: {  	[tilespmem:s8+$0xD0] =	vst v17;
	v17 =	vld.idx.msk [tilespmem:v19+s11+$0x0], $0xffff  }
0x1dd: {  	[tilespmem:s8+$0x130] =	vst v7;
	v22 =	vld.idx.msk [tilespmem:v23+s11+$0x0], $0xffff  }
0x1de: {  	[tilespmem:s8+$0x90] =	vst v9;
	v23 =	vld.idx.msk [tilespmem:v24+s11+$0x0], $0xffff  }
0x1df: {  	[tilespmem:s8+$0xFFFFFFE0] =	vst v20;
	v20 =	vmul.f32 v38, v9;
	v9 =	vld [tilespmem:s17+$0xFFFFFFC0]  }
0x1e0: {  	[tilespmem:s8+$0xE0] =	vst v8;
	v8 =	vld [tilespmem:s17+$0x0]  }
0x1e1: {  	[tilespmem:s8+$0xFFFFFF00] =	vst v6;
	v18 =	vld.idx.msk [tilespmem:v18+s11+$0x0], $0xffff;
	v13 =	vmul.f32 v13, v17  }
0x1e2: {  	s18 =	sadd.s32 $0x280, s8;
	[tilespmem:s8+$0x80] =	vst v20;
	v7 =	vmul.f32 v12, v14;
	v12 =	vld [tilespmem:s17+$0x40]  }
0x1e3: {  	v6 =	vmul.f32 v11, v15;
	v11 =	vld [tilespmem:s17+$0x80];
	[tilespmem:s18+$0xF0] =	vst v13  }
0x1e4: {  	[tilespmem:s18+$0xFFFFFEC0] =	vst v7;
	v7 =	vmul.f32 v10, v16;
	v10 =	vld [tilespmem:s17+$0xD0]  }
0x1e5: {  	[tilespmem:s18+$0xFFFFFF10] =	vst v6;
	v6 =	vmul.f32 v9, v21;
	v13 =	vld [tilespmem:s17+$0xFFFFFF10]  }
0x1e6: {  	v9 =	vld [tilespmem:s17+$0xFFFFFF50];
	[tilespmem:s18+$0xFFFFFF60] =	vst v7;
	v7 =	vmul.f32 v8, v22  }
0x1e7: {  	v8 =	vld [tilespmem:s17+$0xFFFFFF90];
	[tilespmem:s18+$0xFFFFFFB0] =	vst v6;
	v6 =	vmul.f32 v12, v23  }
0x1e8: {  	v12 =	vld [tilespmem:s17+$0xFFFFFFD0];
	[tilespmem:s18+$0x0] =	vst v7;
	v7 =	vmul.f32 v11, v18  }
0x1e9: {  	v11 =	vld [tilespmem:s17+$0x10];
	[tilespmem:s18+$0x50] =	vst v6;
	v6 =	vmul.f32 v10, v17  }
0x1ea: {  	[tilespmem:s18+$0xA0] =	vst v7;
	v10 =	vmul.f32 v13, v14;
	v13 =	vld [tilespmem:s17+$0x50]  }
0x1eb: {  	v7 =	vmul.f32 v9, v15;
	v9 =	vld [tilespmem:s17+$0x90];
	[tilespmem:s18+$0x100] =	vst v6  }
0x1ec: {  	[tilespmem:s18+$0xFFFFFED0] =	vst v10;
	v6 =	vmul.f32 v8, v16;
	v8 =	vld [tilespmem:s17+$0xE0]  }
0x1ed: {  	[tilespmem:s18+$0xFFFFFF20] =	vst v7;
	v7 =	vmul.f32 v12, v21;
	v10 =	vld [tilespmem:s17+$0xFFFFFF20]  }
0x1ee: {  	v12 =	vld [tilespmem:s17+$0xFFFFFF60];
	[tilespmem:s18+$0xFFFFFF70] =	vst v6;
	v6 =	vmul.f32 v11, v22  }
0x1ef: {  	[tilespmem:s18+$0xFFFFFFC0] =	vst v7;
	v7 =	vmul.f32 v13, v23  }
0x1f0: {  	[tilespmem:s18+$0x10] =	vst v6;
	v6 =	vmul.f32 v9, v18  }
0x1f1: {  	v13 =	vld [tilespmem:s17+$0xFFFFFFE0];
	[tilespmem:s18+$0x60] =	vst v7;
	v7 =	vmul.f32 v8, v17  }
0x1f2: {  	v11 =	vld [tilespmem:s17+$0xFFFFFFA0];
	v8 =	vmul.f32 v10, v14;
	[tilespmem:s18+$0xB0] =	vst v6  }
0x1f3: {  	v6 =	vmul.f32 v12, v15;
	[tilespmem:s18+$0x110] =	vst v7  }
0x1f4: {  	v9 =	vld [tilespmem:s17+$0x20];
	[tilespmem:s18+$0xFFFFFEE0] =	vst v8  }
0x1f5: {  	v10 =	vld [tilespmem:s17+$0x60];
	[tilespmem:s18+$0xFFFFFF30] =	vst v6  }
0x1f6: {  	v6 =	vmul.f32 v13, v21;
	v13 =	vld [tilespmem:s17+$0xFFFFFF70];
	[tilespmem:s18+$0xFFFFFF50] =	vst v15  }
0x1f7: {  	v7 =	vmul.f32 v11, v16;
	v8 =	vld [tilespmem:s17+$0xF0];
	[tilespmem:s18+$0x130] =	vst v17  }
0x1f8: {  	v11 =	vld [tilespmem:s17+$0xFFFFFF30];
	[tilespmem:s18+$0xFFFFFF00] =	vst v14  }
0x1f9: {  	v12 =	vld [tilespmem:s17+$0xA0];
	[tilespmem:s18+$0xFFFFFF80] =	vst v7  }
0x1fa: {  	[tilespmem:s18+$0xFFFFFFD0] =	vst v6  }
0x1fb: {  	v7 =	vmul.f32 v9, v22;
	v9 =	vld [tilespmem:s17+$0xFFFFFFB0];
	[tilespmem:s18+$0xFFFFFFA0] =	vst v16  }
0x1fc: {  	v6 =	vmul.f32 v10, v23;
	v10 =	vld [tilespmem:s17+$0xFFFFFFF0];
	[tilespmem:s18+$0xFFFFFFF0] =	vst v21  }
0x1fd: {  	[tilespmem:s18+$0x20] =	vst v7  }
0x1fe: {  	v7 =	vmul.f32 v12, v18;
	[tilespmem:s18+$0x70] =	vst v6  }
0x1ff: {  	v12 =	vld [tilespmem:s17+$0x30];
	[tilespmem:s18+$0x40] =	vst v22  }
0x200: {  	[tilespmem:s18+$0xC0] =	vst v7  }
0x201: {  	v6 =	vmul.f32 v8, v17;
	v8 =	vmul.f32 v11, v14;
	v11 =	vld [tilespmem:s17+$0x70];
	[tilespmem:s18+$0x90] =	vst v23  }
0x202: {  	v7 =	vmul.f32 v13, v15;
	v13 =	vld [tilespmem:s17+$0xB0];
	[tilespmem:s18+$0xE0] =	vst v18  }
0x203: {  	[tilespmem:s18+$0x120] =	vst v6  }
0x204: {  	[tilespmem:s18+$0xFFFFFEF0] =	vst v8;
	v6 =	vmul.f32 v9, v16  }
0x205: {  	[tilespmem:s18+$0xFFFFFF40] =	vst v7;
	v7 =	vmul.f32 v10, v21  }
0x206: {  	[tilespmem:s18+$0xFFFFFF90] =	vst v6;
	v6 =	vmul.f32 v12, v22  }
0x207: {  	[tilespmem:s18+$0xFFFFFFE0] =	vst v7;
	v7 =	vmul.f32 v11, v23  }
0x208: {  	[tilespmem:s18+$0x30] =	vst v6;
	v6 =	vmul.f32 v13, v18  }
0x209: {  	[tilespmem:s18+$0x80] =	vst v7  }
0x20a: {  	[tilespmem:s18+$0xD0] =	vst v6  }
0x20b: {  	[spmem:s3] =	stream.indirect.scatter.add.f32 [tilespmem:s21], [sflag:$0x3], $0x50, s14, s29, $0xb8;
	[tilespmem:$0x14A40] =	vst v63  }
0x20c: {  	_ =	swait.ge [sflag:s0], $0x1400  }
0x20d: {  	[sflag:s0] =	ssyncset.done $0x0  }
0x20e: {  	[sflag:s0] =	ssyncadd.s32 $0xFFFFEC00  }
0x20f: {  	_ =	swait.ge [sflag:s0], $0x1400  }
0x210: {  	[sflag:s0] =	ssyncset.done $0x0  }
0x211: {  	[sflag:s0] =	ssyncadd.s32 $0xFFFFEC00  }
0x212: {  	v6 =	vld [tilespmem:$0xF0]  }
0x213: {  	v7 =	vld [tilespmem:$0x100]  }
0x214: {  	v8 =	vld [tilespmem:$0x110]  }
0x215: {  	v9 =	vld [tilespmem:$0x120]  }
0x216: {  	v10 =	vld [tilespmem:$0x130]  }
0x217: {  	s19 =	sadd.s32 s25, s13;
	[tilespmem:$0x190] =	vst v6  }
0x218: {  	s8 =	smin.u32 s19, $0xFBF;
	[tilespmem:$0x1A0] =	vst v7  }
0x219: {  	s8 =	smul.u32 $0x14, s8;
	[tilespmem:$0x1B0] =	vst v8  }
0x21a: {  	[tilespmem:$0x1C0] =	vst v9  }
0x21b: {  	s9 =	simm.s32 $0x2AE0;
	s8 =	sadd.s32 s1, s8;
	s17 =	simm.s32 $0x0;
	[tilespmem:$0x1D0] =	vst v10  }
0x21c: {  	[tilespmem:s26], [sflag:$0x2] =	stream.linear.gather [hbm4b:s8+s17], $0xA0, $0x38;
	[tilespmem:$0x14A40] =	vst v63  }
0x21d: {  	v6 =	vld [tilespmem:s9+$0xF0]  }
0x21e: {  	s8 =	simm.s32 $0x3EE0;
	v7 =	vld [tilespmem:s9+$0xC0]  }
0x21f: {  	v8 =	vld [tilespmem:s8+$0xC0]  }
0x220: {  	v9 =	vld [tilespmem:s9+$0xD0]  }
0x221: {  	v10 =	vld [tilespmem:s8+$0xD0]  }
0x222: {  	v11 =	vld [tilespmem:s9+$0xE0]  }
0x223: {  	v12 =	vld [tilespmem:s8+$0xE0]  }
0x224: {  	v13 =	vld [tilespmem:s8+$0xF0]  }
0x225: {  	v14 =	vld [tilespmem:s8+$0xFFFFFF00]  }
0x226: {  	v15 =	vld [tilespmem:s9+$0xFFFFFF10]  }
0x227: {  	v18 =	vld [tilespmem:s9+$0xFFFFFF80]  }
0x228: {  	v19 =	vld [tilespmem:s8+$0xFFFFFF80]  }
0x229: {  	v20 =	vld [tilespmem:s8+$0xFFFFFFD0]  }
0x22a: {  	v21 =	vld [tilespmem:s8+$0x10]  }
0x22b: {  	v39 =	vld [tilespmem:s9+$0x80]  }
0x22c: {  	v42 =	vld [tilespmem:s9+$0xFFFFFF60]  }
0x22d: {  	v7 =	vadd.f32 v8, v7;
	v8 =	vadd.f32 v10, v9;
	v9 =	vld [tilespmem:s8+$0xFFFFFF10]  }
0x22e: {  	v10 =	vld [tilespmem:s9+$0xFFFFFF40]  }
0x22f: {  	v11 =	vadd.f32 v12, v11;
	v12 =	vld [tilespmem:s8+$0xFFFFFF40];
	v16 =	vmul.f32 $2.000000030e-01, v7;
	v17 =	vmul.f32 $2.000000030e-01, v8  }
0x230: {  	v6 =	vadd.f32 v13, v6;
	v13 =	vld [tilespmem:s9+$0xFFFFFF50]  }
0x231: {  	v7 =	vmax.f32 v7, v16;
	v8 =	vmax.f32 v8, v17;
	v16 =	vmul.f32 $2.000000030e-01, v11;
	v17 =	vld [tilespmem:s8+$0xFFFFFF50]  }
0x232: {  	v43 =	vld [tilespmem:s8+$0xFFFFFF60];
	v7 =	vmul.f32 v7, v2;
	v8 =	vmul.f32 v8, v3  }
0x233: {  	s19 =	simm.s32 $0x2;
	v30 =	vld [tilespmem:s9+$0x60];
	v9 =	vadd.f32 v9, v15;
	v11 =	vmax.f32 v11, v16;
	v16 =	vmul.f32 $2.000000030e-01, v6  }
0x234: {  	v47 =	vmov s19;
	v7 =	vadd.f32 v8, v7;
	v8 =	vmul.f32 v11, v4;
	v11 =	vld [tilespmem:s9+$0xFFFFFF90]  }
0x235: {  	v10 =	vadd.f32 v12, v10;
	v15 =	vmul.f32 $2.000000030e-01, v9;
	v6 =	vmax.f32 v6, v16;
	v16 =	vld [tilespmem:s8+$0xFFFFFF90]  }
0x236: {  	s19 =	simm.s32 $0x5;
	v12 =	vld [tilespmem:s8+$0xFFFFFFC0];
	v7 =	vadd.f32 v8, v7;
	v6 =	vmul.f32 v6, v5;
	v13 =	vadd.f32 v17, v13  }
0x237: {  	v58 =	vmov s19;
	v18 =	vadd.f32 v19, v18;
	v8 =	vld [tilespmem:s9+$0xFFFFFFC0];
	v17 =	vmul.f32 $2.000000030e-01, v10  }
0x238: {  	v9 =	vmax.f32 v9, v15;
	v6 =	vadd.f32 v6, v7;
	v7 =	vld [tilespmem:s9+$0xFFFFFFD0];
	v15 =	vmul.f32 $2.000000030e-01, v13  }
0x239: {  	v29 =	vshrl.u32 v47, $0x3;
	v19 =	vmul.f32 v9, v3;
	v9 =	vmax.f32 v10, v17;
	v10 =	vld [tilespmem:s8+$0x0]  }
0x23a: {  	s25 =	simm.s32 $0x7;
	(xrf2) =	vadd.scan.msk.f32 $0xffff, v6;
	v6 =	vld [tilespmem:s9+$0x0];
	v13 =	vmax.f32 v13, v15;
	v15 =	vmul.f32 $2.000000030e-01, v18;
	v11 =	vadd.f32 v16, v11  }
0x23b: {  	v22 =	vmov s25;
	v9 =	vmul.f32 v9, v2;
	v16 =	vld [tilespmem:s9+$0x10];
	v13 =	vmul.f32 v13, v3  }
0x23c: {  	v8 =	vadd.f32 v12, v8;
	v12 =	vld [tilespmem:s9+$0x40];
	v15 =	vmax.f32 v18, v15;
	v18 =	vmul.f32 $2.000000030e-01, v11  }
0x23d: {  	s25 =	simm.s32 $0x3;
	v13 =	vadd.f32 v13, v9;
	v9 =	vmul.f32 v15, v2;
	v15 =	vadd.f32 v20, v7;
	v20 =	vld [tilespmem:s8+$0x40]  }
0x23e: {  	v22 =	vshrl.u32 v22, $0x3;
	v49 =	vmov s25;
	v11 =	vmax.f32 v11, v18;
	v18 =	vld [tilespmem:s9+$0x50]  }
0x23f: {  	s25 =	simm.s32 $0x6;
	v22 =	vshll.u32 v22, v1;
	v7 =	vmul.f32 $2.000000030e-01, v8;
	v6 =	vadd.f32 v10, v6;
	v10 =	vld [tilespmem:s8+$0x50]  }
0x240: {  	v59 =	vmov s25;
	v28 =	vshrl.u32 v49, $0x3;
	v50 =	vld [tilespmem:s8+$0x60];
	v23 =	vmul.f32 $2.000000030e-01, v15  }
0x241: {  	v24 =	vadd.f32 v43, v42;
	v8 =	vmax.f32 v8, v7;
	v16 =	vadd.f32 v21, v16;
	v21 =	vld [tilespmem:s8+$0x80]  }
0x242: {  	v40 =	vld [tilespmem:s9+$0x90];
	v7 =	vadd.s32 $0x7, v22;
	v22 =	vmul.f32 $2.000000030e-01, v6;
	v15 =	vmax.f32 v15, v23  }
0x243: {  	v8 =	vmul.f32 v8, v2;
	v12 =	vadd.f32 v20, v12;
	v20 =	vld [tilespmem:s8+$0x90];
	v15 =	vmul.f32 v15, v3  }
0x244: {  	v23 =	vmul.f32 $2.000000030e-01, v16;
	v6 =	vmax.f32 v6, v22;
	v22 =	vld [tilespmem:s9+$0xFFFFFF00];
	v10 =	vadd.f32 v10, v18  }
0x245: {  	v25 =	vadd.f32 v50, v30;
	v41 =	vmul.f32 $2.000000030e-01, v12;
	v18 =	vld [tilespmem:s9+$0xFFFFFF20];
	v8 =	vadd.f32 v15, v8  }
0x246: {  	v15 =	vmax.f32 v16, v23;
	v16 =	vld [tilespmem:s8+$0xFFFFFF20];
	v21 =	vadd.f32 v21, v39;
	v23 =	vmul.f32 $2.000000030e-01, v10  }
0x247: {  	v6 =	vmul.f32 v6, v2;
	v15 =	vmul.f32 v15, v3;
	v12 =	vmax.f32 v12, v41  }
0x248: {  	v44 =	vld [tilespmem:s9+$0xFFFFFFA0];
	v20 =	vadd.f32 v20, v40;
	v10 =	vmax.f32 v10, v23;
	v23 =	vmul.f32 $2.000000030e-01, v21  }
0x249: {  	v12 =	vmul.f32 v12, v2;
	v6 =	vadd.f32 v15, v6;
	v15 =	vld [tilespmem:s8+$0xFFFFFFA0];
	v14 =	vadd.f32 v14, v22  }
0x24a: {  	v45 =	vld [tilespmem:s9+$0xFFFFFFE0];
	v10 =	vmul.f32 v10, v3;
	v21 =	vmax.f32 v21, v23;
	v23 =	vmul.f32 $2.000000030e-01, v20  }
0x24b: {  	v16 =	vadd.f32 v16, v18;
	v46 =	vmul.f32 $2.000000030e-01, v14;
	v18 =	vmul.f32 v21, v2;
	v21 =	vld [tilespmem:s8+$0xFFFFFFE0]  }
0x24c: {  	v48 =	vld [tilespmem:s8+$0x20];
	v56 =	vmul.f32 $2.000000030e-01, v25;
	v17 =	vmov s17;
	v10 =	vadd.f32 v10, v12  }
0x24d: {  	v12 =	vmax.f32 v20, v23;
	v20 =	vld [tilespmem:s9+$0x20];
	v14 =	vmax.f32 v14, v46;
	v23 =	vmul.f32 $2.000000030e-01, v16  }
0x24e: {  	v11 =	vmul.f32 v11, v3;
	v15 =	vadd.f32 v15, v44;
	v14 =	vmul.f32 v14, v2  }
0x24f: {  	v12 =	vmul.f32 v12, v3;
	v16 =	vmax.f32 v16, v23;
	v23 =	vmul.f32 $2.000000030e-01, v24  }
0x250: {  	v51 =	vld [tilespmem:s8+$0xA0];
	v14 =	vadd.f32 v19, v14;
	v16 =	vmul.f32 v16, v4;
	v19 =	vadd.f32 v21, v45  }
0x251: {  	v12 =	vadd.f32 v12, v18;
	v21 =	vld [tilespmem:s9+$0xA0];
	v18 =	vmax.f32 v24, v23;
	v23 =	vmul.f32 $2.000000030e-01, v15  }
0x252: {  	v14 =	vadd.f32 v16, v14;
	v16 =	vld [tilespmem:s9+$0xFFFFFF30];
	v20 =	vadd.f32 v48, v20;
	v27 =	vmul.f32 $2.000000030e-01, v19  }
0x253: {  	v17 =	vshrl.u32 v17, $0x3;
	v18 =	vmul.f32 v18, v4;
	v15 =	vmax.f32 v15, v23;
	v23 =	vld [tilespmem:s8+$0xFFFFFF30]  }
0x254: {  	v53 =	vld [tilespmem:s9+$0xFFFFFF70];
	v11 =	vadd.f32 v11, v9;
	v54 =	vmul.f32 $2.000000030e-01, v20;
	v19 =	vmax.f32 v19, v27  }
0x255: {  	v13 =	vadd.f32 v18, v13;
	v15 =	vmul.f32 v15, v4;
	v18 =	vld [tilespmem:s8+$0xFFFFFF70];
	v19 =	vmul.f32 v19, v4  }
0x256: {  	v55 =	vld [tilespmem:s9+$0xFFFFFFB0];
	v17 =	vshll.u32 v17, v1;
	v20 =	vmax.f32 v20, v54;
	v21 =	vadd.f32 v51, v21  }
0x257: {  	v11 =	vadd.f32 v15, v11;
	v15 =	vld [tilespmem:s8+$0xFFFFFFB0];
	v19 =	vadd.f32 v19, v8;
	v8 =	vmul.f32 v20, v4  }
0x258: {  	v16 =	vadd.f32 v23, v16;
	v20 =	vld [tilespmem:s9+$0xFFFFFFF0];
	v23 =	vmax.f32 v25, v56;
	v57 =	vmul.f32 $2.000000030e-01, v21  }
0x259: {  	v7 =	vbroadcast v7, $0x0;
	v31 =	vadd.f32 v8, v6;
	v6 =	vld [tilespmem:s8+$0xFFFFFFF0];
	v8 =	vmul.f32 v23, v4  }
0x25a: {  	v9, _, _ =	vpop (xrf2);
	v18 =	vadd.f32 v18, v53;
	v23 =	vmul.f32 $2.000000030e-01, v16;
	v21 =	vmax.f32 v21, v57  }
0x25b: {  	v60 =	vld [tilespmem:s9+$0x30];
	v9 =	vadd.f32 $0.0e+00, v9;
	v10 =	vadd.f32 v8, v10;
	v8 =	vmul.f32 v21, v4  }
0x25c: {  	s18 =	simm.s32 $0x1;
	v15 =	vadd.f32 v15, v55;
	v16 =	vmax.f32 v16, v23;
	v21 =	vld [tilespmem:s8+$0x30];
	v23 =	vmul.f32 $2.000000030e-01, v18  }
0x25d: {  	v22 =	vmov s18;
	v16 =	vmul.f32 v16, v5;
	v8 =	vadd.f32 v8, v12;
	v12 =	vld [tilespmem:s9+$0x70]  }
0x25e: {  	s18 =	simm.s32 $0x4;
	v18 =	vmax.f32 v18, v23;
	v23 =	vld [tilespmem:s8+$0x70];
	v6 =	vadd.f32 v6, v20;
	v20 =	vmul.f32 $2.000000030e-01, v15  }
0x25f: {  	v9 =	vbroadcast v9, $0xF;
	v52 =	vmov s18;
	v16 =	vadd.f32 v16, v14;
	v14 =	vld [tilespmem:s9+$0xB0]  }
0x260: {  	v22 =	vshrl.u32 v22, $0x3;
	v18 =	vmul.f32 v18, v5;
	v15 =	vmax.f32 v15, v20;
	v20 =	vld [tilespmem:s8+$0xB0]  }
0x261: {  	[tilespmem:v7+s10+$0x0] =	vst.idx.msk $0x1, v9;
	v9 =	vshll.u32 v29, v1;
	v26 =	vshrl.u32 v52, $0x3;
	v61 =	vmul.f32 $2.000000030e-01, v6  }
0x262: {  	v21 =	vadd.f32 v21, v60;
	v18 =	vadd.f32 v18, v13;
	(xrf2) =	vadd.scan.msk.f32 $0xffff, v16;
	v13 =	vmul.f32 v15, v5  }
0x263: {  	v7 =	vshll.u32 v22, v1;
	v6 =	vmax.f32 v6, v61;
	v12 =	vadd.f32 v23, v12  }
0x264: {  	v62 =	vmul.f32 $2.000000030e-01, v21;
	v23 =	vadd.f32 v13, v11;
	v11 =	vmul.f32 v6, v5  }
0x265: {  	v25 =	vshrl.u32 v58, $0x3;
	s8 =	simm.s32 $0x2CE0;
	(xrf2) =	vadd.scan.msk.f32 $0xffff, v18;
	v63 =	vmul.f32 $2.000000030e-01, v12;
	v20 =	vadd.f32 v20, v14  }
0x266: {  	v16 =	vshll.u32 v26, v1;
	v18 =	vld [tilespmem:s8+$0xD0];
	v21 =	vmax.f32 v21, v62;
	v14 =	vadd.f32 v11, v19  }
0x267: {  	s17 =	simm.s32 $0x40E0;
	v13 =	vld [tilespmem:s8+$0xF0];
	v19 =	vmul.f32 v21, v5;
	v21 =	vmax.f32 v12, v63;
	v22 =	vmul.f32 $2.000000030e-01, v20  }
0x268: {  	v15 =	vshrl.u32 v59, $0x3;
	v6 =	vbroadcast v17, $0x0;
	v17 =	vld [tilespmem:s17+$0xC0];
	(xrf2) =	vadd.scan.msk.f32 $0xffff, v23;
	v24 =	vmul.f32 v21, v5  }
0x269: {  	v11 =	vld [tilespmem:s8+$0xC0];
	v12 =	vadd.f32 v19, v31;
	v21 =	vshll.u32 v28, v1;
	v22 =	vmax.f32 v20, v22  }
0x26a: {  	s18 =	simm.s32 $0x10;
	s9 =	simm.s32 $0x8;
	v19 =	vld [tilespmem:s17+$0xD0];
	v10 =	vadd.f32 v24, v10;
	v20 =	vshll.u32 v25, v1;
	v22 =	vmul.f32 v22, v5  }
.LBB2_9:
0x26b: {  	p1 =	slt.u32 s18, $0x48;
	v23 =	vld [tilespmem:s8+$0xE0];
	v7 =	vadd.s32 $0x1, v7;
	v9 =	vadd.s32 $0x2, v9;
	v15 =	vshll.u32 v15, v1;
	(xrf2) =	vadd.scan.msk.f32 $0xffff, v14  }
0x26c: {  	v21 =	vadd.s32 $0x3, v21;
	v16 =	vadd.s32 $0x4, v16;
	v14 =	vld [tilespmem:s17+$0xE0];
	v22 =	vadd.f32 v22, v8;
	v8, _, _ =	vpop (xrf2)  }
0x26d: {  	v20 =	vadd.s32 $0x5, v20;
	v25 =	vbroadcast v7, $0x0;
	v24 =	vld [tilespmem:s17+$0xF0];
	v8 =	vadd.f32 $0.0e+00, v8  }
0x26e: {  	v9 =	vbroadcast v9, $0x0;
	v21 =	vbroadcast v21, $0x0;
	v15 =	vadd.s32 $0x6, v15;
	v7 =	vld [tilespmem:s17+$0xFFFFFF00];
	(xrf2) =	vadd.scan.msk.f32 $0xffff, v12  }
0x26f: {  	v11 =	vadd.f32 v17, v11;
	v12 =	vld [tilespmem:s8+$0xFFFFFF10];
	v17 =	vadd.f32 v19, v18;
	v8 =	vbroadcast v8, $0xF;
	v18, _, _ =	vpop (xrf2)  }
0x270: {  	v16 =	vbroadcast v16, $0x0;
	v20 =	vbroadcast v20, $0x0;
	v19 =	vld [tilespmem:s17+$0xFFFFFF10];
	v18 =	vadd.f32 $0.0e+00, v18  }
0x271: {  	v27 =	vmul.f32 $2.000000030e-01, v11;
	v26 =	vld [tilespmem:s8+$0xFFFFFF40];
	v28 =	vmul.f32 $2.000000030e-01, v17;
	v14 =	vadd.f32 v14, v23;
	(xrf2) =	vadd.scan.msk.f32 $0xffff, v10  }
0x272: {  	v10 =	vld [tilespmem:s17+$0xFFFFFF40];
	v13 =	vadd.f32 v24, v13;
	[tilespmem:v6+s10+$0x0] =	vst.idx.msk $0x1, v8;
	v29 =	vbroadcast v18, $0xF;
	v8 =	vbroadcast v15, $0x0;
	v15, _, _ =	vpop (xrf2)  }
0x273: {  	v11 =	vmax.f32 v11, v27;
	v18 =	vld [tilespmem:s8+$0xFFFFFF50];
	v17 =	vmax.f32 v17, v28;
	v23 =	vmul.f32 $2.000000030e-01, v14  }
0x274: {  	v11 =	vmul.f32 v11, v2;
	v15 =	vadd.f32 $0.0e+00, v15;
	v24 =	vld [tilespmem:s17+$0xFFFFFF50];
	v17 =	vmul.f32 v17, v3;
	(xrf2) =	vadd.scan.msk.f32 $0xffff, v22  }
0x275: {  	v22 =	vmul.f32 $2.000000030e-01, v13;
	v12 =	vadd.f32 v19, v12;
	v19 =	vld [tilespmem:s8+$0xFFFFFF80];
	v14 =	vmax.f32 v14, v23;
	[tilespmem:v25+s10+$0x0] =	vst.idx.msk $0x1, v29;
	v6, _, _ =	vpop (xrf2)  }
0x276: {  	v23 =	vld [tilespmem:s17+$0xFFFFFF80];
	v11 =	vadd.f32 v17, v11;
	v14 =	vmul.f32 v14, v4;
	v17 =	vadd.f32 $0.0e+00, v6  }
0x277: {  	v13 =	vmax.f32 v13, v22;
	v6 =	vmul.f32 $2.000000030e-01, v12;
	v10 =	vadd.f32 v10, v26;
	v25 =	vld [tilespmem:s8+$0xFFFFFF90]  }
0x278: {  	v13 =	vmul.f32 v13, v5;
	v22 =	vld [tilespmem:s17+$0xFFFFFF90];
	v11 =	vadd.f32 v14, v11;
	v14 =	vbroadcast v15, $0xF;
	v15, _, _ =	vpop (xrf2)  }
0x279: {  	v6 =	vmax.f32 v12, v6;
	v12 =	vmul.f32 $2.000000030e-01, v10;
	v18 =	vadd.f32 v24, v18;
	v24 =	vld [tilespmem:s8+$0xFFFFFFC0]  }
0x27a: {  	v6 =	vmul.f32 v6, v3;
	v26 =	vld [tilespmem:s17+$0xFFFFFFC0];
	v11 =	vadd.f32 v13, v11;
	[tilespmem:v9+s10+$0x0] =	vst.idx.msk $0x1, v14;
	v9 =	vadd.f32 $0.0e+00, v15  }
0x27b: {  	v10 =	vmax.f32 v10, v12;
	v12 =	vmul.f32 $2.000000030e-01, v18;
	v13 =	vadd.f32 v23, v19;
	v14 =	vld [tilespmem:s8+$0xFFFFFFD0];
	v15, _, _ =	vpop (xrf2)  }
0x27c: {  	v10 =	vmul.f32 v10, v2;
	v19 =	vld [tilespmem:s17+$0xFFFFFFD0];
	(xrf2) =	vadd.scan.msk.f32 $0xffff, v11;
	v11 =	vbroadcast v17, $0xF;
	v15 =	vadd.f32 $0.0e+00, v15  }
0x27d: {  	v12 =	vmax.f32 v18, v12;
	v17 =	vmul.f32 $2.000000030e-01, v13;
	v18 =	vadd.f32 v22, v25;
	v22 =	vld [tilespmem:s8+$0x0]  }
0x27e: {  	v23 =	vmov s9;
	v12 =	vmul.f32 v12, v3;
	v25 =	vld [tilespmem:s17+$0x0];
	[tilespmem:v21+s10+$0x0] =	vst.idx.msk $0x1, v11;
	v11 =	vbroadcast v9, $0xF;
	v21, _, _ =	vpop (xrf2)  }
0x27f: {  	v13 =	vmax.f32 v13, v17;
	v17 =	vmul.f32 $2.000000030e-01, v18;
	v24 =	vadd.f32 v26, v24;
	v26 =	vld [tilespmem:s8+$0x10]  }
0x280: {  	s19 =	sadd.s32 $0x7, s9;
	v9 =	vadd.f32 v12, v10;
	v10 =	vmul.f32 v13, v2;
	v12 =	vld [tilespmem:s17+$0x10];
	[tilespmem:v16+s10+$0x0] =	vst.idx.msk $0x1, v11;
	v11 =	vadd.f32 $0.0e+00, v21  }
0x281: {  	v13 =	vmul.f32 $2.000000030e-01, v24;
	v14 =	vadd.f32 v19, v14;
	v16 =	vld [tilespmem:s8+$0x40];
	v19 =	vmov s19  }
0x282: {  	v15 =	vbroadcast v15, $0xF;
	v17 =	vmax.f32 v18, v17;
	v18 =	vld [tilespmem:s17+$0x40];
	v19 =	vshrl.u32 v19, $0x3  }
0x283: {  	v27 =	vmul.f32 $2.000000030e-01, v14;
	v22 =	vadd.f32 v25, v22;
	v25 =	vld [tilespmem:s8+$0x50];
	v19 =	vshll.u32 v19, v1  }
0x284: {  	v17 =	vmul.f32 v17, v3;
	v13 =	vmax.f32 v24, v13;
	v24 =	vld [tilespmem:s17+$0x50];
	v19 =	vadd.s32 $0x7, v19;
	[tilespmem:v20+s10+$0x0] =	vst.idx.msk $0x1, v15  }
0x285: {  	v15 =	vmul.f32 $2.000000030e-01, v22;
	v12 =	vadd.f32 v12, v26;
	v20 =	vld [tilespmem:s8+$0x80];
	v19 =	vbroadcast v19, $0x0  }
0x286: {  	v10 =	vadd.f32 v17, v10;
	v13 =	vmul.f32 v13, v2;
	v14 =	vmax.f32 v14, v27;
	v17 =	vld [tilespmem:s17+$0x80];
	v21, _, _ =	vpop (xrf2)  }
0x287: {  	v26 =	vmul.f32 $2.000000030e-01, v12;
	v16 =	vadd.f32 v18, v16;
	v18 =	vld [tilespmem:s8+$0x90];
	v21 =	vadd.f32 $0.0e+00, v21  }
0x288: {  	v11 =	vbroadcast v11, $0xF;
	v14 =	vmul.f32 v14, v3;
	v15 =	vmax.f32 v22, v15;
	v22 =	vld [tilespmem:s17+$0x90]  }
0x289: {  	v27 =	vld [tilespmem:s8+$0xFFFFFF00];
	v28 =	vmul.f32 $2.000000030e-01, v16;
	v24 =	vadd.f32 v24, v25;
	v21 =	vbroadcast v21, $0xF  }
0x28a: {  	v13 =	vadd.f32 v14, v13;
	v14 =	vmul.f32 v15, v2;
	v12 =	vmax.f32 v12, v26;
	v25 =	vld [tilespmem:s8+$0xFFFFFF20]  }
0x28b: {  	v15 =	vld [tilespmem:s17+$0xFFFFFF20];
	v16 =	vmax.f32 v16, v28;
	v26 =	vmul.f32 $2.000000030e-01, v24;
	v17 =	vadd.f32 v17, v20;
	[tilespmem:v19+s10+$0x0] =	vst.idx.msk $0x1, v21  }
0x28c: {  	v12 =	vmul.f32 v12, v3;
	v19 =	vshrl.u32 v23, $0x3;
	v20 =	vld [tilespmem:s8+$0xFFFFFF60];
	v16 =	vmul.f32 v16, v2;
	[tilespmem:v8+s10+$0x0] =	vst.idx.msk $0x1, v11  }
0x28d: {  	v8 =	vld [tilespmem:s17+$0xFFFFFF60];
	v11 =	vmax.f32 v24, v26;
	v21 =	vmul.f32 $2.000000030e-01, v17;
	v18 =	vadd.f32 v22, v18  }
0x28e: {  	s19 =	sadd.s32 $0x1, s9;
	v12 =	vadd.f32 v12, v14;
	v7 =	vadd.f32 v7, v27;
	v22 =	vld [tilespmem:s8+$0xFFFFFFA0];
	v11 =	vmul.f32 v11, v3  }
0x28f: {  	v14 =	vmov s19;
	v23 =	vld [tilespmem:s17+$0xFFFFFFA0];
	v17 =	vmax.f32 v17, v21;
	v21 =	vmul.f32 $2.000000030e-01, v18  }
0x290: {  	s19 =	sadd.s32 $0x2, s9;
	v24 =	vmul.f32 $2.000000030e-01, v7;
	v15 =	vadd.f32 v15, v25;
	v25 =	vld [tilespmem:s8+$0xFFFFFFE0];
	v17 =	vmul.f32 v17, v2  }
0x291: {  	v26 =	vmov s19;
	v11 =	vadd.f32 v11, v16;
	v27 =	vld [tilespmem:s17+$0xFFFFFFE0];
	v16 =	vmax.f32 v18, v21  }
0x292: {  	s19 =	sadd.s32 $0x3, s9;
	v7 =	vmax.f32 v7, v24;
	v18 =	vmul.f32 $2.000000030e-01, v15;
	v8 =	vadd.f32 v8, v20;
	v20 =	vld [tilespmem:s8+$0x20]  }
0x293: {  	v21 =	vmov s19;
	v16 =	vmul.f32 v16, v3;
	v7 =	vmul.f32 v7, v2;
	v24 =	vld [tilespmem:s17+$0x20]  }
0x294: {  	v15 =	vmax.f32 v15, v18;
	v18 =	vmul.f32 $2.000000030e-01, v8;
	v22 =	vadd.f32 v23, v22;
	v23 =	vld [tilespmem:s8+$0x60]  }
0x295: {  	v16 =	vadd.f32 v16, v17;
	v6 =	vadd.f32 v6, v7;
	v7 =	vmul.f32 v15, v4;
	v15 =	vld [tilespmem:s17+$0x60]  }
0x296: {  	s19 =	sadd.s32 $0x4, s9;
	v8 =	vmax.f32 v8, v18;
	v17 =	vmul.f32 $2.000000030e-01, v22;
	v18 =	vadd.f32 v27, v25;
	v25 =	vld [tilespmem:s8+$0xA0]  }
0x297: {  	v27 =	vmov s19;
	v6 =	vadd.f32 v7, v6;
	v7 =	vmul.f32 v8, v4;
	v8 =	vld [tilespmem:s17+$0xA0]  }
0x298: {  	s19 =	sadd.s32 $0x5, s9;
	v28 =	vld [tilespmem:s8+$0xFFFFFF30];
	v17 =	vmax.f32 v22, v17;
	v22 =	vmul.f32 $2.000000030e-01, v18;
	v20 =	vadd.f32 v24, v20  }
0x299: {  	v24 =	vld [tilespmem:s17+$0xFFFFFF30];
	v7 =	vadd.f32 v7, v9;
	v9 =	vmul.f32 v17, v4;
	v17 =	vmov s19  }
0x29a: {  	s19 =	sadd.s32 $0x6, s9;
	s9 =	smov.u32 s18;
	v29 =	vld [tilespmem:s8+$0xFFFFFF70];
	v18 =	vmax.f32 v18, v22;
	v22 =	vmul.f32 $2.000000030e-01, v20;
	v15 =	vadd.f32 v15, v23  }
0x29b: {  	v23 =	vld [tilespmem:s17+$0xFFFFFF70];
	v9 =	vadd.f32 v9, v10;
	v10 =	vmul.f32 v18, v4;
	v18 =	vmov s19  }
0x29c: {  	v30 =	vld [tilespmem:s8+$0xFFFFFFB0];
	v20 =	vmax.f32 v20, v22;
	v22 =	vmul.f32 $2.000000030e-01, v15;
	v8 =	vadd.f32 v8, v25  }
0x29d: {  	v19 =	vshll.u32 v19, v1;
	v25 =	vld [tilespmem:s17+$0xFFFFFFB0];
	v10 =	vadd.f32 v10, v13;
	v13 =	vmul.f32 v20, v4  }
0x29e: {  	v20 =	vadd.f32 v24, v28;
	v24 =	vld [tilespmem:s8+$0xFFFFFFF0];
	v15 =	vmax.f32 v15, v22;
	v22 =	vmul.f32 $2.000000030e-01, v8  }
0x29f: {  	v28 =	vshrl.u32 v14, $0x3;
	v14 =	vld [tilespmem:s17+$0xFFFFFFF0];
	v12 =	vadd.f32 v13, v12;
	v13 =	vmul.f32 v15, v4  }
0x2a0: {  	v15 =	vmul.f32 $2.000000030e-01, v20;
	v23 =	vadd.f32 v23, v29;
	v29 =	vld [tilespmem:s8+$0x30];
	v8 =	vmax.f32 v8, v22  }
0x2a1: {  	v22 =	vshrl.u32 v26, $0x3;
	v26 =	vld [tilespmem:s17+$0x30];
	v31 =	vadd.f32 v13, v11;
	v8 =	vmul.f32 v8, v4  }
0x2a2: {  	v11 =	vmax.f32 v20, v15;
	v13 =	vmul.f32 $2.000000030e-01, v23;
	v15 =	vadd.f32 v25, v30;
	v20 =	vld [tilespmem:s8+$0x70]  }
0x2a3: {  	v21 =	vshrl.u32 v21, $0x3;
	v11 =	vmul.f32 v11, v5;
	v25 =	vld [tilespmem:s17+$0x70];
	v8 =	vadd.f32 v8, v16  }
0x2a4: {  	v13 =	vmax.f32 v23, v13;
	v16 =	vmul.f32 $2.000000030e-01, v15;
	v14 =	vadd.f32 v14, v24;
	v23 =	vld [tilespmem:s8+$0xB0]  }
0x2a5: {  	v24 =	vshrl.u32 v27, $0x3;
	v6 =	vadd.f32 v11, v6;
	v11 =	vmul.f32 v13, v5;
	v13 =	vld [tilespmem:s17+$0xB0]  }
0x2a6: {  	v15 =	vmax.f32 v15, v16;
	v16 =	vmul.f32 $2.000000030e-01, v14;
	v26 =	vadd.f32 v26, v29  }
0x2a7: {  	v27 =	vshrl.u32 v17, $0x3;
	v7 =	vadd.f32 v11, v7;
	v11 =	vmul.f32 v15, v5;
	(xrf2) =	vadd.scan.msk.f32 $0xffff, v6  }
0x2a8: {  	v6 =	vmax.f32 v14, v16;
	v14 =	vmul.f32 $2.000000030e-01, v26;
	v16 =	vadd.f32 v25, v20  }
0x2a9: {  	v15 =	vshrl.u32 v18, $0x3;
	v20 =	vadd.f32 v11, v9;
	v9 =	vmul.f32 v6, v5  }
0x2aa: {  	s8 =	sadd.s32 $0x200, s8;
	v11 =	vmax.f32 v26, v14;
	v17 =	vmul.f32 $2.000000030e-01, v16;
	v23 =	vadd.f32 v13, v23;
	(xrf2) =	vadd.scan.msk.f32 $0xffff, v7  }
.Ltmp3:
0x2ab: {  	v6 =	vbroadcast v19, $0x0;
	v13 =	vld [tilespmem:s8+$0xF0];
	v14 =	vadd.f32 v9, v10;
	v10 =	vmul.f32 v11, v5;
	(pc) =	sbr.rel @p1 .LBB2_9-.Ltmp3, $4  }
0x2ac: {  	s17 =	sadd.s32 $0x200, s17;
	v7 =	vshll.u32 v28, v1;
	v11 =	vld [tilespmem:s8+$0xC0];
	v16 =	vmax.f32 v16, v17;
	v19 =	vmul.f32 $2.000000030e-01, v23  }
0x2ad: {  	v9 =	vshll.u32 v22, v1;
	v17 =	vld [tilespmem:s17+$0xC0];
	v12 =	vadd.f32 v10, v12;
	v10 =	vmul.f32 v16, v5;
	(xrf2) =	vadd.scan.msk.f32 $0xffff, v20  }
0x2ae: {  	v21 =	vshll.u32 v21, v1;
	v16 =	vshll.u32 v24, v1;
	v18 =	vld [tilespmem:s8+$0xD0];
	v22 =	vmax.f32 v23, v19  }
0x2af: {  	s18 =	sadd.s32 $0x8, s18;
	v20 =	vshll.u32 v27, v1;
	v19 =	vld [tilespmem:s17+$0xD0];
	v10 =	vadd.f32 v10, v31;
	v22 =	vmul.f32 v22, v5  }
0x2b0: {  	v23 =	vld [tilespmem:s8+$0xE0]  }
0x2b1: {  	v24 =	vld [tilespmem:s17+$0xE0]  }
0x2b2: {  	v25 =	vld [tilespmem:s17+$0xF0]  }
0x2b3: {  	v26 =	vld [tilespmem:s17+$0xFFFFFF00]  }
0x2b4: {  	v27 =	vld [tilespmem:s8+$0xFFFFFF10]  }
0x2b5: {  	v28 =	vld [tilespmem:s17+$0xFFFFFF10]  }
0x2b6: {  	v29 =	vld [tilespmem:s8+$0xFFFFFF40]  }
0x2b7: {  	v30 =	vld [tilespmem:s17+$0xFFFFFF40]  }
0x2b8: {  	v31 =	vld [tilespmem:s8+$0xFFFFFF50]  }
0x2b9: {  	v32 =	vld [tilespmem:s17+$0xFFFFFF50]  }
0x2ba: {  	v34 =	vld [tilespmem:s8+$0xFFFFFF80]  }
0x2bb: {  	v36 =	vld [tilespmem:s17+$0xFFFFFF80]  }
0x2bc: {  	v48 =	vld [tilespmem:s8+$0xFFFFFFD0]  }
0x2bd: {  	v7 =	vadd.s32 $0x1, v7;
	v33 =	vadd.s32 $0x2, v9;
	v49 =	vld [tilespmem:s17+$0xFFFFFFD0]  }
0x2be: {  	v15 =	vshll.u32 v15, v1;
	v21 =	vadd.s32 $0x3, v21;
	v35 =	vadd.s32 $0x4, v16;
	v52 =	vld [tilespmem:s8+$0x10];
	v9, _, _ =	vpop (xrf2)  }
0x2bf: {  	v62 =	vld [tilespmem:s8+$0x90];
	v16 =	vadd.f32 v22, v8;
	v8 =	vbroadcast v33, $0x0;
	(xrf2) =	vadd.scan.msk.f32 $0xffff, v14;
	v22 =	vadd.f32 $0.0e+00, v9  }
0x2c0: {  	v44 =	vld [tilespmem:s17+$0x90];
	v9 =	vbroadcast v7, $0x0;
	v37 =	vadd.f32 v17, v11;
	v17 =	vadd.s32 $0x6, v15;
	(xrf2) =	vadd.scan.msk.f32 $0xffff, v12  }
0x2c1: {  	v20 =	vadd.s32 $0x5, v20;
	v54 =	vld [tilespmem:s17+$0x10];
	v7 =	vbroadcast v21, $0x0;
	(xrf2) =	vadd.scan.msk.f32 $0xffff, v10;
	v10 =	vbroadcast v17, $0x0  }
0x2c2: {  	v21 =	vld [tilespmem:s17+$0xFFFFFF90];
	v18 =	vadd.f32 v19, v18;
	v45 =	vmul.f32 $2.000000030e-01, v37;
	v23 =	vadd.f32 v24, v23  }
0x2c3: {  	v15 =	vld [tilespmem:s17+$0xFFFFFFC0];
	v11 =	vbroadcast v22, $0xF;
	v13 =	vadd.f32 v25, v13;
	v27 =	vadd.f32 v28, v27  }
0x2c4: {  	v19 =	vld [tilespmem:s8+$0xFFFFFF90];
	v53 =	vadd.f32 v36, v34;
	v58 =	vadd.f32 v49, v48;
	v38 =	vmul.f32 $2.000000030e-01, v18  }
0x2c5: {  	v24 =	vld [tilespmem:s8+$0xFFFFFFC0];
	v34 =	vadd.f32 v44, v62;
	v25 =	vmax.f32 v37, v45;
	v47 =	vmul.f32 $2.000000030e-01, v23  }
0x2c6: {  	v59 =	vld [tilespmem:s8+$0x80];
	v22, _, _ =	vpop (xrf2);
	v28 =	vmul.f32 $2.000000030e-01, v13;
	v51 =	vmul.f32 $2.000000030e-01, v27;
	v46 =	vmax.f32 v18, v38  }
0x2c7: {  	v61 =	vld [tilespmem:s17+$0x80];
	v18 =	vadd.f32 $0.0e+00, v22;
	v22 =	vmul.f32 v25, v2;
	v25 =	vmul.f32 v46, v3  }
0x2c8: {  	v45 =	vld [tilespmem:s8+$0xFFFFFF00];
	v23 =	vmax.f32 v23, v47;
	v13 =	vmax.f32 v13, v28;
	v28 =	vadd.f32 v32, v31  }
0x2c9: {  	v56 =	vld [tilespmem:s8+$0x40];
	v27 =	vmax.f32 v27, v51;
	v19 =	vadd.f32 v21, v19;
	v31 =	vadd.f32 v54, v52  }
0x2ca: {  	v21 =	vld [tilespmem:s17+$0x40];
	v23 =	vmul.f32 v23, v4;
	v13 =	vmul.f32 v13, v5;
	v15 =	vadd.f32 v15, v24  }
0x2cb: {  	v27 =	vmul.f32 v27, v3;
	v18 =	vbroadcast v18, $0xF;
	v22 =	vadd.f32 v25, v22  }
0x2cc: {  	v50 =	vld [tilespmem:s8+$0x0];
	v25 =	vadd.f32 v30, v29;
	v55 =	vmul.f32 $2.000000030e-01, v28;
	v57 =	vmul.f32 $2.000000030e-01, v19  }
0x2cd: {  	v29 =	vld [tilespmem:s17+$0x0];
	v30 =	vadd.f32 v61, v59;
	v26 =	vadd.f32 v26, v45;
	v60 =	vmul.f32 $2.000000030e-01, v15  }
0x2ce: {  	v22 =	vadd.f32 v23, v22;
	v23 =	vmul.f32 $2.000000030e-01, v25;
	v19 =	vmax.f32 v19, v57  }
0x2cf: {  	v19 =	vmul.f32 v19, v3;
	v15 =	vmax.f32 v15, v60;
	v21 =	vadd.f32 v21, v56  }
0x2d0: {  	v40 =	vld [tilespmem:s8+$0xFFFFFF20];
	v56 =	vmul.f32 $2.000000030e-01, v34;
	v23 =	vmax.f32 v25, v23;
	v25 =	vmul.f32 $2.000000030e-01, v53  }
0x2d1: {  	v24 =	vld [tilespmem:s17+$0x50];
	v22 =	vadd.f32 v13, v22;
	v39 =	vmul.f32 v15, v2;
	v15 =	vbroadcast v35, $0x0  }
0x2d2: {  	v13 =	vmul.f32 v23, v2;
	v23 =	vmax.f32 v28, v55;
	v28 =	vld [tilespmem:s8+$0x50];
	v29 =	vadd.f32 v29, v50  }
0x2d3: {  	v48 =	vld [tilespmem:s8+$0xFFFFFF60];
	v47 =	vmul.f32 $2.000000030e-01, v21;
	v32 =	vmax.f32 v34, v56;
	v23 =	vmul.f32 v23, v3  }
0x2d4: {  	v54 =	vld [tilespmem:s8+$0xFFFFFFE0];
	v25 =	vmax.f32 v53, v25;
	v53 =	vmul.f32 $2.000000030e-01, v30;
	v60 =	vmul.f32 v32, v3  }
0x2d5: {  	v50 =	vld [tilespmem:s17+$0xFFFFFF60];
	v25 =	vmul.f32 v25, v2;
	v63 =	vmul.f32 $2.000000030e-01, v29;
	v21 =	vmax.f32 v21, v47  }
0x2d6: {  	v55 =	vld [tilespmem:s17+$0xFFFFFFE0];
	v23 =	vadd.f32 v23, v13;
	v13 =	vmul.f32 $2.000000030e-01, v58;
	v30 =	vmax.f32 v30, v53  }
0x2d7: {  	v19 =	vadd.f32 v19, v25;
	v25 =	vmul.f32 $2.000000030e-01, v31;
	v24 =	vadd.f32 v24, v28;
	v28 =	vld [tilespmem:s17+$0xFFFFFF20]  }
0x2d8: {  	v42, _, _ =	vpop (xrf2);
	v51 =	vld [tilespmem:s8+$0xFFFFFFA0];
	v21 =	vmul.f32 v21, v2;
	v29 =	vmax.f32 v29, v63;
	v14 =	vmul.f32 v30, v2  }
0x2d9: {  	v52 =	vld [tilespmem:s17+$0xFFFFFFA0];
	v30 =	vadd.f32 $0.0e+00, v42;
	v25 =	vmax.f32 v31, v25;
	v49 =	vmul.f32 $2.000000030e-01, v24  }
0x2da: {  	v41 =	vld [tilespmem:s17+$0xFFFFFF30];
	v13 =	vmax.f32 v58, v13;
	v29 =	vmul.f32 v29, v2;
	v25 =	vmul.f32 v25, v3  }
0x2db: {  	v44 =	vld [tilespmem:s17+$0xFFFFFF70];
	v35 =	vadd.f32 v50, v48;
	v62 =	vadd.f32 v55, v54;
	v24 =	vmax.f32 v24, v49  }
0x2dc: {  	(xrf2) =	vadd.scan.msk.f32 $0xffff, v16;
	v59 =	vld [tilespmem:s17+$0x60];
	v47, _, _ =	vpop (xrf2);
	v25 =	vadd.f32 v25, v29;
	v29 =	vmul.f32 $2.000000030e-01, v26;
	v28 =	vadd.f32 v28, v40  }
0x2dd: {  	v57 =	vld [tilespmem:s17+$0x20];
	(xrf2) =	vadd.scan.msk.f32 $0xffff, v22;
	v22 =	vadd.f32 $0.0e+00, v47;
	v46 =	vmul.f32 v13, v3;
	v24 =	vmul.f32 v24, v3  }
0x2de: {  	v58 =	vld [tilespmem:s8+$0x60];
	v31 =	vadd.f32 v52, v51;
	v26 =	vmax.f32 v26, v29;
	v29 =	vmul.f32 $2.000000030e-01, v28  }
0x2df: {  	v13 =	vbroadcast v20, $0x0;
	v30 =	vbroadcast v30, $0xF;
	v21 =	vadd.f32 v24, v21;
	v24 =	vld [tilespmem:s8+$0x20]  }
0x2e0: {  	v53 =	vld [tilespmem:s17+$0x30];
	v61 =	vmul.f32 $2.000000030e-01, v31;
	v28 =	vmax.f32 v28, v29;
	v29 =	vmul.f32 $2.000000030e-01, v35  }
0x2e1: {  	v63 =	vld [tilespmem:s17+$0xA0];
	v14 =	vadd.f32 v60, v14;
	v22 =	vbroadcast v22, $0xF;
	v26 =	vmul.f32 v26, v2  }
0x2e2: {  	v51 =	vld [tilespmem:s8+$0x30];
	v20 =	vadd.f32 v46, v39;
	v39 =	vmax.f32 v31, v61;
	v29 =	vmax.f32 v35, v29  }
0x2e3: {  	v26 =	vadd.f32 v27, v26;
	v27 =	vld [tilespmem:s8+$0xA0];
	v12 =	vmul.f32 v28, v4;
	v28 =	vmul.f32 v29, v4  }
0x2e4: {  	v40 =	vmul.f32 $2.000000030e-01, v62;
	v33 =	vadd.f32 v59, v58;
	v29 =	vld [tilespmem:s8+$0xFFFFFF30];
	v24 =	vadd.f32 v57, v24  }
0x2e5: {  	s18 =	sadd.s32 $0x7, s9;
	v12 =	vadd.f32 v12, v26;
	v26 =	vmul.f32 v39, v4;
	v23 =	vadd.f32 v28, v23;
	v28 =	vld [tilespmem:s8+$0xFFFFFF70]  }
0x2e6: {  	v31 =	vmax.f32 v62, v40;
	v46 =	vmul.f32 $2.000000030e-01, v33;
	v57 =	vmov s18  }
0x2e7: {  	v45 =	vld [tilespmem:s8+$0xFFFFFFB0];
	v43 =	vmul.f32 $2.000000030e-01, v24;
	v19 =	vadd.f32 v26, v19;
	v26 =	vmul.f32 v31, v4  }
0x2e8: {  	v32 =	vshrl.u32 v57, $0x3;
	v17 =	vadd.f32 v63, v27;
	v27 =	vld [tilespmem:s17+$0xFFFFFFB0];
	v31 =	vadd.f32 v53, v51  }
0x2e9: {  	v24 =	vmax.f32 v24, v43;
	v16 =	vadd.f32 v26, v20;
	v26 =	vmax.f32 v33, v46  }
0x2ea: {  	v49 =	vld [tilespmem:s17+$0xFFFFFFF0];
	v48 =	vmul.f32 $2.000000030e-01, v17;
	v29 =	vadd.f32 v41, v29;
	v28 =	vadd.f32 v44, v28  }
0x2eb: {  	v32 =	vshll.u32 v32, v1;
	v20 =	vmul.f32 v24, v4;
	v24 =	vld [tilespmem:s8+$0xFFFFFFF0];
	v26 =	vmul.f32 v26, v4  }
0x2ec: {  	v17 =	vmax.f32 v17, v48;
	v50 =	vmul.f32 $2.000000030e-01, v29;
	v52 =	vmul.f32 $2.000000030e-01, v28  }
0x2ed: {  	v54 =	vld [tilespmem:s8+$0x70];
	v32 =	vadd.s32 $0x7, v32;
	v27 =	vadd.f32 v27, v45;
	v17 =	vmul.f32 v17, v4  }
0x2ee: {  	v21 =	vadd.f32 v26, v21;
	v26 =	vld [tilespmem:s17+$0x70];
	v29 =	vmax.f32 v29, v50;
	v28 =	vmax.f32 v28, v52  }
0x2ef: {  	v55 =	vmul.f32 $2.000000030e-01, v27;
	v14 =	vadd.f32 v17, v14;
	v17 =	vmul.f32 v28, v5  }
0x2f0: {  	v20 =	vadd.f32 v20, v25;
	v25, _, _ =	vpop (xrf2);
	v29 =	vmul.f32 v29, v5;
	v24 =	vadd.f32 v49, v24;
	v28 =	vld [tilespmem:s8+$0xB0]  }
0x2f1: {  	v25 =	vadd.f32 $0.0e+00, v25;
	v27 =	vmax.f32 v27, v55;
	v17 =	vadd.f32 v17, v23;
	v23 =	vld [tilespmem:s17+$0xB0]  }
0x2f2: {  	v56, _, _ =	vpop (xrf2);
	v12 =	vadd.f32 v29, v12;
	v29 =	vmul.f32 $2.000000030e-01, v24;
	v27 =	vmul.f32 v27, v5  }
0x2f3: {  	v32 =	vbroadcast v32, $0x0;
	v34 =	vadd.f32 $0.0e+00, v56;
	v26 =	vadd.f32 v26, v54  }
0x2f4: {  	v25 =	vbroadcast v25, $0xF;
	v19 =	vadd.f32 v27, v19;
	v27 =	vmul.f32 $2.000000030e-01, v31  }
0x2f5: {  	v34 =	vbroadcast v34, $0xF;
	v24 =	vmax.f32 v24, v29;
	v59 =	vmul.f32 $2.000000030e-01, v26  }
0x2f6: {  	(xrf2) =	vadd.scan.msk.f32 $0xffff, v12;
	s17 =	sadd.s32 $0x2, s9;
	v24 =	vmul.f32 v24, v5;
	v29, _, _ =	vpop (xrf2);
	v27 =	vmax.f32 v31, v27;
	v23 =	vadd.f32 v23, v28  }
0x2f7: {  	s25 =	sadd.s32 $0x1, s9;
	v12 =	vmax.f32 v26, v59;
	(xrf2) =	vadd.scan.msk.f32 $0xffff, v17;
	v17 =	vmov s17;
	v29 =	vadd.f32 $0.0e+00, v29  }
0x2f8: {  	s19 =	sadd.s32 $0x4, s9;
	[tilespmem:v6+s10+$0x0] =	vst.idx.msk $0x1, v11;
	v11 =	vadd.f32 v24, v16;
	v24 =	vmov s25;
	v16 =	vmul.f32 $2.000000030e-01, v23  }
0x2f9: {  	v58, _, _ =	vpop (xrf2);
	v26 =	vmul.f32 v27, v5;
	v12 =	vmul.f32 v12, v5;
	(xrf2) =	vadd.scan.msk.f32 $0xffff, v19;
	v19 =	vmov s19  }
0x2fa: {  	v17 =	vshrl.u32 v17, $0x3;
	v33 =	vadd.f32 $0.0e+00, v58;
	v16 =	vmax.f32 v23, v16  }
0x2fb: {  	s25 =	sadd.s32 $0x5, s9;
	v28 =	vmov s9;
	v20 =	vadd.f32 v26, v20;
	(xrf2) =	vadd.scan.msk.f32 $0xffff, v11;
	v16 =	vmul.f32 v16, v5  }
0x2fc: {  	s17 =	sadd.s32 $0x6, s9;
	v29 =	vbroadcast v29, $0xF;
	v12 =	vadd.f32 v12, v21;
	v21 =	vmov s25  }
0x2fd: {  	s18 =	sadd.s32 $0x3, s9;
	v11 =	vmov s17;
	v33 =	vbroadcast v33, $0xF;
	(xrf2) =	vadd.scan.msk.f32 $0xffff, v20;
	v14 =	vadd.f32 v16, v14  }
0x2fe: {  	v6 =	vshrl.u32 v28, $0x3;
	(xrf2) =	vadd.scan.msk.f32 $0xffff, v12;
	v12 =	vshrl.u32 v19, $0x3;
	v23 =	vmov s18  }
0x2ff: {  	v20 =	vshrl.u32 v23, $0x3;
	v16 =	vshrl.u32 v24, $0x3;
	(xrf2) =	vadd.scan.msk.f32 $0xffff, v14;
	v14 =	vshll.u32 v17, v1  }
0x300: {  	[tilespmem:v9+s10+$0x0] =	vst.idx.msk $0x1, v18;
	v19 =	vshrl.u32 v21, $0x3;
	v9 =	vshll.u32 v16, v1;
	v16 =	vshll.u32 v20, v1  }
0x301: {  	v11 =	vshrl.u32 v11, $0x3;
	v6 =	vshll.u32 v6, v1;
	v17 =	vshll.u32 v19, v1  }
0x302: {  	[tilespmem:v8+s10+$0x0] =	vst.idx.msk $0x1, v30;
	v12 =	vshll.u32 v12, v1;
	v8 =	vadd.s32 $0x1, v9;
	v9 =	vadd.s32 $0x2, v14;
	v14, _, _ =	vpop (xrf2)  }
0x303: {  	[tilespmem:v7+s10+$0x0] =	vst.idx.msk $0x1, v22;
	v6 =	vbroadcast v6, $0x0;
	v12 =	vadd.s32 $0x4, v12;
	v7 =	vadd.s32 $0x3, v16;
	v16, _, _ =	vpop (xrf2)  }
0x304: {  	[tilespmem:v15+s10+$0x0] =	vst.idx.msk $0x1, v25;
	v8 =	vbroadcast v8, $0x0;
	v15 =	vadd.s32 $0x5, v17;
	v14 =	vadd.f32 $0.0e+00, v14;
	v17, _, _ =	vpop (xrf2)  }
0x305: {  	[tilespmem:v13+s10+$0x0] =	vst.idx.msk $0x1, v34;
	v9 =	vbroadcast v9, $0x0;
	v13 =	vadd.f32 $0.0e+00, v16;
	v16 =	vadd.f32 $0.0e+00, v17;
	v17, _, _ =	vpop (xrf2)  }
0x306: {  	[tilespmem:v10+s10+$0x0] =	vst.idx.msk $0x1, v29;
	v7 =	vbroadcast v7, $0x0;
	v10 =	vbroadcast v15, $0x0;
	v15 =	vadd.f32 $0.0e+00, v17  }
0x307: {  	v11 =	vshll.u32 v11, v1;
	v12 =	vbroadcast v12, $0x0;
	v14 =	vbroadcast v14, $0xF  }
0x308: {  	v11 =	vadd.s32 $0x6, v11;
	[tilespmem:v32+s10+$0x0] =	vst.idx.msk $0x1, v33;
	v13 =	vbroadcast v13, $0xF;
	v17, _, _ =	vpop (xrf2)  }
0x309: {  	[tilespmem:v6+s10+$0x0] =	vst.idx.msk $0x1, v14;
	v6 =	vbroadcast v11, $0x0;
	v11 =	vbroadcast v16, $0xF;
	v14 =	vadd.f32 $0.0e+00, v17;
	v16, _, _ =	vpop (xrf2)  }
0x30a: {  	[tilespmem:v8+s10+$0x0] =	vst.idx.msk $0x1, v13;
	v8 =	vbroadcast v15, $0xF;
	v13 =	vadd.f32 $0.0e+00, v16;
	v15, _, _ =	vpop (xrf2)  }
0x30b: {  	[tilespmem:v9+s10+$0x0] =	vst.idx.msk $0x1, v11;
	v9 =	vbroadcast v14, $0xF;
	v11 =	vadd.f32 $0.0e+00, v15  }
0x30c: {  	[tilespmem:v7+s10+$0x0] =	vst.idx.msk $0x1, v8;
	v7 =	vbroadcast v13, $0xF  }
0x30d: {  	[tilespmem:v12+s10+$0x0] =	vst.idx.msk $0x1, v9;
	v8 =	vbroadcast v11, $0xF  }
0x30e: {  	[tilespmem:v10+s10+$0x0] =	vst.idx.msk $0x1, v7  }
0x30f: {  	[tilespmem:v6+s10+$0x0] =	vst.idx.msk $0x1, v8  }
0x310: {  	v6 =	vld [tilespmem:$0x8420]  }
0x311: {  	v7 =	vld [tilespmem:$0x8430]  }
0x312: {  	v8 =	vld [tilespmem:$0x8440]  }
0x313: {  	v9 =	vld [tilespmem:$0x8450]  }
0x314: {  	v10 =	vld [tilespmem:$0x8460]  }
0x315: {  	v6 =	vmul.f32 $1.442695020e+00, v6  }
0x316: {  	v7 =	vmul.f32 $1.442695020e+00, v7  }
0x317: {  	(erf) = vpow2.f32 v6;
	v6 =	vmul.f32 $1.442695020e+00, v8  }
0x318: {  	(erf) = vpow2.f32 v7;
	v7 =	vmul.f32 $1.442695020e+00, v9  }
0x319: {  	(erf) = vpow2.f32 v6;
	v6 =	vmul.f32 $1.442695020e+00, v10  }
0x31a: {  	(erf) = vpow2.f32 v7  }
0x31b: {  	(erf) = vpow2.f32 v6  }
0x31c: {  	s25 =	simm.s32 $0x2;
	s17 =	simm.s32 $0x3  }
0x31d: {  	v8 =	vmov s25;
	s25 =	simm.s32 $0x6;
	v9 =	vmov s17  }
0x31e: {  	s19 =	simm.s32 $0x1;
	v12 =	vmov s25;
	v8 =	vshrl.u32 v8, $0x3;
	v9 =	vshrl.u32 v9, $0x3  }
0x31f: {  	s18 =	simm.s32 $0x0;
	v12 =	vshrl.u32 v12, $0x3;
	v8 =	vshll.u32 v8, v1;
	v7 =	vmov s19  }
0x320: {  	v9 =	vshll.u32 v9, v1;
	v8 =	vadd.s32 $0x2, v8;
	v6 =	vmov s18;
	v13 =	vpop (erf)  }
0x321: {  	s19 =	simm.s32 $0x5;
	v12 =	vshll.u32 v12, v1;
	v7 =	vshrl.u32 v7, $0x3;
	v6 =	vshrl.u32 v6, $0x3;
	v14 =	vpop (erf);
	[tilespmem:$0x8470] =	vst v13  }
0x322: {  	s18 =	simm.s32 $0x4;
	v11 =	vmov s19;
	v7 =	vshll.u32 v7, v1;
	v6 =	vshll.u32 v6, v1;
	v13 =	vpop (erf);
	[tilespmem:$0x8480] =	vst v14  }
0x323: {  	v10 =	vmov s18;
	v7 =	vadd.s32 $0x1, v7;
	v6 =	vbroadcast v6, $0x0;
	v14 =	vpop (erf);
	[tilespmem:$0x8490] =	vst v13  }
0x324: {  	v9 =	vadd.s32 $0x3, v9;
	v10 =	vshrl.u32 v10, $0x3;
	v7 =	vbroadcast v7, $0x0;
	[tilespmem:$0x84A0] =	vst v14;
	v13 =	vpop (erf)  }
0x325: {  	s8 =	simm.s32 @!p0 $0x4;
	v8 =	vbroadcast v8, $0x0;
	v12 =	vadd.s32 $0x6, v12;
	v10 =	vshll.u32 v10, v1;
	[tilespmem:$0x84B0] =	vst v13  }
0x326: {  	s17 =	simm.s32 $0x7;
	v11 =	vshrl.u32 v11, $0x3;
	v9 =	vbroadcast v9, $0x0;
	v10 =	vadd.s32 $0x4, v10;
	_ =	swait.ge @!p0 [sflag:s8], $0x1900  }
0x327: {  	v11 =	vshll.u32 v11, v1;
	v10 =	vbroadcast v10, $0x0;
	v13 =	vmov s17;
	[sflag:s8] =	ssyncset.done @!p0 $0x0  }
0x328: {  	v15 =	vbroadcast v12, $0x0;
	v11 =	vadd.s32 $0x5, v11;
	v13 =	vshrl.u32 v13, $0x3;
	[sflag:s8] =	ssyncadd.s32 @!p0 $0xFFFFE700  }
0x329: {  	v14 =	vbroadcast v11, $0x0;
	v11 =	vshll.u32 v13, v1;
	v6 =	vld.idx.msk [tilespmem:v6+s11+$0x0], $0xffff  }
0x32a: {  	v11 =	vadd.s32 $0x7, v11;
	v13 =	vld.idx.msk [tilespmem:v7+s11+$0x0], $0xffff  }
0x32b: {  	v7 =	vbroadcast v11, $0x0;
	v12 =	vld.idx.msk [tilespmem:v8+s11+$0x0], $0xffff  }
0x32c: {  	v11 =	vld.idx.msk [tilespmem:v9+s11+$0x0], $0xffff  }
0x32d: {  	v10 =	vld.idx.msk [tilespmem:v10+s11+$0x0], $0xffff  }
0x32e: {  	v8 =	vld.idx.msk [tilespmem:v15+s11+$0x0], $0xffff  }
0x32f: {  	s9 =	simm.s32 $0x2AE0;
	v9 =	vld.idx.msk [tilespmem:v14+s11+$0x0], $0xffff  }
0x330: {  	v14 =	vld [tilespmem:s9+$0xC0]  }
0x331: {  	v7 =	vld.idx.msk [tilespmem:v7+s11+$0x0], $0xffff  }
0x332: {  	v15 =	vld [tilespmem:s9+$0xFFFFFF00]  }
0x333: {  	v16 =	vld [tilespmem:s9+$0xFFFFFF40]  }
0x334: {  	v17 =	vld [tilespmem:s9+$0xFFFFFF80]  }
0x335: {  	v18 =	vld [tilespmem:s9+$0xFFFFFFC0]  }
0x336: {  	v19 =	vld [tilespmem:s9+$0x0];
	v14 =	vmul.f32 v14, v7  }
0x337: {  	s8 =	simm.s32 $0x6C20;
	v20 =	vld [tilespmem:s9+$0x40];
	v15 =	vmul.f32 v15, v6  }
0x338: {  	v21 =	vld [tilespmem:s9+$0x80];
	v16 =	vmul.f32 v16, v13;
	[tilespmem:s8+$0xF0] =	vst v14  }
0x339: {  	[tilespmem:s8+$0xFFFFFEC0] =	vst v15;
	v14 =	vmul.f32 v17, v12;
	v15 =	vld [tilespmem:s9+$0xD0]  }
0x33a: {  	[tilespmem:s8+$0xFFFFFF10] =	vst v16;
	v16 =	vmul.f32 v18, v11;
	v17 =	vld [tilespmem:s9+$0xFFFFFF10]  }
0x33b: {  	v18 =	vld [tilespmem:s9+$0xFFFFFF50];
	[tilespmem:s8+$0xFFFFFF60] =	vst v14;
	v14 =	vmul.f32 v19, v10  }
0x33c: {  	[tilespmem:s8+$0xFFFFFFB0] =	vst v16;
	v16 =	vmul.f32 v20, v9;
	v19 =	vld [tilespmem:s9+$0xFFFFFF90]  }
0x33d: {  	s18 =	simm.s32 $0x8;
	v20 =	vld [tilespmem:s9+$0xFFFFFFD0];
	[tilespmem:s8+$0x0] =	vst v14;
	v14 =	vmul.f32 v21, v8  }
0x33e: {  	s25 =	simm.s32 $0xA;
	[tilespmem:s8+$0x50] =	vst v16;
	v21 =	vmov s18;
	v22 =	vld [tilespmem:s9+$0x10];
	v15 =	vmul.f32 v15, v7  }
0x33f: {  	v23 =	vmov s25;
	s25 =	simm.s32 $0xC;
	v16 =	vshrl.u32 v21, $0x3;
	v17 =	vmul.f32 v17, v6;
	v21 =	vld [tilespmem:s9+$0x50];
	[tilespmem:s8+$0xA0] =	vst v14  }
0x340: {  	v25 =	vmov s25;
	s25 =	simm.s32 $0xE;
	s19 =	simm.s32 $0x9;
	v18 =	vmul.f32 v18, v13;
	v24 =	vld [tilespmem:s9+$0x90];
	[tilespmem:s8+$0x100] =	vst v15  }
0x341: {  	v27 =	vmov s25;
	v14 =	vmov s19;
	s19 =	simm.s32 $0xB;
	[tilespmem:s8+$0xFFFFFED0] =	vst v17;
	v17 =	vmul.f32 v19, v12;
	v19 =	vld [tilespmem:s9+$0xE0]  }
0x342: {  	[tilespmem:s8+$0xFFFFFF20] =	vst v18;
	v18 =	vmul.f32 v20, v11;
	v16 =	vshll.u32 v16, v1;
	v15 =	vmov s19;
	s19 =	simm.s32 $0xD;
	v28 =	vld [tilespmem:s9+$0xFFFFFF20]  }
0x343: {  	v29 =	vld [tilespmem:s9+$0xFFFFFF60];
	v20 =	vshrl.u32 v14, $0x3;
	v26 =	vmov s19;
	[tilespmem:s8+$0xFFFFFF70] =	vst v17;
	v14 =	vmul.f32 v22, v10  }
0x344: {  	[tilespmem:s8+$0xFFFFFFC0] =	vst v18;
	v15 =	vshrl.u32 v15, $0x3;
	v17 =	vshrl.u32 v23, $0x3;
	v18 =	vmul.f32 v21, v9;
	v22 =	vld [tilespmem:s9+$0xFFFFFFA0]  }
0x345: {  	v21 =	vshrl.u32 v25, $0x3;
	v23 =	vshrl.u32 v26, $0x3;
	v25 =	vld [tilespmem:s9+$0xFFFFFFE0];
	[tilespmem:s8+$0x10] =	vst v14;
	v24 =	vmul.f32 v24, v8  }
0x346: {  	v15 =	vshll.u32 v15, v1;
	v14 =	vbroadcast v16, $0x0;
	[tilespmem:s8+$0x60] =	vst v18;
	v26 =	vld [tilespmem:s9+$0x20];
	v18 =	vmul.f32 v19, v7  }
0x347: {  	v16 =	vshrl.u32 v27, $0x3;
	v27 =	vld [tilespmem:s9+$0x60];
	v19 =	vshll.u32 v20, v1;
	v20 =	vmul.f32 v28, v6;
	[tilespmem:s8+$0xB0] =	vst v24  }
0x348: {  	v17 =	vshll.u32 v17, v1;
	v21 =	vshll.u32 v21, v1;
	v24 =	vmul.f32 v29, v13;
	v28 =	vld [tilespmem:s9+$0xA0];
	[tilespmem:s8+$0x110] =	vst v18  }
0x349: {  	v61 =	vadd.s32 $0x2, v17;
	v60 =	vshll.u32 v16, v1;
	[tilespmem:s8+$0xFFFFFEE0] =	vst v20;
	v16 =	vmul.f32 v22, v12;
	v18 =	vld [tilespmem:s9+$0xF0]  }
0x34a: {  	v29 =	vshll.u32 v23, v1;
	v62 =	vmul.f32 v25, v11;
	v22 =	vadd.s32 $0x1, v19;
	[tilespmem:s8+$0xFFFFFF30] =	vst v24;
	v19 =	vld [tilespmem:s9+$0xFFFFFF30]  }
0x34b: {  	v23 =	vadd.s32 $0x4, v21;
	v25 =	vadd.s32 $0x3, v15;
	v20 =	vld [tilespmem:s9+$0xFFFFFF70];
	[tilespmem:s8+$0xFFFFFF80] =	vst v16;
	v63 =	vmul.f32 v26, v10  }
0x34c: {  	v24 =	vadd.s32 $0x5, v29;
	v15 =	vbroadcast v22, $0x0;
	[tilespmem:s8+$0xFFFFFFD0] =	vst v62;
	v26 =	vmul.f32 v27, v9;
	v17 =	vld [tilespmem:s9+$0xFFFFFFB0]  }
0x34d: {  	s17 =	simm.s32 $0x10;
	s18 =	simm.s32 $0xF;
	v22 =	vadd.s32 $0x6, v60;
	v16 =	vbroadcast v61, $0x0;
	v21 =	vld [tilespmem:s9+$0xFFFFFFF0];
	[tilespmem:s8+$0x20] =	vst v63;
	v27 =	vmul.f32 v28, v8  }
.LBB2_11:
0x34e: {  	p0 =	slt.u32 s17, $0x48;
	v25 =	vbroadcast v25, $0x0;
	v28 =	vmov s18;
	v29 =	vld [tilespmem:s9+$0x30];
	[tilespmem:s8+$0x70] =	vst v26;
	v18 =	vmul.f32 v18, v7  }
0x34f: {  	v23 =	vbroadcast v23, $0x0;
	v26 =	vshrl.u32 v28, $0x3;
	v19 =	vmul.f32 v19, v6;
	v28 =	vld [tilespmem:s9+$0x70];
	[tilespmem:s8+$0xC0] =	vst v27  }
0x350: {  	v24 =	vbroadcast v24, $0x0;
	v26 =	vshll.u32 v26, v1;
	v20 =	vmul.f32 v20, v13;
	v27 =	vld [tilespmem:s9+$0xB0];
	[tilespmem:s8+$0x120] =	vst v18  }
0x351: {  	v18 =	vbroadcast v22, $0x0;
	v14 =	vld.idx.msk [tilespmem:v14+s11+$0x0], $0xffff;
	v22 =	vadd.s32 $0x7, v26;
	[tilespmem:s8+$0xFFFFFEF0] =	vst v19;
	v17 =	vmul.f32 v17, v12  }
0x352: {  	v15 =	vld.idx.msk [tilespmem:v15+s11+$0x0], $0xffff;
	v19 =	vbroadcast v22, $0x0;
	[tilespmem:s8+$0xFFFFFF40] =	vst v20;
	v20 =	vmul.f32 v21, v11  }
0x353: {  	v16 =	vld.idx.msk [tilespmem:v16+s11+$0x0], $0xffff;
	[tilespmem:s8+$0xFFFFFF90] =	vst v17;
	v17 =	vmul.f32 v29, v10  }
0x354: {  	v21 =	vld.idx.msk [tilespmem:v25+s11+$0x0], $0xffff;
	[tilespmem:s8+$0xFFFFFFE0] =	vst v20;
	v20 =	vmul.f32 v28, v9  }
0x355: {  	v22 =	vld.idx.msk [tilespmem:v23+s11+$0x0], $0xffff;
	[tilespmem:s8+$0x30] =	vst v17;
	v17 =	vmul.f32 v27, v8  }
0x356: {  	v23 =	vld.idx.msk [tilespmem:v24+s11+$0x0], $0xffff;
	[tilespmem:s8+$0x80] =	vst v20  }
0x357: {  	v18 =	vld.idx.msk [tilespmem:v18+s11+$0x0], $0xffff;
	[tilespmem:s8+$0xD0] =	vst v17  }
0x358: {  	s9 =	sadd.s32 $0x200, s9;
	v17 =	vld.idx.msk [tilespmem:v19+s11+$0x0], $0xffff;
	[tilespmem:s8+$0xFFFFFF50] =	vst v13;
	v13 =	vmov v15  }
0x359: {  	v15 =	vld [tilespmem:s9+$0xC0];
	[tilespmem:s8+$0xFFFFFFA0] =	vst v12;
	v12 =	vmov v16  }
0x35a: {  	v16 =	vld [tilespmem:s9+$0xFFFFFF00];
	[tilespmem:s8+$0xFFFFFFF0] =	vst v11;
	v11 =	vmov v21  }
0x35b: {  	v19 =	vld [tilespmem:s9+$0xFFFFFF40];
	[tilespmem:s8+$0x40] =	vst v10;
	v10 =	vmov v22  }
0x35c: {  	v20 =	vld [tilespmem:s9+$0xFFFFFF80];
	[tilespmem:s8+$0x90] =	vst v9;
	v9 =	vmov v23  }
0x35d: {  	v21 =	vld [tilespmem:s9+$0xFFFFFFC0];
	[tilespmem:s8+$0xE0] =	vst v8;
	v8 =	vmov v18  }
0x35e: {  	v18 =	vld [tilespmem:s9+$0x0];
	v15 =	vmul.f32 v15, v17;
	[tilespmem:s8+$0x130] =	vst v7;
	v7 =	vmov v17  }
0x35f: {  	v16 =	vmul.f32 v16, v14;
	v17 =	vld [tilespmem:s9+$0x40];
	[tilespmem:s8+$0xFFFFFF00] =	vst v6;
	s8 =	sadd.s32 $0x280, s8;
	v6 =	vmov v14  }
0x360: {  	v14 =	vmul.f32 v19, v13;
	v19 =	vld [tilespmem:s9+$0x80];
	[tilespmem:s8+$0xF0] =	vst v15  }
0x361: {  	[tilespmem:s8+$0xFFFFFEC0] =	vst v16;
	v15 =	vmul.f32 v20, v12;
	v16 =	vld [tilespmem:s9+$0xD0]  }
0x362: {  	v20 =	vld [tilespmem:s9+$0xFFFFFF10];
	[tilespmem:s8+$0xFFFFFF10] =	vst v14;
	v14 =	vmul.f32 v21, v11  }
0x363: {  	v21 =	vld [tilespmem:s9+$0xFFFFFF50];
	[tilespmem:s8+$0xFFFFFF60] =	vst v15;
	v15 =	vmul.f32 v18, v10  }
0x364: {  	v18 =	vld [tilespmem:s9+$0xFFFFFF90];
	[tilespmem:s8+$0xFFFFFFB0] =	vst v14;
	v14 =	vmul.f32 v17, v9  }
0x365: {  	v17 =	vld [tilespmem:s9+$0xFFFFFFD0];
	[tilespmem:s8+$0x0] =	vst v15;
	v15 =	vmul.f32 v19, v8  }
0x366: {  	v19 =	vmov s17;
	v22 =	vld [tilespmem:s9+$0x10];
	[tilespmem:s8+$0x50] =	vst v14;
	v14 =	vmul.f32 v16, v7  }
0x367: {  	s18 =	sadd.s32 $0x1, s17;
	s19 =	sadd.s32 $0x2, s17;
	v16 =	vshrl.u32 v19, $0x3;
	v19 =	vmul.f32 v20, v6;
	v20 =	vld [tilespmem:s9+$0x50];
	[tilespmem:s8+$0xA0] =	vst v15  }
0x368: {  	v23 =	vmov s19;
	s19 =	sadd.s32 $0x4, s17;
	v15 =	vmov s18;
	s18 =	sadd.s32 $0x3, s17;
	v21 =	vmul.f32 v21, v13;
	v24 =	vld [tilespmem:s9+$0x90];
	[tilespmem:s8+$0x100] =	vst v14  }
0x369: {  	v25 =	vmov s19;
	s19 =	sadd.s32 $0x6, s17;
	v14 =	vmov s18;
	s18 =	sadd.s32 $0x5, s17;
	[tilespmem:s8+$0xFFFFFED0] =	vst v19;
	v18 =	vmul.f32 v18, v12;
	v19 =	vld [tilespmem:s9+$0xE0]  }
0x36a: {  	v27 =	vmov s19;
	v26 =	vmov s18;
	v28 =	vld [tilespmem:s9+$0xFFFFFF20];
	[tilespmem:s8+$0xFFFFFF20] =	vst v21;
	v17 =	vmul.f32 v17, v11  }
0x36b: {  	v16 =	vshll.u32 v16, v1;
	v15 =	vshrl.u32 v15, $0x3;
	v21 =	vld [tilespmem:s9+$0xFFFFFF60];
	[tilespmem:s8+$0xFFFFFF70] =	vst v18;
	v18 =	vmul.f32 v22, v10  }
0x36c: {  	v22 =	vshrl.u32 v23, $0x3;
	v23 =	vshrl.u32 v14, $0x3;
	v29 =	vld [tilespmem:s9+$0xFFFFFFA0];
	[tilespmem:s8+$0xFFFFFFC0] =	vst v17;
	v17 =	vmul.f32 v20, v9  }
0x36d: {  	v20 =	vshrl.u32 v25, $0x3;
	v25 =	vshrl.u32 v26, $0x3;
	v26 =	vld [tilespmem:s9+$0xFFFFFFE0];
	[tilespmem:s8+$0x10] =	vst v18;
	v18 =	vmul.f32 v24, v8  }
0x36e: {  	v14 =	vbroadcast v16, $0x0;
	v16 =	vshrl.u32 v27, $0x3;
	v24 =	vld [tilespmem:s9+$0x20];
	[tilespmem:s8+$0x60] =	vst v17;
	v17 =	vmul.f32 v19, v7  }
0x36f: {  	v15 =	vshll.u32 v15, v1;
	v19 =	vshll.u32 v22, v1;
	v22 =	vmul.f32 v28, v6;
	v27 =	vld [tilespmem:s9+$0x60];
	[tilespmem:s8+$0xB0] =	vst v18  }
0x370: {  	v23 =	vshll.u32 v23, v1;
	v20 =	vshll.u32 v20, v1;
	v21 =	vmul.f32 v21, v13;
	v28 =	vld [tilespmem:s9+$0xA0];
	[tilespmem:s8+$0x110] =	vst v17  }
.Ltmp4:
0x371: {  	v30 =	vshll.u32 v16, v1;
	v17 =	vshll.u32 v25, v1;
	[tilespmem:s8+$0xFFFFFEE0] =	vst v22;
	v16 =	vmul.f32 v29, v12;
	v18 =	vld [tilespmem:s9+$0xF0];
	(pc) =	sbr.rel @p0 .LBB2_11-.Ltmp4, $4  }
0x372: {  	v15 =	vadd.s32 $0x1, v15;
	v22 =	vadd.s32 $0x2, v19;
	v19 =	vld [tilespmem:s9+$0xFFFFFF30];
	[tilespmem:s8+$0xFFFFFF30] =	vst v21;
	v21 =	vmul.f32 v26, v11  }
0x373: {  	v25 =	vadd.s32 $0x3, v23;
	v23 =	vadd.s32 $0x4, v20;
	v20 =	vld [tilespmem:s9+$0xFFFFFF70];
	[tilespmem:s8+$0xFFFFFF80] =	vst v16;
	v29 =	vmul.f32 v24, v10  }
0x374: {  	v15 =	vbroadcast v15, $0x0;
	v24 =	vadd.s32 $0x5, v17;
	v17 =	vld [tilespmem:s9+$0xFFFFFFB0];
	[tilespmem:s8+$0xFFFFFFD0] =	vst v21;
	v26 =	vmul.f32 v27, v9  }
0x375: {  	s18 =	sadd.s32 $0x7, s17;
	s17 =	sadd.s32 $0x8, s17;
	v16 =	vbroadcast v22, $0x0;
	v22 =	vadd.s32 $0x6, v30;
	v21 =	vld [tilespmem:s9+$0xFFFFFFF0];
	[tilespmem:s8+$0x20] =	vst v29;
	v27 =	vmul.f32 v28, v8  }
0x376: {  	_ =	sdelay $0x2  }
0x377: {  	v29 =	vld [tilespmem:s9+$0x30]  }
0x378: {  	[tilespmem:s8+$0x70] =	vst v26;
	v14 =	vld.idx.msk [tilespmem:v14+s11+$0x0], $0xffff  }
0x379: {  	v15 =	vld.idx.msk [tilespmem:v15+s11+$0x0], $0xffff;
	[tilespmem:s8+$0xFFFFFF50] =	vst v13  }
0x37a: {  	[tilespmem:s8+$0xFFFFFFA0] =	vst v12;
	v58 =	vld [tilespmem:s9+$0x70]  }
0x37b: {  	s19 =	sadd.s32 $0x200, s9;
	[tilespmem:s8+$0xFFFFFFF0] =	vst v11;
	v16 =	vld.idx.msk [tilespmem:v16+s11+$0x0], $0xffff  }
0x37c: {  	v28 =	vmov s18;
	[tilespmem:s8+$0x40] =	vst v10;
	v30 =	vld [tilespmem:s19+$0xC0]  }
0x37d: {  	[tilespmem:s8+$0x130] =	vst v7;
	v57 =	vshrl.u32 v28, $0x3;
	v31 =	vld [tilespmem:s19+$0xFFFFFF00]  }
0x37e: {  	[tilespmem:s8+$0xFFFFFF00] =	vst v6;
	v32 =	vld [tilespmem:s19+$0xFFFFFF40];
	v26 =	vshll.u32 v57, v1  }
0x37f: {  	v18 =	vmul.f32 v18, v7;
	[tilespmem:s8+$0xC0] =	vst v27;
	v33 =	vld [tilespmem:s19+$0xFFFFFF80];
	v60 =	vadd.s32 $0x7, v26  }
0x380: {  	[tilespmem:s8+$0x90] =	vst v9;
	v34 =	vld [tilespmem:s19+$0xFFFFFFC0];
	v61 =	vbroadcast v60, $0x0  }
0x381: {  	v25 =	vbroadcast v25, $0x0;
	v19 =	vmul.f32 v19, v6;
	v35 =	vld [tilespmem:s19+$0x0];
	[tilespmem:s8+$0x120] =	vst v18  }
0x382: {  	v23 =	vbroadcast v23, $0x0;
	v27 =	vld [tilespmem:s9+$0xB0];
	[tilespmem:s8+$0xE0] =	vst v8;
	v7 =	vmul.f32 v31, v14  }
0x383: {  	v24 =	vbroadcast v24, $0x0;
	s25 =	sadd.s32 $0x280, s8;
	v36 =	vld [tilespmem:s19+$0x40];
	v20 =	vmul.f32 v20, v13;
	[tilespmem:s8+$0xFFFFFEF0] =	vst v19  }
0x384: {  	v59 =	vbroadcast v22, $0x0;
	v37 =	vld [tilespmem:s19+$0x80];
	v17 =	vmul.f32 v17, v12;
	[tilespmem:s25+$0xFFFFFEC0] =	vst v7  }
0x385: {  	[tilespmem:s8+$0xFFFFFF40] =	vst v20;
	v62 =	vmul.f32 v21, v11;
	v39 =	vld [tilespmem:s19+$0xFFFFFF10]  }
0x386: {  	[tilespmem:s8+$0xFFFFFF90] =	vst v17;
	v63 =	vmul.f32 v29, v10;
	v29 =	vld.idx.msk [tilespmem:v61+s11+$0x0], $0xffff  }
0x387: {  	v21 =	vld.idx.msk [tilespmem:v25+s11+$0x0], $0xffff;
	[tilespmem:s8+$0xFFFFFFE0] =	vst v62;
	v25 =	vmul.f32 v58, v9  }
0x388: {  	v26 =	vld.idx.msk [tilespmem:v23+s11+$0x0], $0xffff;
	v6 =	vmul.f32 v32, v15;
	[tilespmem:s8+$0x30] =	vst v63  }
0x389: {  	v28 =	vld.idx.msk [tilespmem:v24+s11+$0x0], $0xffff;
	[tilespmem:s8+$0x80] =	vst v25;
	v7 =	vmul.f32 v33, v16  }
0x38a: {  	v18 =	vld.idx.msk [tilespmem:v59+s11+$0x0], $0xffff;
	[tilespmem:s25+$0xFFFFFF10] =	vst v6;
	v44 =	vmul.f32 v39, v14  }
0x38b: {  	[tilespmem:s25+$0xFFFFFF60] =	vst v7;
	v13 =	vmul.f32 v30, v29  }
0x38c: {  	v40 =	vld [tilespmem:s19+$0xFFFFFF50];
	v6 =	vmul.f32 v34, v21;
	[tilespmem:s25+$0xFFFFFED0] =	vst v44  }
0x38d: {  	v7 =	vmul.f32 v35, v26;
	[tilespmem:s25+$0xF0] =	vst v13;
	v10 =	vld [tilespmem:s19+$0xFFFFFF20]  }
0x38e: {  	[tilespmem:s25+$0xFFFFFFB0] =	vst v6;
	v6 =	vmul.f32 v36, v28;
	v38 =	vld [tilespmem:s19+$0xD0]  }
0x38f: {  	[tilespmem:s25+$0x0] =	vst v7;
	v7 =	vmul.f32 v37, v18;
	v42 =	vld [tilespmem:s19+$0xFFFFFFD0]  }
0x390: {  	v27 =	vmul.f32 v27, v8;
	v41 =	vld [tilespmem:s19+$0xFFFFFF90];
	[tilespmem:s25+$0x50] =	vst v6  }
0x391: {  	[tilespmem:s25+$0xA0] =	vst v7;
	v7 =	vmul.f32 v40, v15;
	v45 =	vld [tilespmem:s19+$0x50]  }
0x392: {  	[tilespmem:s8+$0xD0] =	vst v27;
	v43 =	vld [tilespmem:s19+$0x10];
	v52 =	vmul.f32 v10, v14  }
0x393: {  	[tilespmem:s25+$0xFFFFFF20] =	vst v7;
	v6 =	vmul.f32 v38, v29  }
0x394: {  	v46 =	vld [tilespmem:s19+$0x90];
	v7 =	vmul.f32 v42, v21;
	[tilespmem:s25+$0xFFFFFEE0] =	vst v52  }
0x395: {  	[tilespmem:s25+$0x100] =	vst v6;
	v6 =	vmul.f32 v41, v16;
	v56 =	vld [tilespmem:s19+$0xFFFFFF30]  }
0x396: {  	[tilespmem:s25+$0xFFFFFFC0] =	vst v7;
	v7 =	vmul.f32 v45, v28;
	v47 =	vld [tilespmem:s19+$0xE0]  }
0x397: {  	v48 =	vld [tilespmem:s19+$0xFFFFFF60];
	[tilespmem:s25+$0xFFFFFF70] =	vst v6;
	v6 =	vmul.f32 v43, v26  }
0x398: {  	[tilespmem:s25+$0x60] =	vst v7  }
0x399: {  	[tilespmem:s25+$0x10] =	vst v6;
	v6 =	vmul.f32 v46, v18  }
0x39a: {  	[tilespmem:s25+$0xFFFFFF00] =	vst v14;
	v49 =	vld [tilespmem:s19+$0xFFFFFFA0];
	v61 =	vmul.f32 v56, v14  }
0x39b: {  	v50 =	vld [tilespmem:s19+$0xFFFFFFE0];
	v7 =	vmul.f32 v47, v29;
	[tilespmem:s25+$0xB0] =	vst v6  }
0x39c: {  	v6 =	vmul.f32 v48, v15;
	[tilespmem:s25+$0xFFFFFEF0] =	vst v61  }
0x39d: {  	v53 =	vld [tilespmem:s19+$0x60];
	[tilespmem:s25+$0x110] =	vst v7  }
0x39e: {  	v51 =	vld [tilespmem:s19+$0x20];
	[tilespmem:s25+$0xFFFFFF30] =	vst v6  }
0x39f: {  	v7 =	vmul.f32 v49, v16;
	v57 =	vld [tilespmem:s19+$0xFFFFFF70];
	[tilespmem:s25+$0xFFFFFF50] =	vst v15  }
0x3a0: {  	v6 =	vmul.f32 v50, v21;
	v55 =	vld [tilespmem:s19+$0xF0];
	[tilespmem:s25+$0x130] =	vst v29  }
0x3a1: {  	[tilespmem:s25+$0xFFFFFF80] =	vst v7  }
0x3a2: {  	v54 =	vld [tilespmem:s19+$0xA0];
	[tilespmem:s25+$0xFFFFFFD0] =	vst v6  }
0x3a3: {  	v7 =	vmul.f32 v51, v26;
	v58 =	vld [tilespmem:s19+$0xFFFFFFB0];
	[tilespmem:s25+$0xFFFFFFA0] =	vst v16  }
0x3a4: {  	v6 =	vmul.f32 v53, v28;
	v59 =	vld [tilespmem:s19+$0xFFFFFFF0];
	[tilespmem:s25+$0xFFFFFFF0] =	vst v21  }
0x3a5: {  	[tilespmem:s25+$0x20] =	vst v7  }
0x3a6: {  	[tilespmem:s25+$0x70] =	vst v6  }
0x3a7: {  	v7 =	vmul.f32 v54, v18;
	v60 =	vld [tilespmem:s19+$0x30];
	[tilespmem:s25+$0x40] =	vst v26  }
0x3a8: {  	v62 =	vld [tilespmem:s19+$0x70];
	[tilespmem:s25+$0x90] =	vst v28  }
0x3a9: {  	v6 =	vmul.f32 v55, v29;
	[tilespmem:s25+$0xC0] =	vst v7  }
0x3aa: {  	v7 =	vmul.f32 v57, v15;
	v63 =	vld [tilespmem:s19+$0xB0];
	[tilespmem:s25+$0xE0] =	vst v18  }
0x3ab: {  	[tilespmem:s25+$0x120] =	vst v6;
	v6 =	vmul.f32 v58, v16  }
0x3ac: {  	[tilespmem:s25+$0xFFFFFF40] =	vst v7;
	v7 =	vmul.f32 v59, v21  }
0x3ad: {  	[tilespmem:s25+$0xFFFFFF90] =	vst v6;
	v6 =	vmul.f32 v60, v26  }
0x3ae: {  	[tilespmem:s25+$0xFFFFFFE0] =	vst v7;
	v7 =	vmul.f32 v62, v28  }
0x3af: {  	[tilespmem:s25+$0x30] =	vst v6;
	v6 =	vmul.f32 v63, v18  }
0x3b0: {  	[tilespmem:s25+$0x80] =	vst v7  }
0x3b1: {  	s23 =	sadd.s32 $0x1, s23;
	[tilespmem:s25+$0xD0] =	vst v6  }
0x3b2: {  	[spmem:s3] =	stream.indirect.scatter.add.f32 [tilespmem:s16], [sflag:$0x4], $0x50, s15, s29, $0xb8;
	[tilespmem:$0x14A40] =	vst v63  }
0x3b3: {  	p0 =	sne.s32 s23, $0x3F;
	_ =	swait.ge [sflag:s28], $0xA0  }
.Ltmp5:
0x3b4: {  	[sflag:s28] =	ssyncset.done $0x0;
	(pc) =	sbr.rel @p0 .LBB2_4-.Ltmp5, $4  }
0x3b5: {  	[sflag:s28] =	ssyncadd.s32 $0xFFFFFF60  }
0x3b6: {  	[tilespmem:s30], [sflag:$0x1] =	stream.indirect.gather [hbm4b:s6+s29], $0x40, s4, s29, $0xb8;
	[tilespmem:$0x14A40] =	vst v63  }
0x3b7: {  	_ = 	snop  }
0x3b8: {  	[tilespmem:s31], [sflag:$0x1] =	stream.indirect.gather [hbm4b:s7+s29], $0x40, s29, s29, $0xb8;
	[tilespmem:$0x14A40] =	vst v63  }
0x3b9: {  	_ =	swait.ge [sflag:s28], $0x1400  }
0x3ba: {  	[sflag:s28] =	ssyncset.done $0x0  }
0x3bb: {  	[sflag:s28] =	ssyncadd.s32 $0xFFFFEC00  }
0x3bc: {  	_ =	swait.ge [sflag:s28], $0x1400  }
0x3bd: {  	[sflag:s28] =	ssyncset.done $0x0  }
0x3be: {  	[sflag:s28] =	ssyncadd.s32 $0xFFFFEC00  }
0x3bf: {  	_ =	swait.ge [sflag:s0], $0xA0  }
0x3c0: {  	[sflag:s0] =	ssyncset.done $0x0  }
0x3c1: {  	s8 =	simm.s32 $0x3;
	[sflag:s0] =	ssyncadd.s32 $0xFFFFFF60  }
0x3c2: {  	_ =	swait.ge [sflag:s8], $0x1900  }
0x3c3: {  	[sflag:s8] =	ssyncset.done $0x0  }
0x3c4: {  	s18 =	simm.s32 $0x4;
	[sflag:s8] =	ssyncadd.s32 $0xFFFFE700  }
0x3c5: {  	_ =	swait.ge [sflag:s18], $0x1900  }
0x3c6: {  	[sflag:s18] =	ssyncset.done $0x0  }
0x3c7: {  	[sflag:s18] =	ssyncadd.s32 $0xFFFFE700  }
0x3c8: {  	s19 =	stileid.u32;
	[bflag:$0x0] =	sbarrier.arrive $0xFFFF  }
0x3c9: {  	s8 =	sshll.u32 s19, $0x6;
	s9 =	rddreg [dreg:$0x10]  }
0x3ca: {  	s8 =	sor.u32 $0x1C05, s8;
	s17 =	rddreg [dreg:$0x11]  }
0x3cb: {  	[hbm:s9], [sflag:s8] =	dma.local [spmem:s17], $0x18B0  }
0x3cc: {  	_ =	swait.ge [sflag:s22], $0x18B0  }
0x3cd: {  	s23 =	rddreg [dreg:$0x12]  }
0x3ce: {  	s25 =	rddreg [dreg:$0x9];
	s9 =	sadd.s32 $0x1, s23  }
0x3cf: {  	p0 =	sne.s32 s9, s25  }
.Ltmp6:
0x3d0: {  	_ = 	snop;
	(pc) =	sbr.rel @p0 .LBB2_1-.Ltmp6, $3  }
0x3d1: {  	_ =	sdelay $0x1  }
0x3d2: {  	[sflag:s22] =	ssyncset.done $0x0  }
0x3d3: {  	[sflag:s22] =	ssyncadd.s32 $0xFFFFE750  }
0x3d4: {  	_ =	sfence.sel $0x180000  }
0x3d5: {  	[bflag:$0x0] =	sbarrier.arrive $0xFFFF  }
0x3d6: {  	_ =	strace $0x90000047  }
0x3d7: {  	s0 =	stileid.u32;
	[bflag:$0x2] =	sbarrier.arrive $0xFFFF  }
0x3d8: {  	p0 =	sne.s32 s0, $0x0;
	s0 =	rddreg [dreg:$0x4]  }
0x3d9: {  	s0 =	sadd.s32 @!p0 $0x100000, s0  }
0x3da: {  	[sflag:s0] =	ssyncadd.tile.s32 @!p0 $0x1;
	_ =	shalt  }
.Lfunc_end2:
_tile_overlayer_lowered:
.L_overlay_start_2:
0x3db: {  	(tag) =	ssettag $0x2  }
0x3dc: {  	s0 =	rddreg [dreg:$0x0];
	s2 =	stileid.u32  }
0x3dd: {  	s1 =	rddreg [dreg:$0x1];
	p0 =	sne.s32 s2, $0x0  }
0x3de: {  	s3 =	rddreg [dreg:$0x2];
	[bflag:$0x3] =	sbarrier.arrive $0xFFFF;
	s2 =	simm.s32 @!p0 $0x1C05  }
0x3df: {  	[timem:s3], [sflag:s2] =	dma.local @!p0 [hbm:s0], s1  }
0x3e0: {  	s0 =	simm.s32 @!p0 $0x5  }
0x3e1: {  	_ =	swait.ge @!p0 [sflag:s0], s1  }
0x3e2: {  	s1 =	ssub.s32 @!p0 $0x0, s1;
	[sflag:s0] =	ssyncset.done @!p0 $0x0  }
0x3e3: {  	[sflag:s0] =	ssyncadd.s32 @!p0 s1  }
0x3e4: {  	[bflag:$0x3] =	sbarrier.arrive $0xFFFF  }
0x3e5: {  	_ =	shalt  }

</sc_bundles>
